<compile_context>
chip_gen: v7x
topology: tpu7x:2x2x1
jax: 0.10.2.dev20260603
libtpu: 0.0.44.dev20260713+nightly
codegen_flags: <defaults>
</compile_context>

<pallas_src>
import functools
import math

import jax
import jax.numpy as jnp
from jax import lax
from jax.experimental import pallas as pl
from jax.experimental.pallas import tpu as pltpu
from jax.experimental.pallas import tpu_sc as plsc

_N = 10000
_E = 320000
_G = 100
_EMBED = 128
_HEADS = 4
_HD = 32
_NR = 32
_CUTOFF = 6.0
_NDP = 512
_OD = 9

_NCORES = 2
_NSUB = 16
_NW = _NCORES * _NSUB
_EPW = _E // _NW
_BE = 128
_NBLK = 157
_EPT = _NBLK * _BE
_EPAD = _NSUB * _EPT
_NP = 10240
_NPT = _NP // _NSUB

_BLK = 2000
_EBLK = 2048


def _sc_mesh():
    return plsc.VectorSubcoreMesh(
        core_axis_name="c", subcore_axis_name="s",
        num_cores=_NCORES, num_subcores=_NSUB)


def _d2_body(posT_h, src_h, dst_h, out_h, pos_v, src_v, dst_v, out_v, sem):
    cid = lax.axis_index("c")
    sid = lax.axis_index("s")
    wid = cid * _NSUB + sid
    base = wid * _EPW
    pltpu.sync_copy(posT_h, pos_v)
    pltpu.sync_copy(src_h.at[pl.ds(base, _EPW)], src_v)
    pltpu.sync_copy(dst_h.at[pl.ds(base, _EPW)], dst_v)
    iota16 = lax.iota(jnp.int32, 16)
    zero = jnp.full((16,), 0, jnp.int32)
    one = jnp.full((16,), 1, jnp.int32)
    two = jnp.full((16,), 2, jnp.int32)

    def body(g, _):
        s_ids = src_v[pl.ds(g * 16, 16)]
        d_ids = dst_v[pl.ds(g * 16, 16)]
        dx = (plsc.load_gather(pos_v, [zero, s_ids])
              - plsc.load_gather(pos_v, [zero, d_ids]))
        dy = (plsc.load_gather(pos_v, [one, s_ids])
              - plsc.load_gather(pos_v, [one, d_ids]))
        dz = (plsc.load_gather(pos_v, [two, s_ids])
              - plsc.load_gather(pos_v, [two, d_ids]))
        out_v[pl.ds(g * 16, 16)] = dx * dx + dy * dy + dz * dz
        return 0

    lax.fori_loop(0, _EPW // 16, body, 0)
    pltpu.sync_copy(out_v, out_h.at[pl.ds(base, _EPW)])


def _edge_d2(posT, src, dst):
    kern = pl.kernel(
        _d2_body,
        out_type=jax.ShapeDtypeStruct((_E,), jnp.float32),
        mesh=_sc_mesh(),
        scratch_types=[
            pltpu.VMEM((3, _N), jnp.float32),
            pltpu.VMEM((_EPW,), jnp.int32),
            pltpu.VMEM((_EPW,), jnp.int32),
            pltpu.VMEM((_EPW,), jnp.float32),
            pltpu.SemaphoreType.DMA,
        ],
        compiler_params=pltpu.CompilerParams(needs_layout_passes=False, use_tc_tiling_on_sc=False),
    )
    return kern(posT, src, dst)


def _edge_body(xq_h, kv_h, e_h, idx_h, out_m,
               idx_v, q_v, kv_v, e_v, m_v, zb, msg_sh, sem):
    cid = lax.axis_index("c")
    sid = lax.axis_index("s")
    zero16 = jnp.zeros((16,), jnp.float32)

    def z1(i, _):
        zb[i // 5, pl.ds((i % 5) * 16, 16)] = zero16
        return 0
    lax.fori_loop(0, 128 * 5, z1, 0)

    for t in range(5):
        pltpu.sync_copy(zb, msg_sh.at[pl.ds(sid * _NPT + t * 128, 128)])
    plsc.subcore_barrier()

    inv_sqrt = 1.0 / math.sqrt(float(_HD))
    iota16 = lax.iota(jnp.int32, 16)

    def block(blk, _):
        pltpu.async_copy(idx_h.at[sid, blk], idx_v, sem).wait()
        sa = idx_v.at[0]
        da = idx_v.at[1]
        cps = [
            pltpu.async_copy(xq_h.at[cid].at[da], q_v, sem),
            pltpu.async_copy(kv_h.at[cid].at[sa], kv_v, sem),
            pltpu.async_copy(e_h.at[cid, pl.ds(sid * _EPT + blk * _BE, _BE)],
                             e_v, sem),
        ]
        for c in cps:
            c.wait()

        def edge(i, _):
            q = [q_v[i, pl.ds(16 * t, 16)] for t in range(4)]
            k = [kv_v[i, pl.ds(16 * t, 16)] for t in range(4)]
            v = [kv_v[i, pl.ds(64 + 16 * t, 16)] for t in range(4)]
            ee = [e_v[i, pl.ds(16 * t, 16)] for t in range(4)]
            p = [q[t] * (k[t] + ee[t]) for t in range(4)]
            s0 = jnp.sum(p[0] + p[1])
            s1 = jnp.sum(p[2] + p[3])
            w0 = jnp.exp(jnp.full((16,), s0, jnp.float32) * inv_sqrt)
            w1 = jnp.exp(jnp.full((16,), s1, jnp.float32) * inv_sqrt)
            m_v[i, pl.ds(0, 16)] = w0 * (v[0] + ee[0])
            m_v[i, pl.ds(16, 16)] = w0 * (v[1] + ee[1])
            m_v[i, pl.ds(32, 16)] = w1 * (v[2] + ee[2])
            m_v[i, pl.ds(48, 16)] = w1 * (v[3] + ee[3])
            wl = (jnp.where(iota16 == cid * 2, w0, zero16)
                  + jnp.where(iota16 == cid * 2 + 1, w1, zero16))
            m_v[i, pl.ds(64, 16)] = wl
            return 0

        lax.fori_loop(0, _BE, edge, 0)
        pltpu.async_copy(m_v, msg_sh.at[da], sem, add=True).wait()
        return 0

    lax.fori_loop(0, _NBLK, block, 0)
    plsc.subcore_barrier()
    pltpu.sync_copy(msg_sh.at[pl.ds(sid * _NPT, _NPT)],
                    out_m.at[cid, pl.ds(sid * _NPT, _NPT)])


def _edge_attn(xq2, kv2, e2, idx_pack):
    kern = pl.kernel(
        _edge_body,
        out_type=jax.ShapeDtypeStruct((_NCORES, _NP, 80), jnp.float32),
        mesh=_sc_mesh(),
        scratch_types=[
            pltpu.VMEM((2, _BE), jnp.int32),
            pltpu.VMEM((_BE, 64), jnp.float32),
            pltpu.VMEM((_BE, _EMBED), jnp.float32),
            pltpu.VMEM((_BE, 64), jnp.float32),
            pltpu.VMEM((_BE, 80), jnp.float32),
            pltpu.VMEM((128, 80), jnp.float32),
            pltpu.VMEM_SHARED((_NP, 80), jnp.float32),
            pltpu.SemaphoreType.DMA,
        ],
        compiler_params=pltpu.CompilerParams(needs_layout_passes=False, use_tc_tiling_on_sc=False),
    )
    return kern(xq2, kv2, e2, idx_pack)


def _enc_body(z8, pos8, embp, wemb, wpos, binit, wq, wk, wv,
              x_o, xq_o, kv_o):
    zcol = z8[:, 0:1].astype(jnp.int32)
    ioh = lax.broadcasted_iota(jnp.int32, (_BLK, 8), 1)
    oh = (ioh == zcol).astype(jnp.float32)
    femb = jnp.dot(oh, embp[...], preferred_element_type=jnp.float32)
    x = (jnp.dot(femb, wemb[...], preferred_element_type=jnp.float32)
         + jnp.dot(pos8[...], wpos[...], preferred_element_type=jnp.float32)
         + binit[...])
    x_o[...] = x
    xq = jnp.dot(x, wq[...], preferred_element_type=jnp.float32)
    xk = jnp.dot(x, wk[...], preferred_element_type=jnp.float32)
    xv = jnp.dot(x, wv[...], preferred_element_type=jnp.float32)
    xq_o[0] = xq[:, :64]
    xq_o[1] = xq[:, 64:]
    kv_o[0] = jnp.concatenate([xk[:, :64], xv[:, :64]], axis=1)
    kv_o[1] = jnp.concatenate([xk[:, 64:], xv[:, 64:]], axis=1)


def _encoder(z8, pos8, embp, wemb, wpos, binit, wq, wk, wv):
    full = lambda s: pl.BlockSpec(s, lambda i: (0, 0))
    out = jax.ShapeDtypeStruct((_N, _EMBED), jnp.float32)
    outq = jax.ShapeDtypeStruct((2, _NP, 64), jnp.float32)
    outkv = jax.ShapeDtypeStruct((2, _NP, _EMBED), jnp.float32)
    specq = pl.BlockSpec((2, _BLK, 64), lambda i: (0, i, 0))
    speckv = pl.BlockSpec((2, _BLK, _EMBED), lambda i: (0, i, 0))
    return pl.pallas_call(
        _enc_body,
        grid=(_N // _BLK,),
        in_specs=[
            pl.BlockSpec((_BLK, 8), lambda i: (i, 0)),
            pl.BlockSpec((_BLK, 8), lambda i: (i, 0)),
            full((8, 32)), full((32, _EMBED)), full((8, _EMBED)),
            full((1, _EMBED)), full((_EMBED, _EMBED)),
            full((_EMBED, _EMBED)), full((_EMBED, _EMBED)),
        ],
        out_specs=[pl.BlockSpec((_BLK, _EMBED), lambda i: (i, 0)),
                   specq, speckv],
        out_shape=[out, outq, outkv],
    )(z8, pos8, embp, wemb, wpos, binit, wq, wk, wv)


def _e_body(d2, we, e_o):
    d = jnp.sqrt(d2[...] + 1e-12)
    width = _CUTOFF / _NR
    centers = lax.broadcasted_iota(jnp.int32, (1, _NR), 1).astype(
        jnp.float32) * (_CUTOFF / (_NR - 1))
    diff = d - centers
    rbf = jnp.exp(-(diff * diff) * (1.0 / (2.0 * width * width)))
    e = jnp.dot(rbf, we[...], preferred_element_type=jnp.float32)
    e_o[0] = e[:, :64]
    e_o[1] = e[:, 64:]


def _e_proj(d2c, we):
    return pl.pallas_call(
        _e_body,
        grid=(_EPAD // _EBLK,),
        in_specs=[
            pl.BlockSpec((_EBLK, 1), lambda i: (i, 0)),
            pl.BlockSpec((_NR, _EMBED), lambda i: (0, 0)),
        ],
        out_specs=pl.BlockSpec((2, _EBLK, 64), lambda i: (0, i, 0)),
        out_shape=jax.ShapeDtypeStruct((2, _EPAD, 64), jnp.float32),
    )(d2c, we)


def _merge_body(x, pm, wfc, bfc, g, b, wq, wk, wv,
                x_o, xq_o, kv_o):
    m = pm[...]
    msg = jnp.concatenate([m[0, :, :64], m[1, :, :64]], axis=1)
    s4 = m[0, :, 64:] + m[1, :, 64:]
    den = jnp.concatenate(
        [jnp.broadcast_to(s4[:, h:h + 1], (_BLK, _HD)) for h in range(_HEADS)],
        axis=1) + 1e-16
    msg = msg / den
    h_ = jax.nn.gelu(jnp.dot(msg, wfc[...],
                             preferred_element_type=jnp.float32) + bfc[...])
    xn = x[...] + h_
    mu = jnp.mean(xn, axis=-1, keepdims=True)
    var = jnp.mean((xn - mu) * (xn - mu), axis=-1, keepdims=True)
    xn = (xn - mu) / jnp.sqrt(var + 1e-5) * g[...] + b[...]
    x_o[...] = xn
    if wq is not None:
        xq = jnp.dot(xn, wq[...], preferred_element_type=jnp.float32)
        xk = jnp.dot(xn, wk[...], preferred_element_type=jnp.float32)
        xv = jnp.dot(xn, wv[...], preferred_element_type=jnp.float32)
        xq_o[0] = xq[:, :64]
        xq_o[1] = xq[:, 64:]
        kv_o[0] = jnp.concatenate([xk[:, :64], xv[:, :64]], axis=1)
        kv_o[1] = jnp.concatenate([xk[:, 64:], xv[:, 64:]], axis=1)


def _merge(x, pm, wfc, bfc, g, b, wq=None, wk=None, wv=None):
    full = lambda s: pl.BlockSpec(s, lambda i: (0, 0))
    out = jax.ShapeDtypeStruct((_N, _EMBED), jnp.float32)
    outq = jax.ShapeDtypeStruct((2, _NP, 64), jnp.float32)
    outkv = jax.ShapeDtypeStruct((2, _NP, _EMBED), jnp.float32)
    specq = pl.BlockSpec((2, _BLK, 64), lambda i: (0, i, 0))
    speckv = pl.BlockSpec((2, _BLK, _EMBED), lambda i: (0, i, 0))
    with_proj = wq is not None
    if with_proj:
        body = _merge_body
        args = (x, pm, wfc, bfc, g, b, wq, wk, wv)
        w_specs = [full((_EMBED, _EMBED))] * 3
        out_shapes = [out, outq, outkv]
        o_specs = [pl.BlockSpec((_BLK, _EMBED), lambda i: (i, 0)),
                   specq, speckv]
    else:
        body = lambda x, pm, wfc, bfc, g, b, x_o: _merge_body(
            x, pm, wfc, bfc, g, b, None, None, None, x_o, None, None)
        args = (x, pm, wfc, bfc, g, b)
        w_specs = []
        out_shapes = [out]
        o_specs = [pl.BlockSpec((_BLK, _EMBED), lambda i: (i, 0))]
    return pl.pallas_call(
        body,
        grid=(_N // _BLK,),
        in_specs=[
            pl.BlockSpec((_BLK, _EMBED), lambda i: (i, 0)),
            pl.BlockSpec((_NCORES, _BLK, 80), lambda i: (0, i, 0)),
            full((_EMBED, _EMBED)), full((1, _EMBED)),
            full((1, _EMBED)), full((1, _EMBED)),
        ] + w_specs,
        out_specs=o_specs,
        out_shape=out_shapes,
    )(*args)


def _dec_body(b8, x, w0, b0, w1, b1, wout, bout, out_o, gacc):
    i = pl.program_id(0)

    @pl.when(i == 0)
    def _():
        gacc[...] = jnp.zeros_like(gacc)

    bcol = b8[:, 0:1].astype(jnp.int32)
    oh = (lax.broadcasted_iota(jnp.int32, (_BLK, _EMBED), 1)
          == bcol).astype(jnp.float32)
    gacc[...] += lax.dot_general(oh, x[...], (((0,), (0,)), ((), ())),
                                 preferred_element_type=jnp.float32)

    @pl.when(i == pl.num_programs(0) - 1)
    def _():
        gemb = gacc[...]
        y = jax.nn.gelu(jnp.dot(gemb, w0[...],
                                preferred_element_type=jnp.float32) + b0[...])
        y = jax.nn.gelu(jnp.dot(y, w1[...],
                                preferred_element_type=jnp.float32) + b1[...])
        out_o[...] = jnp.dot(y, wout[...],
                             preferred_element_type=jnp.float32) + bout[...]


def _pool_decode(b8, x, w0, b0, w1, b1, wout, bout):
    full = lambda s: pl.BlockSpec(s, lambda i: (0, 0))
    odim = _OD * _NDP
    return pl.pallas_call(
        _dec_body,
        grid=(_N // _BLK,),
        in_specs=[
            pl.BlockSpec((_BLK, 8), lambda i: (i, 0)),
            pl.BlockSpec((_BLK, _EMBED), lambda i: (i, 0)),
            full((_EMBED, _EMBED)), full((1, _EMBED)),
            full((_EMBED, _EMBED)), full((1, _EMBED)),
            full((_EMBED, odim)), full((1, odim)),
        ],
        out_specs=pl.BlockSpec((_EMBED, odim), lambda i: (0, 0)),
        out_shape=jax.ShapeDtypeStruct((_EMBED, odim), jnp.float32),
        scratch_shapes=[pltpu.VMEM((_EMBED, _EMBED), jnp.float32)],
    )(b8, x, w0, b0, w1, b1, wout, bout)


@jax.jit
def _run(pos, params, z, edge_index, batch):
    src = edge_index[0]
    dst = edge_index[1]
    posT = jnp.zeros((3, _N), jnp.float32).at[:, :].set(pos.T)
    z8 = jnp.zeros((_N, 8), jnp.float32).at[:, 0].set(z.astype(jnp.float32))
    pos8 = jnp.zeros((_N, 8), jnp.float32).at[:, :3].set(pos)
    b8 = jnp.zeros((_N, 8), jnp.float32).at[:, 0].set(
        batch.astype(jnp.float32))

    embp = jnp.zeros((8, 32), jnp.float32).at[:5, :].set(params['emb'])
    w_init = params['W_init']
    wemb = w_init[:32]
    wpos = jnp.zeros((8, _EMBED), jnp.float32).at[:3, :].set(w_init[32:35])
    binit = params['b_init'].reshape(1, _EMBED)

    npad = _EPAD - _E
    src_p = jnp.concatenate([src, jnp.zeros((npad,), src.dtype)])
    dst_p = jnp.concatenate([dst, jnp.full((npad,), _N, dst.dtype)])
    idx_pack = jnp.stack([src_p.reshape(_NSUB, _NBLK, _BE),
                          dst_p.reshape(_NSUB, _NBLK, _BE)], axis=2)

    d2 = _edge_d2(posT, src, dst)
    d2c = jnp.concatenate([d2, jnp.zeros((npad,), jnp.float32)]).reshape(
        _EPAD, 1)

    c0 = params['convs'][0]
    x, xq, kv = _encoder(z8, pos8, embp, wemb, wpos, binit,
                         c0['Wq'], c0['Wk'], c0['Wv'])

    for li, c in enumerate(params['convs']):
        e = _e_proj(d2c, c['We'])
        pm = _edge_attn(xq, kv, e, idx_pack)
        g = c['g'].reshape(1, _EMBED)
        b = c['b'].reshape(1, _EMBED)
        bfc = c['bfc'].reshape(1, _EMBED)
        if li + 1 < len(params['convs']):
            cn = params['convs'][li + 1]
            x, xq, kv = _merge(x, pm, c['Wfc'], bfc, g, b,
                               cn['Wq'], cn['Wk'], cn['Wv'])
        else:
            (x,) = _merge(x, pm, c['Wfc'], bfc, g, b)

    dec = params['dec']
    out = _pool_decode(b8, x, dec['W0'], dec['b0'].reshape(1, _EMBED),
                       dec['W1'], dec['b1'].reshape(1, _EMBED),
                       dec['Wout'], dec['bout'].reshape(1, _OD * _NDP))
    return out[:_G].reshape(_NDP * _G, _OD)


def kernel(pos, params, z, edge_index, batch):
    return _run(pos, params, z, edge_index, batch)

# --- scband reference (transcript-rebuilt; emitter-appended) ---
"""Pipeline reference for scband-point-autoencoder-3212635538254 (READ-ONLY COPY).

The authoritative reference and input builder live on the scoring server;
editing this copy changes nothing except your own understanding.
"""

import jax, jax.numpy as jnp
import numpy as np

N_NODES = 10000
N_EDGES = 320000
NUM_GRAPHS = 100
EMBED = 128
HEADS = 4
HEAD_DIM = EMBED // HEADS
NUM_RADIAL = 32
CUTOFF = 6.0
NUM_CONVS = 2
NUM_CLASSES = 5
ATOM_EMB = 32
NUM_DECODER_POINTS = 512
OUTPUT_DEPTH = NUM_CLASSES + 3 + 1


def _glorot(k, shape):
    fan = shape[0] + shape[-1]
    return jax.random.normal(k, shape, jnp.float32) * jnp.sqrt(2.0 / fan)


def setup_inputs(seed: int = 0) -> dict:
    key = jax.random.key(seed)
    ks = jax.random.split(key, 40)
    z = jax.random.randint(ks[0], (N_NODES,), 0, NUM_CLASSES)
    pos = jax.random.normal(ks[1], (N_NODES, 3), jnp.float32)
    edge_index = jax.random.randint(ks[2], (2, N_EDGES), 0, N_NODES)
    batch = jnp.sort(jax.random.randint(ks[3], (N_NODES,), 0, NUM_GRAPHS))
    convs = []
    i = 4
    for _ in range(NUM_CONVS):
        convs.append({
            'Wq': _glorot(ks[i], (EMBED, EMBED)),
            'Wk': _glorot(ks[i + 1], (EMBED, EMBED)),
            'Wv': _glorot(ks[i + 2], (EMBED, EMBED)),
            'We': _glorot(ks[i + 3], (NUM_RADIAL, EMBED)),
            'Wfc': _glorot(ks[i + 4], (EMBED, EMBED)),
            'bfc': jnp.zeros((EMBED,), jnp.float32),
            'g': jnp.ones((EMBED,), jnp.float32),
            'b': jnp.zeros((EMBED,), jnp.float32),
        })
        i += 5
    params = {
        'emb': _glorot(ks[i], (NUM_CLASSES, ATOM_EMB)),
        'W_init': _glorot(ks[i + 1], (ATOM_EMB + 3, EMBED)),
        'b_init': jnp.zeros((EMBED,), jnp.float32),
        'convs': convs,
        'dec': {
            'W0': _glorot(ks[i + 2], (EMBED, EMBED)),
            'b0': jnp.zeros((EMBED,), jnp.float32),
            'W1': _glorot(ks[i + 3], (EMBED, EMBED)),
            'b1': jnp.zeros((EMBED,), jnp.float32),
            'Wout': _glorot(ks[i + 4], (EMBED, OUTPUT_DEPTH * NUM_DECODER_POINTS)),
            'bout': jnp.zeros((OUTPUT_DEPTH * NUM_DECODER_POINTS,), jnp.float32),
        },
    }
    return {'pos': pos, 'params': params, 'z': z, 'edge_index': edge_index, 'batch': batch}


def _seg_softmax(logits, seg, n):
    m = jax.ops.segment_max(logits, seg, num_segments=n)
    m = jnp.where(jnp.isfinite(m), m, 0.0)
    m = jax.lax.stop_gradient(m)
    e = jnp.exp(logits - m[seg])
    s = jax.ops.segment_sum(e, seg, num_segments=n)
    return e / (s[seg] + 1e-16)


def _ln(x, g, b):
    mu = x.mean(-1, keepdims=True)
    var = x.var(-1, keepdims=True)
    return (x - mu) / jnp.sqrt(var + 1e-5) * g + b


def _forward(pos, params, z, edge_index, batch):
    n = pos.shape[0]
    # encoder: atom-type embedding, concat cartesian pos to atom features
    feat = jnp.concatenate([params['emb'][z], pos], axis=-1)
    x = feat @ params['W_init'] + params['b_init']
    src = edge_index[0]
    dst = edge_index[1]
    # gaussian radial basis on edge distances
    d = jnp.sqrt(jnp.sum((pos[src] - pos[dst]) ** 2, axis=-1) + 1e-12)
    centers = jnp.linspace(0.0, CUTOFF, NUM_RADIAL)
    width = CUTOFF / NUM_RADIAL
    rbf = jnp.exp(-((d[:, None] - centers[None, :]) ** 2) / (2.0 * width * width))
    # TransformerConv-style graph convolutions
    for c in params['convs']:
        q = (x @ c['Wq'])[dst].reshape(-1, HEADS, HEAD_DIM)
        e = (rbf @ c['We']).reshape(-1, HEADS, HEAD_DIM)
        k_ = (x @ c['Wk'])[src].reshape(-1, HEADS, HEAD_DIM) + e
        v = (x @ c['Wv'])[src].reshape(-1, HEADS, HEAD_DIM) + e
        logits = jnp.sum(q * k_, axis=-1) / jnp.sqrt(float(HEAD_DIM))
        alpha = _seg_softmax(logits, dst, n)
        msg = jax.ops.segment_sum(alpha[:, :, None] * v, dst, num_segments=n).reshape(n, EMBED)
        h = jax.nn.gelu(msg @ c['Wfc'] + c['bfc'])
        x = _ln(x + h, c['g'], c['b'])
    # graph aggregator: sum-pool nodes per graph
    gemb = jax.ops.segment_sum(x, batch, num_segments=NUM_GRAPHS)
    # decoder MLP -> reshape to point cloud
    dec = params['dec']
    y = jax.nn.gelu(gemb @ dec['W0'] + dec['b0'])
    y = jax.nn.gelu(y @ dec['W1'] + dec['b1'])
    out = y @ dec['Wout'] + dec['bout']
    return out.reshape(NUM_DECODER_POINTS * NUM_GRAPHS, OUTPUT_DEPTH)


def reference(pos, params, z, edge_index, batch):
    return _forward(pos, params, z, edge_index, batch)

if __name__ == "__main__":
    import jax
    _d = setup_inputs()
    print(jax.jit(kernel)(*tuple(_d.values())))

</pallas_src>

<mosaic_0001>
#map = affine_map<(d0, d1) -> (0, 0)>
#map1 = affine_map<(d0, d1) -> (0)>
module attributes {stable_mosaic.version = 14 : i64} {
  func.func @_d2_body(%arg0: i32, %arg1: i32, %arg2: memref<3x10000xf32, #tpu.memory_space<hbm>>, %arg3: memref<320000xi32, #tpu.memory_space<hbm>>, %arg4: memref<320000xi32, #tpu.memory_space<hbm>>, %arg5: memref<320000xf32, #tpu.memory_space<hbm>>, %arg6: memref<3x10000xf32, #tpu.memory_space<vmem>>, %arg7: memref<10000xi32, #tpu.memory_space<vmem>>, %arg8: memref<10000xi32, #tpu.memory_space<vmem>>, %arg9: memref<10000xf32, #tpu.memory_space<vmem>>, %arg10: memref<!tpu.dma_semaphore, #tpu.memory_space<semaphore_mem>>) attributes {dimension_semantics = [#tpu.dimension_semantics<core_parallel>, #tpu.dimension_semantics<subcore_parallel>], iteration_bounds = array<i64: 2, 16>, scalar_prefetch = 0 : i64, scratch_operands = 5 : i64, tpu.core_type = #tpu.core_type<sc_vector_subcore>, window_params = [{transform_indices = #map}, {transform_indices = #map1}, {transform_indices = #map1}, {transform_indices = #map1}]} {
    %mul3A = arith.constant 16 : i32
    %mul3A_0 = arith.muli %arg0, %mul3A : i32
    %add3A = arith.addi %mul3A_0, %arg1 : i32
    %mul3A_1 = arith.constant 10000 : i32
    %mul3A_2 = arith.muli %add3A, %mul3A_1 : i32
    "tpu.region"() ({
      %run_scoped3A = tpu.sem_alloc : memref<!tpu.dma_semaphore, #tpu.memory_space<semaphore_mem>>
      tpu.enqueue_dma source(%arg2 : memref<3x10000xf32, #tpu.memory_space<hbm>>) target(%arg6 : memref<3x10000xf32, #tpu.memory_space<vmem>>) target_semaphore(%run_scoped3A : memref<!tpu.dma_semaphore, #tpu.memory_space<semaphore_mem>>)
      tpu.wait_dma2 semaphore(%run_scoped3A : memref<!tpu.dma_semaphore, #tpu.memory_space<semaphore_mem>>) src(%arg2 : memref<3x10000xf32, #tpu.memory_space<hbm>>) dst(%arg6 : memref<3x10000xf32, #tpu.memory_space<vmem>>)
      tpu.yield
    }) : () -> ()
    "tpu.region"() ({
      %run_scoped3A = tpu.sem_alloc : memref<!tpu.dma_semaphore, #tpu.memory_space<semaphore_mem>>
      %dma_start3A = tpu.memref_slice %arg3[%mul3A_2] : memref<320000xi32, #tpu.memory_space<hbm>> -> memref<10000xi32, #tpu.memory_space<hbm>>
      %dma_start3A_14 = tpu.memref_slice %arg3[%mul3A_2] : memref<320000xi32, #tpu.memory_space<hbm>> -> memref<10000xi32, #tpu.memory_space<hbm>>
      tpu.enqueue_dma source(%dma_start3A_14 : memref<10000xi32, #tpu.memory_space<hbm>>) target(%arg7 : memref<10000xi32, #tpu.memory_space<vmem>>) target_semaphore(%run_scoped3A : memref<!tpu.dma_semaphore, #tpu.memory_space<semaphore_mem>>)
      %dma_wait3A = tpu.memref_slice %arg3[%mul3A_2] : memref<320000xi32, #tpu.memory_space<hbm>> -> memref<10000xi32, #tpu.memory_space<hbm>>
      %dma_wait3A_15 = tpu.memref_slice %arg3[%mul3A_2] : memref<320000xi32, #tpu.memory_space<hbm>> -> memref<10000xi32, #tpu.memory_space<hbm>>
      tpu.wait_dma2 semaphore(%run_scoped3A : memref<!tpu.dma_semaphore, #tpu.memory_space<semaphore_mem>>) src(%dma_wait3A_15 : memref<10000xi32, #tpu.memory_space<hbm>>) dst(%arg7 : memref<10000xi32, #tpu.memory_space<vmem>>)
      tpu.yield
    }) : () -> ()
    "tpu.region"() ({
      %run_scoped3A = tpu.sem_alloc : memref<!tpu.dma_semaphore, #tpu.memory_space<semaphore_mem>>
      %dma_start3A = tpu.memref_slice %arg4[%mul3A_2] : memref<320000xi32, #tpu.memory_space<hbm>> -> memref<10000xi32, #tpu.memory_space<hbm>>
      %dma_start3A_14 = tpu.memref_slice %arg4[%mul3A_2] : memref<320000xi32, #tpu.memory_space<hbm>> -> memref<10000xi32, #tpu.memory_space<hbm>>
      tpu.enqueue_dma source(%dma_start3A_14 : memref<10000xi32, #tpu.memory_space<hbm>>) target(%arg8 : memref<10000xi32, #tpu.memory_space<vmem>>) target_semaphore(%run_scoped3A : memref<!tpu.dma_semaphore, #tpu.memory_space<semaphore_mem>>)
      %dma_wait3A = tpu.memref_slice %arg4[%mul3A_2] : memref<320000xi32, #tpu.memory_space<hbm>> -> memref<10000xi32, #tpu.memory_space<hbm>>
      %dma_wait3A_15 = tpu.memref_slice %arg4[%mul3A_2] : memref<320000xi32, #tpu.memory_space<hbm>> -> memref<10000xi32, #tpu.memory_space<hbm>>
      tpu.wait_dma2 semaphore(%run_scoped3A : memref<!tpu.dma_semaphore, #tpu.memory_space<semaphore_mem>>) src(%dma_wait3A_15 : memref<10000xi32, #tpu.memory_space<hbm>>) dst(%arg8 : memref<10000xi32, #tpu.memory_space<vmem>>)
      tpu.yield
    }) : () -> ()
    %iota3A = tpu.iota {dimensions = array<i32: 0>} : vector<16xi32>
    %broadcast_in_dim3A = arith.constant 0 : i32
    %broadcast_in_dim3A_3 = vector.broadcast %broadcast_in_dim3A : i32 to vector<16xi32>
    %broadcast_in_dim3A_4 = arith.constant 1 : i32
    %broadcast_in_dim3A_5 = vector.broadcast %broadcast_in_dim3A_4 : i32 to vector<16xi32>
    %broadcast_in_dim3A_6 = arith.constant 2 : i32
    %broadcast_in_dim3A_7 = vector.broadcast %broadcast_in_dim3A_6 : i32 to vector<16xi32>
    %scan3A = arith.constant 0 : i32
    %scan3A_8 = arith.constant 0 : i32
    %scan3A_9 = arith.constant 625 : i32
    %scan3A_10 = arith.addi %scan3A_8, %scan3A_9 : i32
    %scan3A_11 = arith.constant 1 : i32
    %scan3A_12 = scf.for %scan3A_14 = %scan3A_8 to %scan3A_10 step %scan3A_11 iter_args(%scan3A_15 = %scan3A) -> (i32)  : i32 {
      %mul3A_16 = arith.constant 16 : i32
      %mul3A_17 = arith.muli %scan3A_14, %mul3A_16 : i32
      %get3A = arith.index_cast %mul3A_17 : i32 to index
      %get3A_18 = tpu.vector_load %arg7[%get3A] {strides = array<i32>} : memref<10000xi32, #tpu.memory_space<vmem>>, vector<16xi32>,
      %mul3A_19 = arith.constant 16 : i32
      %mul3A_20 = arith.muli %scan3A_14, %mul3A_19 : i32
      %get3A_21 = arith.index_cast %mul3A_20 : i32 to index
      %get3A_22 = tpu.vector_load %arg8[%get3A_21] {strides = array<i32>} : memref<10000xi32, #tpu.memory_space<vmem>>, vector<16xi32>,
      %gather3A = tpu.vector_load_idx %arg6[%broadcast_in_dim3A_3, %get3A_18] : memref<3x10000xf32, #tpu.memory_space<vmem>>[vector<16xi32>, vector<16xi32>], vector<16xf32>,
      %gather3A_23 = tpu.vector_load_idx %arg6[%broadcast_in_dim3A_3, %get3A_22] : memref<3x10000xf32, #tpu.memory_space<vmem>>[vector<16xi32>, vector<16xi32>], vector<16xf32>,
      %sub3A = arith.subf %gather3A, %gather3A_23 : vector<16xf32>
      %gather3A_24 = tpu.vector_load_idx %arg6[%broadcast_in_dim3A_5, %get3A_18] : memref<3x10000xf32, #tpu.memory_space<vmem>>[vector<16xi32>, vector<16xi32>], vector<16xf32>,
      %gather3A_25 = tpu.vector_load_idx %arg6[%broadcast_in_dim3A_5, %get3A_22] : memref<3x10000xf32, #tpu.memory_space<vmem>>[vector<16xi32>, vector<16xi32>], vector<16xf32>,
      %sub3A_26 = arith.subf %gather3A_24, %gather3A_25 : vector<16xf32>
      %gather3A_27 = tpu.vector_load_idx %arg6[%broadcast_in_dim3A_7, %get3A_18] : memref<3x10000xf32, #tpu.memory_space<vmem>>[vector<16xi32>, vector<16xi32>], vector<16xf32>,
      %gather3A_28 = tpu.vector_load_idx %arg6[%broadcast_in_dim3A_7, %get3A_22] : memref<3x10000xf32, #tpu.memory_space<vmem>>[vector<16xi32>, vector<16xi32>], vector<16xf32>,
      %sub3A_29 = arith.subf %gather3A_27, %gather3A_28 : vector<16xf32>
      %mul3A_30 = arith.mulf %sub3A, %sub3A : vector<16xf32>
      %mul3A_31 = arith.mulf %sub3A_26, %sub3A_26 : vector<16xf32>
      %add3A_32 = arith.addf %mul3A_30, %mul3A_31 : vector<16xf32>
      %mul3A_33 = arith.mulf %sub3A_29, %sub3A_29 : vector<16xf32>
      %add3A_34 = arith.addf %add3A_32, %mul3A_33 : vector<16xf32>
      %mul3A_35 = arith.constant 16 : i32
      %mul3A_36 = arith.muli %scan3A_14, %mul3A_35 : i32
      %swap3A = arith.index_cast %mul3A_36 : i32 to index
      %swap3A_37 = tpu.vector_load %arg9[%swap3A] {strides = array<i32>} : memref<10000xf32, #tpu.memory_space<vmem>>, vector<16xf32>,
      tpu.vector_store %arg9[%swap3A], %add3A_34 {strides = array<i32>} : memref<10000xf32, #tpu.memory_space<vmem>>, vector<16xf32>,
      %scan3A_38 = arith.constant 0 : i32
      scf.yield %scan3A_38 : i32
    }
    %scan3A_13 = arith.constant 625 : i32
    "tpu.region"() ({
      %run_scoped3A = tpu.sem_alloc : memref<!tpu.dma_semaphore, #tpu.memory_space<semaphore_mem>>
      %dma_start3A = tpu.memref_slice %arg5[%mul3A_2] : memref<320000xf32, #tpu.memory_space<hbm>> -> memref<10000xf32, #tpu.memory_space<hbm>>
      %dma_start3A_14 = tpu.memref_slice %arg5[%mul3A_2] : memref<320000xf32, #tpu.memory_space<hbm>> -> memref<10000xf32, #tpu.memory_space<hbm>>
      tpu.enqueue_dma source(%arg9 : memref<10000xf32, #tpu.memory_space<vmem>>) target(%dma_start3A_14 : memref<10000xf32, #tpu.memory_space<hbm>>) target_semaphore(%run_scoped3A : memref<!tpu.dma_semaphore, #tpu.memory_space<semaphore_mem>>)
      %dma_wait3A = tpu.memref_slice %arg5[%mul3A_2] : memref<320000xf32, #tpu.memory_space<hbm>> -> memref<10000xf32, #tpu.memory_space<hbm>>
      %dma_wait3A_15 = tpu.memref_slice %arg5[%mul3A_2] : memref<320000xf32, #tpu.memory_space<hbm>> -> memref<10000xf32, #tpu.memory_space<hbm>>
      tpu.wait_dma2 semaphore(%run_scoped3A : memref<!tpu.dma_semaphore, #tpu.memory_space<semaphore_mem>>) src(%arg9 : memref<10000xf32, #tpu.memory_space<vmem>>) dst(%dma_wait3A_15 : memref<10000xf32, #tpu.memory_space<hbm>>)
      tpu.yield
    }) : () -> ()
    return
  }
}

#map = affine_map<(d0, d1) -> (0, 0, 0)>
#map1 = affine_map<(d0, d1) -> (0, 0, 0, 0)>
module attributes {stable_mosaic.version = 14 : i64} {
  func.func @_edge_body(%arg0: i32, %arg1: i32, %arg2: memref<2x10240x64xf32, #tpu.memory_space<hbm>>, %arg3: memref<2x10240x128xf32, #tpu.memory_space<hbm>>, %arg4: memref<2x321536x64xf32, #tpu.memory_space<hbm>>, %arg5: memref<16x157x2x128xi32, #tpu.memory_space<hbm>>, %arg6: memref<2x10240x80xf32, #tpu.memory_space<hbm>>, %arg7: memref<2x128xi32, #tpu.memory_space<vmem>>, %arg8: memref<128x64xf32, #tpu.memory_space<vmem>>, %arg9: memref<128x128xf32, #tpu.memory_space<vmem>>, %arg10: memref<128x64xf32, #tpu.memory_space<vmem>>, %arg11: memref<128x80xf32, #tpu.memory_space<vmem>>, %arg12: memref<128x80xf32, #tpu.memory_space<vmem>>, %arg13: memref<10240x80xf32, #tpu.memory_space<vmem_shared>>, %arg14: memref<!tpu.dma_semaphore, #tpu.memory_space<semaphore_mem>>) attributes {dimension_semantics = [#tpu.dimension_semantics<core_parallel>, #tpu.dimension_semantics<subcore_parallel>], iteration_bounds = array<i64: 2, 16>, scalar_prefetch = 0 : i64, scratch_operands = 8 : i64, tpu.core_type = #tpu.core_type<sc_vector_subcore>, window_params = [{transform_indices = #map}, {transform_indices = #map}, {transform_indices = #map}, {transform_indices = #map1}, {transform_indices = #map}]} {
    %broadcast_in_dim3A = arith.constant 0.000000e+00 : f32
    %broadcast_in_dim3A_0 = vector.broadcast %broadcast_in_dim3A : f32 to vector<16xf32>
    %scan3A = arith.constant 0 : i32
    %scan3A_1 = arith.constant 0 : i32
    %scan3A_2 = arith.constant 640 : i32
    %scan3A_3 = arith.addi %scan3A_1, %scan3A_2 : i32
    %scan3A_4 = arith.constant 1 : i32
    %scan3A_5 = scf.for %scan3A_37 = %scan3A_1 to %scan3A_3 step %scan3A_4 iter_args(%scan3A_38 = %scan3A) -> (i32)  : i32 {
      %jit3A = arith.constant 5 : i32
      %div3A = arith.divsi %scan3A_37, %jit3A : i32
      %sign3A = arith.constant 0 : i32
      %sign3A_39 = arith.cmpi sgt, %scan3A_37, %sign3A : i32
      %sign3A_40 = arith.extui %sign3A_39 : i1 to i32
      %sign3A_41 = arith.constant 0 : i32
      %sign3A_42 = arith.cmpi slt, %scan3A_37, %sign3A_41 : i32
      %sign3A_43 = arith.extui %sign3A_42 : i1 to i32
      %sign3A_44 = arith.subi %sign3A_40, %sign3A_43 : i32
      %sign3A_45 = arith.constant 0 : i32
      %sign3A_46 = arith.cmpi sgt, %jit3A, %sign3A_45 : i32
      %sign3A_47 = arith.extui %sign3A_46 : i1 to i32
      %sign3A_48 = arith.constant 0 : i32
      %sign3A_49 = arith.cmpi slt, %jit3A, %sign3A_48 : i32
      %sign3A_50 = arith.extui %sign3A_49 : i1 to i32
      %sign3A_51 = arith.subi %sign3A_47, %sign3A_50 : i32
      %ne3A = arith.cmpi ne, %sign3A_44, %sign3A_51 : i32
      %rem3A = arith.remsi %scan3A_37, %jit3A : i32
      %ne3A_52 = arith.constant 0 : i32
      %ne3A_53 = arith.cmpi ne, %rem3A, %ne3A_52 : i32
      %and3A = arith.andi %ne3A, %ne3A_53 : i1
      %sub3A = arith.constant 1 : i32
      %sub3A_54 = arith.subi %div3A, %sub3A : i32
      %select_n3A = arith.select %and3A, %sub3A_54, %div3A : i32
      %jit3A_55 = arith.constant 5 : i32
      %eq3A = arith.constant 0 : i32
      %eq3A_56 = arith.cmpi eq, %jit3A_55, %eq3A : i32
      %jit3A_57 = arith.constant 1 : i32
      %select_n3A_58 = arith.select %eq3A_56, %jit3A_57, %jit3A_55 : i32
      %rem3A_59 = arith.remsi %scan3A_37, %select_n3A_58 : i32
      %ne3A_60 = arith.constant 0 : i32
      %ne3A_61 = arith.cmpi ne, %rem3A_59, %ne3A_60 : i32
      %lt3A = arith.constant 0 : i32
      %lt3A_62 = arith.cmpi slt, %rem3A_59, %lt3A : i32
      %lt3A_63 = arith.constant 0 : i32
      %lt3A_64 = arith.cmpi slt, %select_n3A_58, %lt3A_63 : i32
      %ne3A_65 = arith.xori %lt3A_62, %lt3A_64 : i1
      %and3A_66 = arith.andi %ne3A_65, %ne3A_61 : i1
      %add3A_67 = arith.addi %rem3A_59, %select_n3A_58 : i32
      %select_n3A_68 = arith.select %and3A_66, %add3A_67, %rem3A_59 : i32
      %mul3A_69 = arith.constant 16 : i32
      %mul3A_70 = arith.muli %select_n3A_68, %mul3A_69 : i32
      %swap3A = arith.index_cast %select_n3A : i32 to index
      %swap3A_71 = arith.index_cast %mul3A_70 : i32 to index
      %swap3A_72 = tpu.vector_load %arg12[%swap3A, %swap3A_71] {strides = array<i32>} : memref<128x80xf32, #tpu.memory_space<vmem>>, vector<16xf32>,
      tpu.vector_store %arg12[%swap3A, %swap3A_71], %broadcast_in_dim3A_0 {strides = array<i32>} : memref<128x80xf32, #tpu.memory_space<vmem>>, vector<16xf32>,
      %scan3A_73 = arith.constant 0 : i32
      scf.yield %scan3A_73 : i32
    }
    %scan3A_6 = arith.constant 640 : i32
    %mul3A = arith.constant 640 : i32
    %mul3A_7 = arith.muli %arg1, %mul3A : i32
    %add3A = arith.constant 0 : i32
    %add3A_8 = arith.addi %mul3A_7, %add3A : i32
    "tpu.region"() ({
      %run_scoped3A = tpu.sem_alloc : memref<!tpu.dma_semaphore, #tpu.memory_space<semaphore_mem>>
      %dma_start3A = arith.constant 0 : i32
      %dma_start3A_37 = tpu.memref_slice %arg13[%add3A_8, %dma_start3A] : memref<10240x80xf32, #tpu.memory_space<vmem_shared>> -> memref<128x80xf32, #tpu.memory_space<vmem_shared>>
      %dma_start3A_38 = arith.constant 0 : i32
      %dma_start3A_39 = tpu.memref_slice %arg13[%add3A_8, %dma_start3A_38] : memref<10240x80xf32, #tpu.memory_space<vmem_shared>> -> memref<128x80xf32, #tpu.memory_space<vmem_shared>>
      tpu.enqueue_dma source(%arg12 : memref<128x80xf32, #tpu.memory_space<vmem>>) target(%dma_start3A_39 : memref<128x80xf32, #tpu.memory_space<vmem_shared>>) target_semaphore(%run_scoped3A : memref<!tpu.dma_semaphore, #tpu.memory_space<semaphore_mem>>)
      %dma_wait3A = arith.constant 0 : i32
      %dma_wait3A_40 = tpu.memref_slice %arg13[%add3A_8, %dma_wait3A] : memref<10240x80xf32, #tpu.memory_space<vmem_shared>> -> memref<128x80xf32, #tpu.memory_space<vmem_shared>>
      %dma_wait3A_41 = arith.constant 0 : i32
      %dma_wait3A_42 = tpu.memref_slice %arg13[%add3A_8, %dma_wait3A_41] : memref<10240x80xf32, #tpu.memory_space<vmem_shared>> -> memref<128x80xf32, #tpu.memory_space<vmem_shared>>
      tpu.wait_dma2 semaphore(%run_scoped3A : memref<!tpu.dma_semaphore, #tpu.memory_space<semaphore_mem>>) src(%arg12 : memref<128x80xf32, #tpu.memory_space<vmem>>) dst(%dma_wait3A_42 : memref<128x80xf32, #tpu.memory_space<vmem_shared>>)
      tpu.yield
    }) : () -> ()
    %mul3A_9 = arith.constant 640 : i32
    %mul3A_10 = arith.muli %arg1, %mul3A_9 : i32
    %add3A_11 = arith.constant 128 : i32
    %add3A_12 = arith.addi %mul3A_10, %add3A_11 : i32
    "tpu.region"() ({
      %run_scoped3A = tpu.sem_alloc : memref<!tpu.dma_semaphore, #tpu.memory_space<semaphore_mem>>
      %dma_start3A = arith.constant 0 : i32
      %dma_start3A_37 = tpu.memref_slice %arg13[%add3A_12, %dma_start3A] : memref<10240x80xf32, #tpu.memory_space<vmem_shared>> -> memref<128x80xf32, #tpu.memory_space<vmem_shared>>
      %dma_start3A_38 = arith.constant 0 : i32
      %dma_start3A_39 = tpu.memref_slice %arg13[%add3A_12, %dma_start3A_38] : memref<10240x80xf32, #tpu.memory_space<vmem_shared>> -> memref<128x80xf32, #tpu.memory_space<vmem_shared>>
      tpu.enqueue_dma source(%arg12 : memref<128x80xf32, #tpu.memory_space<vmem>>) target(%dma_start3A_39 : memref<128x80xf32, #tpu.memory_space<vmem_shared>>) target_semaphore(%run_scoped3A : memref<!tpu.dma_semaphore, #tpu.memory_space<semaphore_mem>>)
      %dma_wait3A = arith.constant 0 : i32
      %dma_wait3A_40 = tpu.memref_slice %arg13[%add3A_12, %dma_wait3A] : memref<10240x80xf32, #tpu.memory_space<vmem_shared>> -> memref<128x80xf32, #tpu.memory_space<vmem_shared>>
      %dma_wait3A_41 = arith.constant 0 : i32
      %dma_wait3A_42 = tpu.memref_slice %arg13[%add3A_12, %dma_wait3A_41] : memref<10240x80xf32, #tpu.memory_space<vmem_shared>> -> memref<128x80xf32, #tpu.memory_space<vmem_shared>>
      tpu.wait_dma2 semaphore(%run_scoped3A : memref<!tpu.dma_semaphore, #tpu.memory_space<semaphore_mem>>) src(%arg12 : memref<128x80xf32, #tpu.memory_space<vmem>>) dst(%dma_wait3A_42 : memref<128x80xf32, #tpu.memory_space<vmem_shared>>)
      tpu.yield
    }) : () -> ()
    %mul3A_13 = arith.constant 640 : i32
    %mul3A_14 = arith.muli %arg1, %mul3A_13 : i32
    %add3A_15 = arith.constant 256 : i32
    %add3A_16 = arith.addi %mul3A_14, %add3A_15 : i32
    "tpu.region"() ({
      %run_scoped3A = tpu.sem_alloc : memref<!tpu.dma_semaphore, #tpu.memory_space<semaphore_mem>>
      %dma_start3A = arith.constant 0 : i32
      %dma_start3A_37 = tpu.memref_slice %arg13[%add3A_16, %dma_start3A] : memref<10240x80xf32, #tpu.memory_space<vmem_shared>> -> memref<128x80xf32, #tpu.memory_space<vmem_shared>>
      %dma_start3A_38 = arith.constant 0 : i32
      %dma_start3A_39 = tpu.memref_slice %arg13[%add3A_16, %dma_start3A_38] : memref<10240x80xf32, #tpu.memory_space<vmem_shared>> -> memref<128x80xf32, #tpu.memory_space<vmem_shared>>
      tpu.enqueue_dma source(%arg12 : memref<128x80xf32, #tpu.memory_space<vmem>>) target(%dma_start3A_39 : memref<128x80xf32, #tpu.memory_space<vmem_shared>>) target_semaphore(%run_scoped3A : memref<!tpu.dma_semaphore, #tpu.memory_space<semaphore_mem>>)
      %dma_wait3A = arith.constant 0 : i32
      %dma_wait3A_40 = tpu.memref_slice %arg13[%add3A_16, %dma_wait3A] : memref<10240x80xf32, #tpu.memory_space<vmem_shared>> -> memref<128x80xf32, #tpu.memory_space<vmem_shared>>
      %dma_wait3A_41 = arith.constant 0 : i32
      %dma_wait3A_42 = tpu.memref_slice %arg13[%add3A_16, %dma_wait3A_41] : memref<10240x80xf32, #tpu.memory_space<vmem_shared>> -> memref<128x80xf32, #tpu.memory_space<vmem_shared>>
      tpu.wait_dma2 semaphore(%run_scoped3A : memref<!tpu.dma_semaphore, #tpu.memory_space<semaphore_mem>>) src(%arg12 : memref<128x80xf32, #tpu.memory_space<vmem>>) dst(%dma_wait3A_42 : memref<128x80xf32, #tpu.memory_space<vmem_shared>>)
      tpu.yield
    }) : () -> ()
    %mul3A_17 = arith.constant 640 : i32
    %mul3A_18 = arith.muli %arg1, %mul3A_17 : i32
    %add3A_19 = arith.constant 384 : i32
    %add3A_20 = arith.addi %mul3A_18, %add3A_19 : i32
    "tpu.region"() ({
      %run_scoped3A = tpu.sem_alloc : memref<!tpu.dma_semaphore, #tpu.memory_space<semaphore_mem>>
      %dma_start3A = arith.constant 0 : i32
      %dma_start3A_37 = tpu.memref_slice %arg13[%add3A_20, %dma_start3A] : memref<10240x80xf32, #tpu.memory_space<vmem_shared>> -> memref<128x80xf32, #tpu.memory_space<vmem_shared>>
      %dma_start3A_38 = arith.constant 0 : i32
      %dma_start3A_39 = tpu.memref_slice %arg13[%add3A_20, %dma_start3A_38] : memref<10240x80xf32, #tpu.memory_space<vmem_shared>> -> memref<128x80xf32, #tpu.memory_space<vmem_shared>>
      tpu.enqueue_dma source(%arg12 : memref<128x80xf32, #tpu.memory_space<vmem>>) target(%dma_start3A_39 : memref<128x80xf32, #tpu.memory_space<vmem_shared>>) target_semaphore(%run_scoped3A : memref<!tpu.dma_semaphore, #tpu.memory_space<semaphore_mem>>)
      %dma_wait3A = arith.constant 0 : i32
      %dma_wait3A_40 = tpu.memref_slice %arg13[%add3A_20, %dma_wait3A] : memref<10240x80xf32, #tpu.memory_space<vmem_shared>> -> memref<128x80xf32, #tpu.memory_space<vmem_shared>>
      %dma_wait3A_41 = arith.constant 0 : i32
      %dma_wait3A_42 = tpu.memref_slice %arg13[%add3A_20, %dma_wait3A_41] : memref<10240x80xf32, #tpu.memory_space<vmem_shared>> -> memref<128x80xf32, #tpu.memory_space<vmem_shared>>
      tpu.wait_dma2 semaphore(%run_scoped3A : memref<!tpu.dma_semaphore, #tpu.memory_space<semaphore_mem>>) src(%arg12 : memref<128x80xf32, #tpu.memory_space<vmem>>) dst(%dma_wait3A_42 : memref<128x80xf32, #tpu.memory_space<vmem_shared>>)
      tpu.yield
    }) : () -> ()
    %mul3A_21 = arith.constant 640 : i32
    %mul3A_22 = arith.muli %arg1, %mul3A_21 : i32
    %add3A_23 = arith.constant 512 : i32
    %add3A_24 = arith.addi %mul3A_22, %add3A_23 : i32
    "tpu.region"() ({
      %run_scoped3A = tpu.sem_alloc : memref<!tpu.dma_semaphore, #tpu.memory_space<semaphore_mem>>
      %dma_start3A = arith.constant 0 : i32
      %dma_start3A_37 = tpu.memref_slice %arg13[%add3A_24, %dma_start3A] : memref<10240x80xf32, #tpu.memory_space<vmem_shared>> -> memref<128x80xf32, #tpu.memory_space<vmem_shared>>
      %dma_start3A_38 = arith.constant 0 : i32
      %dma_start3A_39 = tpu.memref_slice %arg13[%add3A_24, %dma_start3A_38] : memref<10240x80xf32, #tpu.memory_space<vmem_shared>> -> memref<128x80xf32, #tpu.memory_space<vmem_shared>>
      tpu.enqueue_dma source(%arg12 : memref<128x80xf32, #tpu.memory_space<vmem>>) target(%dma_start3A_39 : memref<128x80xf32, #tpu.memory_space<vmem_shared>>) target_semaphore(%run_scoped3A : memref<!tpu.dma_semaphore, #tpu.memory_space<semaphore_mem>>)
      %dma_wait3A = arith.constant 0 : i32
      %dma_wait3A_40 = tpu.memref_slice %arg13[%add3A_24, %dma_wait3A] : memref<10240x80xf32, #tpu.memory_space<vmem_shared>> -> memref<128x80xf32, #tpu.memory_space<vmem_shared>>
      %dma_wait3A_41 = arith.constant 0 : i32
      %dma_wait3A_42 = tpu.memref_slice %arg13[%add3A_24, %dma_wait3A_41] : memref<10240x80xf32, #tpu.memory_space<vmem_shared>> -> memref<128x80xf32, #tpu.memory_space<vmem_shared>>
      tpu.wait_dma2 semaphore(%run_scoped3A : memref<!tpu.dma_semaphore, #tpu.memory_space<semaphore_mem>>) src(%arg12 : memref<128x80xf32, #tpu.memory_space<vmem>>) dst(%dma_wait3A_42 : memref<128x80xf32, #tpu.memory_space<vmem_shared>>)
      tpu.yield
    }) : () -> ()
    %barrier3A = arith.constant 0 : index
    tpu.barrier barrier_id(%barrier3A)
    %iota3A = tpu.iota {dimensions = array<i32: 0>} : vector<16xi32>
    %scan3A_25 = arith.constant 0 : i32
    %scan3A_26 = arith.constant 0 : i32
    %scan3A_27 = arith.constant 157 : i32
    %scan3A_28 = arith.addi %scan3A_26, %scan3A_27 : i32
    %scan3A_29 = arith.constant 1 : i32
    %scan3A_30 = scf.for %scan3A_37 = %scan3A_26 to %scan3A_28 step %scan3A_29 iter_args(%scan3A_38 = %scan3A_25) -> (i32)  : i32 {
      %dma_start3A = arith.constant 0 : i32
      %dma_start3A_39 = arith.constant 0 : i32
      %dma_start3A_40 = tpu.memref_slice %arg5[%arg1, %scan3A_37, %dma_start3A, %dma_start3A_39] : memref<16x157x2x128xi32, #tpu.memory_space<hbm>> -> memref<1x1x2x128xi32, #tpu.memory_space<hbm>>
      %dma_start3A_41 = tpu.memref_squeeze %dma_start3A_40 : memref<1x1x2x128xi32, #tpu.memory_space<hbm>> -> memref<2x128xi32, #tpu.memory_space<hbm>>
      %dma_start3A_42 = arith.constant 0 : i32
      %dma_start3A_43 = arith.constant 0 : i32
      %dma_start3A_44 = tpu.memref_slice %arg5[%arg1, %scan3A_37, %dma_start3A_42, %dma_start3A_43] : memref<16x157x2x128xi32, #tpu.memory_space<hbm>> -> memref<1x1x2x128xi32, #tpu.memory_space<hbm>>
      %dma_start3A_45 = tpu.memref_squeeze %dma_start3A_44 : memref<1x1x2x128xi32, #tpu.memory_space<hbm>> -> memref<2x128xi32, #tpu.memory_space<hbm>>
      tpu.enqueue_dma source(%dma_start3A_45 : memref<2x128xi32, #tpu.memory_space<hbm>>) target(%arg7 : memref<2x128xi32, #tpu.memory_space<vmem>>) target_semaphore(%arg14 : memref<!tpu.dma_semaphore, #tpu.memory_space<semaphore_mem>>)
      %dma_wait3A = arith.constant 0 : i32
      %dma_wait3A_46 = arith.constant 0 : i32
      %dma_wait3A_47 = tpu.memref_slice %arg5[%arg1, %scan3A_37, %dma_wait3A, %dma_wait3A_46] : memref<16x157x2x128xi32, #tpu.memory_space<hbm>> -> memref<1x1x2x128xi32, #tpu.memory_space<hbm>>
      %dma_wait3A_48 = tpu.memref_squeeze %dma_wait3A_47 : memref<1x1x2x128xi32, #tpu.memory_space<hbm>> -> memref<2x128xi32, #tpu.memory_space<hbm>>
      %dma_wait3A_49 = arith.constant 0 : i32
      %dma_wait3A_50 = arith.constant 0 : i32
      %dma_wait3A_51 = tpu.memref_slice %arg5[%arg1, %scan3A_37, %dma_wait3A_49, %dma_wait3A_50] : memref<16x157x2x128xi32, #tpu.memory_space<hbm>> -> memref<1x1x2x128xi32, #tpu.memory_space<hbm>>
      %dma_wait3A_52 = tpu.memref_squeeze %dma_wait3A_51 : memref<1x1x2x128xi32, #tpu.memory_space<hbm>> -> memref<2x128xi32, #tpu.memory_space<hbm>>
      tpu.wait_dma2 semaphore(%arg14 : memref<!tpu.dma_semaphore, #tpu.memory_space<semaphore_mem>>) src(%dma_wait3A_52 : memref<2x128xi32, #tpu.memory_space<hbm>>) dst(%arg7 : memref<2x128xi32, #tpu.memory_space<vmem>>)
      %dma_start3A_53 = arith.constant 1 : i32
      %dma_start3A_54 = arith.constant 0 : i32
      %dma_start3A_55 = tpu.memref_slice %arg7[%dma_start3A_53, %dma_start3A_54] : memref<2x128xi32, #tpu.memory_space<vmem>> -> memref<1x128xi32, #tpu.memory_space<vmem>>
      %dma_start3A_56 = tpu.memref_squeeze %dma_start3A_55 : memref<1x128xi32, #tpu.memory_space<vmem>> -> memref<128xi32, #tpu.memory_space<vmem>>
      %dma_start3A_57 = arith.constant 0 : i32
      %dma_start3A_58 = arith.constant 0 : i32
      %dma_start3A_59 = tpu.memref_slice %arg2[%arg0, %dma_start3A_57, %dma_start3A_58] : memref<2x10240x64xf32, #tpu.memory_space<hbm>> -> memref<1x10240x64xf32, #tpu.memory_space<hbm>>
      %dma_start3A_60 = tpu.memref_squeeze %dma_start3A_59 : memref<1x10240x64xf32, #tpu.memory_space<hbm>> -> memref<10240x64xf32, #tpu.memory_space<hbm>>
      %dma_start3A_61 = arith.constant 0 : i32
      %dma_start3A_62 = arith.constant 0 : i32
      %dma_start3A_63 = tpu.memref_slice %dma_start3A_60[%dma_start3A_61, %dma_start3A_62] : memref<10240x64xf32, #tpu.memory_space<hbm>> -> memref<10240x64xf32, #tpu.memory_space<hbm>>
      tpu.enqueue_indirect_dma source(%dma_start3A_63 : memref<10240x64xf32, #tpu.memory_space<hbm>>) target(%arg8 : memref<128x64xf32, #tpu.memory_space<vmem>>) offsets(%dma_start3A_56 : memref<128xi32, #tpu.memory_space<vmem>>) semaphore(%arg14 : memref<!tpu.dma_semaphore, #tpu.memory_space<semaphore_mem>>)
      %dma_start3A_64 = arith.constant 0 : i32
      %dma_start3A_65 = arith.constant 0 : i32
      %dma_start3A_66 = tpu.memref_slice %arg7[%dma_start3A_64, %dma_start3A_65] : memref<2x128xi32, #tpu.memory_space<vmem>> -> memref<1x128xi32, #tpu.memory_space<vmem>>
      %dma_start3A_67 = tpu.memref_squeeze %dma_start3A_66 : memref<1x128xi32, #tpu.memory_space<vmem>> -> memref<128xi32, #tpu.memory_space<vmem>>
      %dma_start3A_68 = arith.constant 0 : i32
      %dma_start3A_69 = arith.constant 0 : i32
      %dma_start3A_70 = tpu.memref_slice %arg3[%arg0, %dma_start3A_68, %dma_start3A_69] : memref<2x10240x128xf32, #tpu.memory_space<hbm>> -> memref<1x10240x128xf32, #tpu.memory_space<hbm>>
      %dma_start3A_71 = tpu.memref_squeeze %dma_start3A_70 : memref<1x10240x128xf32, #tpu.memory_space<hbm>> -> memref<10240x128xf32, #tpu.memory_space<hbm>>
      %dma_start3A_72 = arith.constant 0 : i32
      %dma_start3A_73 = arith.constant 0 : i32
      %dma_start3A_74 = tpu.memref_slice %dma_start3A_71[%dma_start3A_72, %dma_start3A_73] : memref<10240x128xf32, #tpu.memory_space<hbm>> -> memref<10240x128xf32, #tpu.memory_space<hbm>>
      tpu.enqueue_indirect_dma source(%dma_start3A_74 : memref<10240x128xf32, #tpu.memory_space<hbm>>) target(%arg9 : memref<128x128xf32, #tpu.memory_space<vmem>>) offsets(%dma_start3A_67 : memref<128xi32, #tpu.memory_space<vmem>>) semaphore(%arg14 : memref<!tpu.dma_semaphore, #tpu.memory_space<semaphore_mem>>)
      %mul3A_75 = arith.constant 20096 : i32
      %mul3A_76 = arith.muli %arg1, %mul3A_75 : i32
      %mul3A_77 = arith.constant 128 : i32
      %mul3A_78 = arith.muli %scan3A_37, %mul3A_77 : i32
      %add3A_79 = arith.addi %mul3A_76, %mul3A_78 : i32
      %dma_start3A_80 = arith.constant 0 : i32
      %dma_start3A_81 = tpu.memref_slice %arg4[%arg0, %add3A_79, %dma_start3A_80] : memref<2x321536x64xf32, #tpu.memory_space<hbm>> -> memref<1x128x64xf32, #tpu.memory_space<hbm>>
      %dma_start3A_82 = tpu.memref_squeeze %dma_start3A_81 : memref<1x128x64xf32, #tpu.memory_space<hbm>> -> memref<128x64xf32, #tpu.memory_space<hbm>>
      %dma_start3A_83 = arith.constant 0 : i32
      %dma_start3A_84 = tpu.memref_slice %arg4[%arg0, %add3A_79, %dma_start3A_83] : memref<2x321536x64xf32, #tpu.memory_space<hbm>> -> memref<1x128x64xf32, #tpu.memory_space<hbm>>
      %dma_start3A_85 = tpu.memref_squeeze %dma_start3A_84 : memref<1x128x64xf32, #tpu.memory_space<hbm>> -> memref<128x64xf32, #tpu.memory_space<hbm>>
      tpu.enqueue_dma source(%dma_start3A_85 : memref<128x64xf32, #tpu.memory_space<hbm>>) target(%arg10 : memref<128x64xf32, #tpu.memory_space<vmem>>) target_semaphore(%arg14 : memref<!tpu.dma_semaphore, #tpu.memory_space<semaphore_mem>>)
      %dma_wait3A_86 = arith.constant 1 : i32
      %dma_wait3A_87 = arith.constant 0 : i32
      %dma_wait3A_88 = tpu.memref_slice %arg7[%dma_wait3A_86, %dma_wait3A_87] : memref<2x128xi32, #tpu.memory_space<vmem>> -> memref<1x128xi32, #tpu.memory_space<vmem>>
      %dma_wait3A_89 = tpu.memref_squeeze %dma_wait3A_88 : memref<1x128xi32, #tpu.memory_space<vmem>> -> memref<128xi32, #tpu.memory_space<vmem>>
      %dma_wait3A_90 = arith.constant 0 : i32
      %dma_wait3A_91 = arith.constant 0 : i32
      %dma_wait3A_92 = tpu.memref_slice %arg2[%arg0, %dma_wait3A_90, %dma_wait3A_91] : memref<2x10240x64xf32, #tpu.memory_space<hbm>> -> memref<1x10240x64xf32, #tpu.memory_space<hbm>>
      %dma_wait3A_93 = tpu.memref_squeeze %dma_wait3A_92 : memref<1x10240x64xf32, #tpu.memory_space<hbm>> -> memref<10240x64xf32, #tpu.memory_space<hbm>>
      %dma_wait3A_94 = arith.constant 0 : i32
      %dma_wait3A_95 = arith.constant 0 : i32
      %dma_wait3A_96 = tpu.memref_slice %dma_wait3A_93[%dma_wait3A_94, %dma_wait3A_95] : memref<10240x64xf32, #tpu.memory_space<hbm>> -> memref<10240x64xf32, #tpu.memory_space<hbm>>
      tpu.wait_indirect_dma semaphore(%arg14 : memref<!tpu.dma_semaphore, #tpu.memory_space<semaphore_mem>>) src(%dma_wait3A_96 : memref<10240x64xf32, #tpu.memory_space<hbm>>) dst(%arg8 : memref<128x64xf32, #tpu.memory_space<vmem>>)
      %dma_wait3A_97 = arith.constant 0 : i32
      %dma_wait3A_98 = arith.constant 0 : i32
      %dma_wait3A_99 = tpu.memref_slice %arg7[%dma_wait3A_97, %dma_wait3A_98] : memref<2x128xi32, #tpu.memory_space<vmem>> -> memref<1x128xi32, #tpu.memory_space<vmem>>
      %dma_wait3A_100 = tpu.memref_squeeze %dma_wait3A_99 : memref<1x128xi32, #tpu.memory_space<vmem>> -> memref<128xi32, #tpu.memory_space<vmem>>
      %dma_wait3A_101 = arith.constant 0 : i32
      %dma_wait3A_102 = arith.constant 0 : i32
      %dma_wait3A_103 = tpu.memref_slice %arg3[%arg0, %dma_wait3A_101, %dma_wait3A_102] : memref<2x10240x128xf32, #tpu.memory_space<hbm>> -> memref<1x10240x128xf32, #tpu.memory_space<hbm>>
      %dma_wait3A_104 = tpu.memref_squeeze %dma_wait3A_103 : memref<1x10240x128xf32, #tpu.memory_space<hbm>> -> memref<10240x128xf32, #tpu.memory_space<hbm>>
      %dma_wait3A_105 = arith.constant 0 : i32
      %dma_wait3A_106 = arith.constant 0 : i32
      %dma_wait3A_107 = tpu.memref_slice %dma_wait3A_104[%dma_wait3A_105, %dma_wait3A_106] : memref<10240x128xf32, #tpu.memory_space<hbm>> -> memref<10240x128xf32, #tpu.memory_space<hbm>>
      tpu.wait_indirect_dma semaphore(%arg14 : memref<!tpu.dma_semaphore, #tpu.memory_space<semaphore_mem>>) src(%dma_wait3A_107 : memref<10240x128xf32, #tpu.memory_space<hbm>>) dst(%arg9 : memref<128x128xf32, #tpu.memory_space<vmem>>)
      %dma_wait3A_108 = arith.constant 0 : i32
      %dma_wait3A_109 = tpu.memref_slice %arg4[%arg0, %add3A_79, %dma_wait3A_108] : memref<2x321536x64xf32, #tpu.memory_space<hbm>> -> memref<1x128x64xf32, #tpu.memory_space<hbm>>
      %dma_wait3A_110 = tpu.memref_squeeze %dma_wait3A_109 : memref<1x128x64xf32, #tpu.memory_space<hbm>> -> memref<128x64xf32, #tpu.memory_space<hbm>>
      %dma_wait3A_111 = arith.constant 0 : i32
      %dma_wait3A_112 = tpu.memref_slice %arg4[%arg0, %add3A_79, %dma_wait3A_111] : memref<2x321536x64xf32, #tpu.memory_space<hbm>> -> memref<1x128x64xf32, #tpu.memory_space<hbm>>
      %dma_wait3A_113 = tpu.memref_squeeze %dma_wait3A_112 : memref<1x128x64xf32, #tpu.memory_space<hbm>> -> memref<128x64xf32, #tpu.memory_space<hbm>>
      tpu.wait_dma2 semaphore(%arg14 : memref<!tpu.dma_semaphore, #tpu.memory_space<semaphore_mem>>) src(%dma_wait3A_113 : memref<128x64xf32, #tpu.memory_space<hbm>>) dst(%arg10 : memref<128x64xf32, #tpu.memory_space<vmem>>)
      %scan3A_114 = arith.constant 0 : i32
      %scan3A_115 = arith.constant 0 : i32
      %scan3A_116 = arith.constant 128 : i32
      %scan3A_117 = arith.addi %scan3A_115, %scan3A_116 : i32
      %scan3A_118 = arith.constant 1 : i32
      %scan3A_119 = scf.for %scan3A_136 = %scan3A_115 to %scan3A_117 step %scan3A_118 iter_args(%scan3A_137 = %scan3A_114) -> (i32)  : i32 {
        %get3A = arith.index_cast %scan3A_136 : i32 to index
        %get3A_138 = arith.constant 0 : index
        %get3A_139 = tpu.vector_load %arg8[%get3A, %get3A_138] {strides = array<i32>} : memref<128x64xf32, #tpu.memory_space<vmem>>, vector<16xf32>,
        %get3A_140 = arith.index_cast %scan3A_136 : i32 to index
        %get3A_141 = arith.constant 16 : index
        %get3A_142 = tpu.vector_load %arg8[%get3A_140, %get3A_141] {strides = array<i32>} : memref<128x64xf32, #tpu.memory_space<vmem>>, vector<16xf32>,
        %get3A_143 = arith.index_cast %scan3A_136 : i32 to index
        %get3A_144 = arith.constant 32 : index
        %get3A_145 = tpu.vector_load %arg8[%get3A_143, %get3A_144] {strides = array<i32>} : memref<128x64xf32, #tpu.memory_space<vmem>>, vector<16xf32>,
        %get3A_146 = arith.index_cast %scan3A_136 : i32 to index
        %get3A_147 = arith.constant 48 : index
        %get3A_148 = tpu.vector_load %arg8[%get3A_146, %get3A_147] {strides = array<i32>} : memref<128x64xf32, #tpu.memory_space<vmem>>, vector<16xf32>,
        %get3A_149 = arith.index_cast %scan3A_136 : i32 to index
        %get3A_150 = arith.constant 0 : index
        %get3A_151 = tpu.vector_load %arg9[%get3A_149, %get3A_150] {strides = array<i32>} : memref<128x128xf32, #tpu.memory_space<vmem>>, vector<16xf32>,
        %get3A_152 = arith.index_cast %scan3A_136 : i32 to index
        %get3A_153 = arith.constant 16 : index
        %get3A_154 = tpu.vector_load %arg9[%get3A_152, %get3A_153] {strides = array<i32>} : memref<128x128xf32, #tpu.memory_space<vmem>>, vector<16xf32>,
        %get3A_155 = arith.index_cast %scan3A_136 : i32 to index
        %get3A_156 = arith.constant 32 : index
        %get3A_157 = tpu.vector_load %arg9[%get3A_155, %get3A_156] {strides = array<i32>} : memref<128x128xf32, #tpu.memory_space<vmem>>, vector<16xf32>,
        %get3A_158 = arith.index_cast %scan3A_136 : i32 to index
        %get3A_159 = arith.constant 48 : index
        %get3A_160 = tpu.vector_load %arg9[%get3A_158, %get3A_159] {strides = array<i32>} : memref<128x128xf32, #tpu.memory_space<vmem>>, vector<16xf32>,
        %get3A_161 = arith.index_cast %scan3A_136 : i32 to index
        %get3A_162 = arith.constant 64 : index
        %get3A_163 = tpu.vector_load %arg9[%get3A_161, %get3A_162] {strides = array<i32>} : memref<128x128xf32, #tpu.memory_space<vmem>>, vector<16xf32>,
        %get3A_164 = arith.index_cast %scan3A_136 : i32 to index
        %get3A_165 = arith.constant 80 : index
        %get3A_166 = tpu.vector_load %arg9[%get3A_164, %get3A_165] {strides = array<i32>} : memref<128x128xf32, #tpu.memory_space<vmem>>, vector<16xf32>,
        %get3A_167 = arith.index_cast %scan3A_136 : i32 to index
        %get3A_168 = arith.constant 96 : index
        %get3A_169 = tpu.vector_load %arg9[%get3A_167, %get3A_168] {strides = array<i32>} : memref<128x128xf32, #tpu.memory_space<vmem>>, vector<16xf32>,
        %get3A_170 = arith.index_cast %scan3A_136 : i32 to index
        %get3A_171 = arith.constant 112 : index
        %get3A_172 = tpu.vector_load %arg9[%get3A_170, %get3A_171] {strides = array<i32>} : memref<128x128xf32, #tpu.memory_space<vmem>>, vector<16xf32>,
        %get3A_173 = arith.index_cast %scan3A_136 : i32 to index
        %get3A_174 = arith.constant 0 : index
        %get3A_175 = tpu.vector_load %arg10[%get3A_173, %get3A_174] {strides = array<i32>} : memref<128x64xf32, #tpu.memory_space<vmem>>, vector<16xf32>,
        %get3A_176 = arith.index_cast %scan3A_136 : i32 to index
        %get3A_177 = arith.constant 16 : index
        %get3A_178 = tpu.vector_load %arg10[%get3A_176, %get3A_177] {strides = array<i32>} : memref<128x64xf32, #tpu.memory_space<vmem>>, vector<16xf32>,
        %get3A_179 = arith.index_cast %scan3A_136 : i32 to index
        %get3A_180 = arith.constant 32 : index
        %get3A_181 = tpu.vector_load %arg10[%get3A_179, %get3A_180] {strides = array<i32>} : memref<128x64xf32, #tpu.memory_space<vmem>>, vector<16xf32>,
        %get3A_182 = arith.index_cast %scan3A_136 : i32 to index
        %get3A_183 = arith.constant 48 : index
        %get3A_184 = tpu.vector_load %arg10[%get3A_182, %get3A_183] {strides = array<i32>} : memref<128x64xf32, #tpu.memory_space<vmem>>, vector<16xf32>,
        %add3A_185 = arith.addf %get3A_151, %get3A_175 : vector<16xf32>
        %mul3A_186 = arith.mulf %get3A_139, %add3A_185 : vector<16xf32>
        %add3A_187 = arith.addf %get3A_154, %get3A_178 : vector<16xf32>
        %mul3A_188 = arith.mulf %get3A_142, %add3A_187 : vector<16xf32>
        %add3A_189 = arith.addf %get3A_157, %get3A_181 : vector<16xf32>
        %mul3A_190 = arith.mulf %get3A_145, %add3A_189 : vector<16xf32>
        %add3A_191 = arith.addf %get3A_160, %get3A_184 : vector<16xf32>
        %mul3A_192 = arith.mulf %get3A_148, %add3A_191 : vector<16xf32>
        %add3A_193 = arith.addf %mul3A_186, %mul3A_188 : vector<16xf32>
        %reduce_sum3A = arith.constant true
        %reduce_sum3A_194 = vector.broadcast %reduce_sum3A : i1 to vector<16xi1>
        %reduce_sum3A_195 = tpu.scan <sum>, %add3A_193 masked %reduce_sum3A_194 : vector<16xf32>, vector<16xi1> -> vector<16xf32>
        %reduce_sum3A_196 = vector.extract %reduce_sum3A_195[15] : f32 from vector<16xf32>
        %add3A_197 = arith.addf %mul3A_190, %mul3A_192 : vector<16xf32>
        %reduce_sum3A_198 = arith.constant true
        %reduce_sum3A_199 = vector.broadcast %reduce_sum3A_198 : i1 to vector<16xi1>
        %reduce_sum3A_200 = tpu.scan <sum>, %add3A_197 masked %reduce_sum3A_199 : vector<16xf32>, vector<16xi1> -> vector<16xf32>
        %reduce_sum3A_201 = vector.extract %reduce_sum3A_200[15] : f32 from vector<16xf32>
        %broadcast_in_dim3A_202 = vector.broadcast %reduce_sum3A_196 : f32 to vector<16xf32>
        %mul3A_203 = arith.constant 0.176776692 : f32
        %mul3A_204 = vector.broadcast %mul3A_203 : f32 to vector<16xf32>
        %mul3A_205 = arith.mulf %broadcast_in_dim3A_202, %mul3A_204 : vector<16xf32>
        %exp3A = math.exp %mul3A_205 : vector<16xf32>
        %broadcast_in_dim3A_206 = vector.broadcast %reduce_sum3A_201 : f32 to vector<16xf32>
        %mul3A_207 = arith.constant 0.176776692 : f32
        %mul3A_208 = vector.broadcast %mul3A_207 : f32 to vector<16xf32>
        %mul3A_209 = arith.mulf %broadcast_in_dim3A_206, %mul3A_208 : vector<16xf32>
        %exp3A_210 = math.exp %mul3A_209 : vector<16xf32>
        %add3A_211 = arith.addf %get3A_163, %get3A_175 : vector<16xf32>
        %mul3A_212 = arith.mulf %exp3A, %add3A_211 : vector<16xf32>
        %swap3A = arith.index_cast %scan3A_136 : i32 to index
        %swap3A_213 = arith.constant 0 : index
        %swap3A_214 = tpu.vector_load %arg11[%swap3A, %swap3A_213] {strides = array<i32>} : memref<128x80xf32, #tpu.memory_space<vmem>>, vector<16xf32>,
        tpu.vector_store %arg11[%swap3A, %swap3A_213], %mul3A_212 {strides = array<i32>} : memref<128x80xf32, #tpu.memory_space<vmem>>, vector<16xf32>,
        %add3A_215 = arith.addf %get3A_166, %get3A_178 : vector<16xf32>
        %mul3A_216 = arith.mulf %exp3A, %add3A_215 : vector<16xf32>
        %swap3A_217 = arith.index_cast %scan3A_136 : i32 to index
        %swap3A_218 = arith.constant 16 : index
        %swap3A_219 = tpu.vector_load %arg11[%swap3A_217, %swap3A_218] {strides = array<i32>} : memref<128x80xf32, #tpu.memory_space<vmem>>, vector<16xf32>,
        tpu.vector_store %arg11[%swap3A_217, %swap3A_218], %mul3A_216 {strides = array<i32>} : memref<128x80xf32, #tpu.memory_space<vmem>>, vector<16xf32>,
        %add3A_220 = arith.addf %get3A_169, %get3A_181 : vector<16xf32>
        %mul3A_221 = arith.mulf %exp3A_210, %add3A_220 : vector<16xf32>
        %swap3A_222 = arith.index_cast %scan3A_136 : i32 to index
        %swap3A_223 = arith.constant 32 : index
        %swap3A_224 = tpu.vector_load %arg11[%swap3A_222, %swap3A_223] {strides = array<i32>} : memref<128x80xf32, #tpu.memory_space<vmem>>, vector<16xf32>,
        tpu.vector_store %arg11[%swap3A_222, %swap3A_223], %mul3A_221 {strides = array<i32>} : memref<128x80xf32, #tpu.memory_space<vmem>>, vector<16xf32>,
        %add3A_225 = arith.addf %get3A_172, %get3A_184 : vector<16xf32>
        %mul3A_226 = arith.mulf %exp3A_210, %add3A_225 : vector<16xf32>
        %swap3A_227 = arith.index_cast %scan3A_136 : i32 to index
        %swap3A_228 = arith.constant 48 : index
        %swap3A_229 = tpu.vector_load %arg11[%swap3A_227, %swap3A_228] {strides = array<i32>} : memref<128x80xf32, #tpu.memory_space<vmem>>, vector<16xf32>,
        tpu.vector_store %arg11[%swap3A_227, %swap3A_228], %mul3A_226 {strides = array<i32>} : memref<128x80xf32, #tpu.memory_space<vmem>>, vector<16xf32>,
        %mul3A_230 = arith.constant 2 : i32
        %mul3A_231 = arith.muli %arg0, %mul3A_230 : i32
        %eq3A = vector.broadcast %mul3A_231 : i32 to vector<16xi32>
        %eq3A_232 = arith.cmpi eq, %iota3A, %eq3A : vector<16xi32>
        %select_n3A = arith.select %eq3A_232, %exp3A, %broadcast_in_dim3A_0 : vector<16xi1>, vector<16xf32>
        %mul3A_233 = arith.constant 2 : i32
        %mul3A_234 = arith.muli %arg0, %mul3A_233 : i32
        %add3A_235 = arith.constant 1 : i32
        %add3A_236 = arith.addi %mul3A_234, %add3A_235 : i32
        %eq3A_237 = vector.broadcast %add3A_236 : i32 to vector<16xi32>
        %eq3A_238 = arith.cmpi eq, %iota3A, %eq3A_237 : vector<16xi32>
        %select_n3A_239 = arith.select %eq3A_238, %exp3A_210, %broadcast_in_dim3A_0 : vector<16xi1>, vector<16xf32>
        %add3A_240 = arith.addf %select_n3A, %select_n3A_239 : vector<16xf32>
        %swap3A_241 = arith.index_cast %scan3A_136 : i32 to index
        %swap3A_242 = arith.constant 64 : index
        %swap3A_243 = tpu.vector_load %arg11[%swap3A_241, %swap3A_242] {strides = array<i32>} : memref<128x80xf32, #tpu.memory_space<vmem>>, vector<16xf32>,
        tpu.vector_store %arg11[%swap3A_241, %swap3A_242], %add3A_240 {strides = array<i32>} : memref<128x80xf32, #tpu.memory_space<vmem>>, vector<16xf32>,
        %scan3A_244 = arith.constant 0 : i32
        scf.yield %scan3A_244 : i32
      }
      %scan3A_120 = arith.constant 128 : i32
      %dma_start3A_121 = arith.constant 1 : i32
      %dma_start3A_122 = arith.constant 0 : i32
      %dma_start3A_123 = tpu.memref_slice %arg7[%dma_start3A_121, %dma_start3A_122] : memref<2x128xi32, #tpu.memory_space<vmem>> -> memref<1x128xi32, #tpu.memory_space<vmem>>
      %dma_start3A_124 = tpu.memref_squeeze %dma_start3A_123 : memref<1x128xi32, #tpu.memory_space<vmem>> -> memref<128xi32, #tpu.memory_space<vmem>>
      %dma_start3A_125 = arith.constant 0 : i32
      %dma_start3A_126 = arith.constant 0 : i32
      %dma_start3A_127 = tpu.memref_slice %arg13[%dma_start3A_125, %dma_start3A_126] : memref<10240x80xf32, #tpu.memory_space<vmem_shared>> -> memref<10240x80xf32, #tpu.memory_space<vmem_shared>>
      tpu.enqueue_indirect_dma source(%arg11 : memref<128x80xf32, #tpu.memory_space<vmem>>) target(%dma_start3A_127 : memref<10240x80xf32, #tpu.memory_space<vmem_shared>>) offsets(%dma_start3A_124 : memref<128xi32, #tpu.memory_space<vmem>>) semaphore(%arg14 : memref<!tpu.dma_semaphore, #tpu.memory_space<semaphore_mem>>) {add = true}
      %dma_wait3A_128 = arith.constant 1 : i32
      %dma_wait3A_129 = arith.constant 0 : i32
      %dma_wait3A_130 = tpu.memref_slice %arg7[%dma_wait3A_128, %dma_wait3A_129] : memref<2x128xi32, #tpu.memory_space<vmem>> -> memref<1x128xi32, #tpu.memory_space<vmem>>
      %dma_wait3A_131 = tpu.memref_squeeze %dma_wait3A_130 : memref<1x128xi32, #tpu.memory_space<vmem>> -> memref<128xi32, #tpu.memory_space<vmem>>
      %dma_wait3A_132 = arith.constant 0 : i32
      %dma_wait3A_133 = arith.constant 0 : i32
      %dma_wait3A_134 = tpu.memref_slice %arg13[%dma_wait3A_132, %dma_wait3A_133] : memref<10240x80xf32, #tpu.memory_space<vmem_shared>> -> memref<10240x80xf32, #tpu.memory_space<vmem_shared>>
      tpu.wait_indirect_dma semaphore(%arg14 : memref<!tpu.dma_semaphore, #tpu.memory_space<semaphore_mem>>) src(%arg11 : memref<128x80xf32, #tpu.memory_space<vmem>>) dst(%dma_wait3A_134 : memref<10240x80xf32, #tpu.memory_space<vmem_shared>>)
      %scan3A_135 = arith.constant 0 : i32
      scf.yield %scan3A_135 : i32
    }
    %scan3A_31 = arith.constant 157 : i32
    %barrier3A_32 = arith.constant 0 : index
    tpu.barrier barrier_id(%barrier3A_32)
    %mul3A_33 = arith.constant 640 : i32
    %mul3A_34 = arith.muli %arg1, %mul3A_33 : i32
    %mul3A_35 = arith.constant 640 : i32
    %mul3A_36 = arith.muli %arg1, %mul3A_35 : i32
    "tpu.region"() ({
      %run_scoped3A = tpu.sem_alloc : memref<!tpu.dma_semaphore, #tpu.memory_space<semaphore_mem>>
      %dma_start3A = arith.constant 0 : i32
      %dma_start3A_37 = tpu.memref_slice %arg6[%arg0, %mul3A_36, %dma_start3A] : memref<2x10240x80xf32, #tpu.memory_space<hbm>> -> memref<1x640x80xf32, #tpu.memory_space<hbm>>
      %dma_start3A_38 = tpu.memref_squeeze %dma_start3A_37 : memref<1x640x80xf32, #tpu.memory_space<hbm>> -> memref<640x80xf32, #tpu.memory_space<hbm>>
      %dma_start3A_39 = arith.constant 0 : i32
      %dma_start3A_40 = tpu.memref_slice %arg13[%mul3A_34, %dma_start3A_39] : memref<10240x80xf32, #tpu.memory_space<vmem_shared>> -> memref<640x80xf32, #tpu.memory_space<vmem_shared>>
      tpu.enqueue_dma source(%dma_start3A_40 : memref<640x80xf32, #tpu.memory_space<vmem_shared>>) target(%dma_start3A_38 : memref<640x80xf32, #tpu.memory_space<hbm>>) target_semaphore(%run_scoped3A : memref<!tpu.dma_semaphore, #tpu.memory_space<semaphore_mem>>)
      %dma_wait3A = arith.constant 0 : i32
      %dma_wait3A_41 = tpu.memref_slice %arg6[%arg0, %mul3A_36, %dma_wait3A] : memref<2x10240x80xf32, #tpu.memory_space<hbm>> -> memref<1x640x80xf32, #tpu.memory_space<hbm>>
      %dma_wait3A_42 = tpu.memref_squeeze %dma_wait3A_41 : memref<1x640x80xf32, #tpu.memory_space<hbm>> -> memref<640x80xf32, #tpu.memory_space<hbm>>
      %dma_wait3A_43 = arith.constant 0 : i32
      %dma_wait3A_44 = tpu.memref_slice %arg13[%mul3A_34, %dma_wait3A_43] : memref<10240x80xf32, #tpu.memory_space<vmem_shared>> -> memref<640x80xf32, #tpu.memory_space<vmem_shared>>
      tpu.wait_dma2 semaphore(%run_scoped3A : memref<!tpu.dma_semaphore, #tpu.memory_space<semaphore_mem>>) src(%dma_wait3A_44 : memref<640x80xf32, #tpu.memory_space<vmem_shared>>) dst(%dma_wait3A_42 : memref<640x80xf32, #tpu.memory_space<hbm>>)
      tpu.yield
    }) : () -> ()
    return
  }
}

#map = affine_map<(d0, d1) -> (0, 0, 0)>
#map1 = affine_map<(d0, d1) -> (0, 0, 0, 0)>
module attributes {stable_mosaic.version = 14 : i64} {
  func.func @_edge_body(%arg0: i32, %arg1: i32, %arg2: memref<2x10240x64xf32, #tpu.memory_space<hbm>>, %arg3: memref<2x10240x128xf32, #tpu.memory_space<hbm>>, %arg4: memref<2x321536x64xf32, #tpu.memory_space<hbm>>, %arg5: memref<16x157x2x128xi32, #tpu.memory_space<hbm>>, %arg6: memref<2x10240x80xf32, #tpu.memory_space<hbm>>, %arg7: memref<2x128xi32, #tpu.memory_space<vmem>>, %arg8: memref<128x64xf32, #tpu.memory_space<vmem>>, %arg9: memref<128x128xf32, #tpu.memory_space<vmem>>, %arg10: memref<128x64xf32, #tpu.memory_space<vmem>>, %arg11: memref<128x80xf32, #tpu.memory_space<vmem>>, %arg12: memref<128x80xf32, #tpu.memory_space<vmem>>, %arg13: memref<10240x80xf32, #tpu.memory_space<vmem_shared>>, %arg14: memref<!tpu.dma_semaphore, #tpu.memory_space<semaphore_mem>>) attributes {dimension_semantics = [#tpu.dimension_semantics<core_parallel>, #tpu.dimension_semantics<subcore_parallel>], iteration_bounds = array<i64: 2, 16>, scalar_prefetch = 0 : i64, scratch_operands = 8 : i64, tpu.core_type = #tpu.core_type<sc_vector_subcore>, window_params = [{transform_indices = #map}, {transform_indices = #map}, {transform_indices = #map}, {transform_indices = #map1}, {transform_indices = #map}]} {
    %broadcast_in_dim3A = arith.constant 0.000000e+00 : f32
    %broadcast_in_dim3A_0 = vector.broadcast %broadcast_in_dim3A : f32 to vector<16xf32>
    %scan3A = arith.constant 0 : i32
    %scan3A_1 = arith.constant 0 : i32
    %scan3A_2 = arith.constant 640 : i32
    %scan3A_3 = arith.addi %scan3A_1, %scan3A_2 : i32
    %scan3A_4 = arith.constant 1 : i32
    %scan3A_5 = scf.for %scan3A_37 = %scan3A_1 to %scan3A_3 step %scan3A_4 iter_args(%scan3A_38 = %scan3A) -> (i32)  : i32 {
      %jit3A = arith.constant 5 : i32
      %div3A = arith.divsi %scan3A_37, %jit3A : i32
      %sign3A = arith.constant 0 : i32
      %sign3A_39 = arith.cmpi sgt, %scan3A_37, %sign3A : i32
      %sign3A_40 = arith.extui %sign3A_39 : i1 to i32
      %sign3A_41 = arith.constant 0 : i32
      %sign3A_42 = arith.cmpi slt, %scan3A_37, %sign3A_41 : i32
      %sign3A_43 = arith.extui %sign3A_42 : i1 to i32
      %sign3A_44 = arith.subi %sign3A_40, %sign3A_43 : i32
      %sign3A_45 = arith.constant 0 : i32
      %sign3A_46 = arith.cmpi sgt, %jit3A, %sign3A_45 : i32
      %sign3A_47 = arith.extui %sign3A_46 : i1 to i32
      %sign3A_48 = arith.constant 0 : i32
      %sign3A_49 = arith.cmpi slt, %jit3A, %sign3A_48 : i32
      %sign3A_50 = arith.extui %sign3A_49 : i1 to i32
      %sign3A_51 = arith.subi %sign3A_47, %sign3A_50 : i32
      %ne3A = arith.cmpi ne, %sign3A_44, %sign3A_51 : i32
      %rem3A = arith.remsi %scan3A_37, %jit3A : i32
      %ne3A_52 = arith.constant 0 : i32
      %ne3A_53 = arith.cmpi ne, %rem3A, %ne3A_52 : i32
      %and3A = arith.andi %ne3A, %ne3A_53 : i1
      %sub3A = arith.constant 1 : i32
      %sub3A_54 = arith.subi %div3A, %sub3A : i32
      %select_n3A = arith.select %and3A, %sub3A_54, %div3A : i32
      %jit3A_55 = arith.constant 5 : i32
      %eq3A = arith.constant 0 : i32
      %eq3A_56 = arith.cmpi eq, %jit3A_55, %eq3A : i32
      %jit3A_57 = arith.constant 1 : i32
      %select_n3A_58 = arith.select %eq3A_56, %jit3A_57, %jit3A_55 : i32
      %rem3A_59 = arith.remsi %scan3A_37, %select_n3A_58 : i32
      %ne3A_60 = arith.constant 0 : i32
      %ne3A_61 = arith.cmpi ne, %rem3A_59, %ne3A_60 : i32
      %lt3A = arith.constant 0 : i32
      %lt3A_62 = arith.cmpi slt, %rem3A_59, %lt3A : i32
      %lt3A_63 = arith.constant 0 : i32
      %lt3A_64 = arith.cmpi slt, %select_n3A_58, %lt3A_63 : i32
      %ne3A_65 = arith.xori %lt3A_62, %lt3A_64 : i1
      %and3A_66 = arith.andi %ne3A_65, %ne3A_61 : i1
      %add3A_67 = arith.addi %rem3A_59, %select_n3A_58 : i32
      %select_n3A_68 = arith.select %and3A_66, %add3A_67, %rem3A_59 : i32
      %mul3A_69 = arith.constant 16 : i32
      %mul3A_70 = arith.muli %select_n3A_68, %mul3A_69 : i32
      %swap3A = arith.index_cast %select_n3A : i32 to index
      %swap3A_71 = arith.index_cast %mul3A_70 : i32 to index
      %swap3A_72 = tpu.vector_load %arg12[%swap3A, %swap3A_71] {strides = array<i32>} : memref<128x80xf32, #tpu.memory_space<vmem>>, vector<16xf32>,
      tpu.vector_store %arg12[%swap3A, %swap3A_71], %broadcast_in_dim3A_0 {strides = array<i32>} : memref<128x80xf32, #tpu.memory_space<vmem>>, vector<16xf32>,
      %scan3A_73 = arith.constant 0 : i32
      scf.yield %scan3A_73 : i32
    }
    %scan3A_6 = arith.constant 640 : i32
    %mul3A = arith.constant 640 : i32
    %mul3A_7 = arith.muli %arg1, %mul3A : i32
    %add3A = arith.constant 0 : i32
    %add3A_8 = arith.addi %mul3A_7, %add3A : i32
    "tpu.region"() ({
      %run_scoped3A = tpu.sem_alloc : memref<!tpu.dma_semaphore, #tpu.memory_space<semaphore_mem>>
      %dma_start3A = arith.constant 0 : i32
      %dma_start3A_37 = tpu.memref_slice %arg13[%add3A_8, %dma_start3A] : memref<10240x80xf32, #tpu.memory_space<vmem_shared>> -> memref<128x80xf32, #tpu.memory_space<vmem_shared>>
      %dma_start3A_38 = arith.constant 0 : i32
      %dma_start3A_39 = tpu.memref_slice %arg13[%add3A_8, %dma_start3A_38] : memref<10240x80xf32, #tpu.memory_space<vmem_shared>> -> memref<128x80xf32, #tpu.memory_space<vmem_shared>>
      tpu.enqueue_dma source(%arg12 : memref<128x80xf32, #tpu.memory_space<vmem>>) target(%dma_start3A_39 : memref<128x80xf32, #tpu.memory_space<vmem_shared>>) target_semaphore(%run_scoped3A : memref<!tpu.dma_semaphore, #tpu.memory_space<semaphore_mem>>)
      %dma_wait3A = arith.constant 0 : i32
      %dma_wait3A_40 = tpu.memref_slice %arg13[%add3A_8, %dma_wait3A] : memref<10240x80xf32, #tpu.memory_space<vmem_shared>> -> memref<128x80xf32, #tpu.memory_space<vmem_shared>>
      %dma_wait3A_41 = arith.constant 0 : i32
      %dma_wait3A_42 = tpu.memref_slice %arg13[%add3A_8, %dma_wait3A_41] : memref<10240x80xf32, #tpu.memory_space<vmem_shared>> -> memref<128x80xf32, #tpu.memory_space<vmem_shared>>
      tpu.wait_dma2 semaphore(%run_scoped3A : memref<!tpu.dma_semaphore, #tpu.memory_space<semaphore_mem>>) src(%arg12 : memref<128x80xf32, #tpu.memory_space<vmem>>) dst(%dma_wait3A_42 : memref<128x80xf32, #tpu.memory_space<vmem_shared>>)
      tpu.yield
    }) : () -> ()
    %mul3A_9 = arith.constant 640 : i32
    %mul3A_10 = arith.muli %arg1, %mul3A_9 : i32
    %add3A_11 = arith.constant 128 : i32
    %add3A_12 = arith.addi %mul3A_10, %add3A_11 : i32
    "tpu.region"() ({
      %run_scoped3A = tpu.sem_alloc : memref<!tpu.dma_semaphore, #tpu.memory_space<semaphore_mem>>
      %dma_start3A = arith.constant 0 : i32
      %dma_start3A_37 = tpu.memref_slice %arg13[%add3A_12, %dma_start3A] : memref<10240x80xf32, #tpu.memory_space<vmem_shared>> -> memref<128x80xf32, #tpu.memory_space<vmem_shared>>
      %dma_start3A_38 = arith.constant 0 : i32
      %dma_start3A_39 = tpu.memref_slice %arg13[%add3A_12, %dma_start3A_38] : memref<10240x80xf32, #tpu.memory_space<vmem_shared>> -> memref<128x80xf32, #tpu.memory_space<vmem_shared>>
      tpu.enqueue_dma source(%arg12 : memref<128x80xf32, #tpu.memory_space<vmem>>) target(%dma_start3A_39 : memref<128x80xf32, #tpu.memory_space<vmem_shared>>) target_semaphore(%run_scoped3A : memref<!tpu.dma_semaphore, #tpu.memory_space<semaphore_mem>>)
      %dma_wait3A = arith.constant 0 : i32
      %dma_wait3A_40 = tpu.memref_slice %arg13[%add3A_12, %dma_wait3A] : memref<10240x80xf32, #tpu.memory_space<vmem_shared>> -> memref<128x80xf32, #tpu.memory_space<vmem_shared>>
      %dma_wait3A_41 = arith.constant 0 : i32
      %dma_wait3A_42 = tpu.memref_slice %arg13[%add3A_12, %dma_wait3A_41] : memref<10240x80xf32, #tpu.memory_space<vmem_shared>> -> memref<128x80xf32, #tpu.memory_space<vmem_shared>>
      tpu.wait_dma2 semaphore(%run_scoped3A : memref<!tpu.dma_semaphore, #tpu.memory_space<semaphore_mem>>) src(%arg12 : memref<128x80xf32, #tpu.memory_space<vmem>>) dst(%dma_wait3A_42 : memref<128x80xf32, #tpu.memory_space<vmem_shared>>)
      tpu.yield
    }) : () -> ()
    %mul3A_13 = arith.constant 640 : i32
    %mul3A_14 = arith.muli %arg1, %mul3A_13 : i32
    %add3A_15 = arith.constant 256 : i32
    %add3A_16 = arith.addi %mul3A_14, %add3A_15 : i32
    "tpu.region"() ({
      %run_scoped3A = tpu.sem_alloc : memref<!tpu.dma_semaphore, #tpu.memory_space<semaphore_mem>>
      %dma_start3A = arith.constant 0 : i32
      %dma_start3A_37 = tpu.memref_slice %arg13[%add3A_16, %dma_start3A] : memref<10240x80xf32, #tpu.memory_space<vmem_shared>> -> memref<128x80xf32, #tpu.memory_space<vmem_shared>>
      %dma_start3A_38 = arith.constant 0 : i32
      %dma_start3A_39 = tpu.memref_slice %arg13[%add3A_16, %dma_start3A_38] : memref<10240x80xf32, #tpu.memory_space<vmem_shared>> -> memref<128x80xf32, #tpu.memory_space<vmem_shared>>
      tpu.enqueue_dma source(%arg12 : memref<128x80xf32, #tpu.memory_space<vmem>>) target(%dma_start3A_39 : memref<128x80xf32, #tpu.memory_space<vmem_shared>>) target_semaphore(%run_scoped3A : memref<!tpu.dma_semaphore, #tpu.memory_space<semaphore_mem>>)
      %dma_wait3A = arith.constant 0 : i32
      %dma_wait3A_40 = tpu.memref_slice %arg13[%add3A_16, %dma_wait3A] : memref<10240x80xf32, #tpu.memory_space<vmem_shared>> -> memref<128x80xf32, #tpu.memory_space<vmem_shared>>
      %dma_wait3A_41 = arith.constant 0 : i32
      %dma_wait3A_42 = tpu.memref_slice %arg13[%add3A_16, %dma_wait3A_41] : memref<10240x80xf32, #tpu.memory_space<vmem_shared>> -> memref<128x80xf32, #tpu.memory_space<vmem_shared>>
      tpu.wait_dma2 semaphore(%run_scoped3A : memref<!tpu.dma_semaphore, #tpu.memory_space<semaphore_mem>>) src(%arg12 : memref<128x80xf32, #tpu.memory_space<vmem>>) dst(%dma_wait3A_42 : memref<128x80xf32, #tpu.memory_space<vmem_shared>>)
      tpu.yield
    }) : () -> ()
    %mul3A_17 = arith.constant 640 : i32
    %mul3A_18 = arith.muli %arg1, %mul3A_17 : i32
    %add3A_19 = arith.constant 384 : i32
    %add3A_20 = arith.addi %mul3A_18, %add3A_19 : i32
    "tpu.region"() ({
      %run_scoped3A = tpu.sem_alloc : memref<!tpu.dma_semaphore, #tpu.memory_space<semaphore_mem>>
      %dma_start3A = arith.constant 0 : i32
      %dma_start3A_37 = tpu.memref_slice %arg13[%add3A_20, %dma_start3A] : memref<10240x80xf32, #tpu.memory_space<vmem_shared>> -> memref<128x80xf32, #tpu.memory_space<vmem_shared>>
      %dma_start3A_38 = arith.constant 0 : i32
      %dma_start3A_39 = tpu.memref_slice %arg13[%add3A_20, %dma_start3A_38] : memref<10240x80xf32, #tpu.memory_space<vmem_shared>> -> memref<128x80xf32, #tpu.memory_space<vmem_shared>>
      tpu.enqueue_dma source(%arg12 : memref<128x80xf32, #tpu.memory_space<vmem>>) target(%dma_start3A_39 : memref<128x80xf32, #tpu.memory_space<vmem_shared>>) target_semaphore(%run_scoped3A : memref<!tpu.dma_semaphore, #tpu.memory_space<semaphore_mem>>)
      %dma_wait3A = arith.constant 0 : i32
      %dma_wait3A_40 = tpu.memref_slice %arg13[%add3A_20, %dma_wait3A] : memref<10240x80xf32, #tpu.memory_space<vmem_shared>> -> memref<128x80xf32, #tpu.memory_space<vmem_shared>>
      %dma_wait3A_41 = arith.constant 0 : i32
      %dma_wait3A_42 = tpu.memref_slice %arg13[%add3A_20, %dma_wait3A_41] : memref<10240x80xf32, #tpu.memory_space<vmem_shared>> -> memref<128x80xf32, #tpu.memory_space<vmem_shared>>
      tpu.wait_dma2 semaphore(%run_scoped3A : memref<!tpu.dma_semaphore, #tpu.memory_space<semaphore_mem>>) src(%arg12 : memref<128x80xf32, #tpu.memory_space<vmem>>) dst(%dma_wait3A_42 : memref<128x80xf32, #tpu.memory_space<vmem_shared>>)
      tpu.yield
    }) : () -> ()
    %mul3A_21 = arith.constant 640 : i32
    %mul3A_22 = arith.muli %arg1, %mul3A_21 : i32
    %add3A_23 = arith.constant 512 : i32
    %add3A_24 = arith.addi %mul3A_22, %add3A_23 : i32
    "tpu.region"() ({
      %run_scoped3A = tpu.sem_alloc : memref<!tpu.dma_semaphore, #tpu.memory_space<semaphore_mem>>
      %dma_start3A = arith.constant 0 : i32
      %dma_start3A_37 = tpu.memref_slice %arg13[%add3A_24, %dma_start3A] : memref<10240x80xf32, #tpu.memory_space<vmem_shared>> -> memref<128x80xf32, #tpu.memory_space<vmem_shared>>
      %dma_start3A_38 = arith.constant 0 : i32
      %dma_start3A_39 = tpu.memref_slice %arg13[%add3A_24, %dma_start3A_38] : memref<10240x80xf32, #tpu.memory_space<vmem_shared>> -> memref<128x80xf32, #tpu.memory_space<vmem_shared>>
      tpu.enqueue_dma source(%arg12 : memref<128x80xf32, #tpu.memory_space<vmem>>) target(%dma_start3A_39 : memref<128x80xf32, #tpu.memory_space<vmem_shared>>) target_semaphore(%run_scoped3A : memref<!tpu.dma_semaphore, #tpu.memory_space<semaphore_mem>>)
      %dma_wait3A = arith.constant 0 : i32
      %dma_wait3A_40 = tpu.memref_slice %arg13[%add3A_24, %dma_wait3A] : memref<10240x80xf32, #tpu.memory_space<vmem_shared>> -> memref<128x80xf32, #tpu.memory_space<vmem_shared>>
      %dma_wait3A_41 = arith.constant 0 : i32
      %dma_wait3A_42 = tpu.memref_slice %arg13[%add3A_24, %dma_wait3A_41] : memref<10240x80xf32, #tpu.memory_space<vmem_shared>> -> memref<128x80xf32, #tpu.memory_space<vmem_shared>>
      tpu.wait_dma2 semaphore(%run_scoped3A : memref<!tpu.dma_semaphore, #tpu.memory_space<semaphore_mem>>) src(%arg12 : memref<128x80xf32, #tpu.memory_space<vmem>>) dst(%dma_wait3A_42 : memref<128x80xf32, #tpu.memory_space<vmem_shared>>)
      tpu.yield
    }) : () -> ()
    %barrier3A = arith.constant 0 : index
    tpu.barrier barrier_id(%barrier3A)
    %iota3A = tpu.iota {dimensions = array<i32: 0>} : vector<16xi32>
    %scan3A_25 = arith.constant 0 : i32
    %scan3A_26 = arith.constant 0 : i32
    %scan3A_27 = arith.constant 157 : i32
    %scan3A_28 = arith.addi %scan3A_26, %scan3A_27 : i32
    %scan3A_29 = arith.constant 1 : i32
    %scan3A_30 = scf.for %scan3A_37 = %scan3A_26 to %scan3A_28 step %scan3A_29 iter_args(%scan3A_38 = %scan3A_25) -> (i32)  : i32 {
      %dma_start3A = arith.constant 0 : i32
      %dma_start3A_39 = arith.constant 0 : i32
      %dma_start3A_40 = tpu.memref_slice %arg5[%arg1, %scan3A_37, %dma_start3A, %dma_start3A_39] : memref<16x157x2x128xi32, #tpu.memory_space<hbm>> -> memref<1x1x2x128xi32, #tpu.memory_space<hbm>>
      %dma_start3A_41 = tpu.memref_squeeze %dma_start3A_40 : memref<1x1x2x128xi32, #tpu.memory_space<hbm>> -> memref<2x128xi32, #tpu.memory_space<hbm>>
      %dma_start3A_42 = arith.constant 0 : i32
      %dma_start3A_43 = arith.constant 0 : i32
      %dma_start3A_44 = tpu.memref_slice %arg5[%arg1, %scan3A_37, %dma_start3A_42, %dma_start3A_43] : memref<16x157x2x128xi32, #tpu.memory_space<hbm>> -> memref<1x1x2x128xi32, #tpu.memory_space<hbm>>
      %dma_start3A_45 = tpu.memref_squeeze %dma_start3A_44 : memref<1x1x2x128xi32, #tpu.memory_space<hbm>> -> memref<2x128xi32, #tpu.memory_space<hbm>>
      tpu.enqueue_dma source(%dma_start3A_45 : memref<2x128xi32, #tpu.memory_space<hbm>>) target(%arg7 : memref<2x128xi32, #tpu.memory_space<vmem>>) target_semaphore(%arg14 : memref<!tpu.dma_semaphore, #tpu.memory_space<semaphore_mem>>)
      %dma_wait3A = arith.constant 0 : i32
      %dma_wait3A_46 = arith.constant 0 : i32
      %dma_wait3A_47 = tpu.memref_slice %arg5[%arg1, %scan3A_37, %dma_wait3A, %dma_wait3A_46] : memref<16x157x2x128xi32, #tpu.memory_space<hbm>> -> memref<1x1x2x128xi32, #tpu.memory_space<hbm>>
      %dma_wait3A_48 = tpu.memref_squeeze %dma_wait3A_47 : memref<1x1x2x128xi32, #tpu.memory_space<hbm>> -> memref<2x128xi32, #tpu.memory_space<hbm>>
      %dma_wait3A_49 = arith.constant 0 : i32
      %dma_wait3A_50 = arith.constant 0 : i32
      %dma_wait3A_51 = tpu.memref_slice %arg5[%arg1, %scan3A_37, %dma_wait3A_49, %dma_wait3A_50] : memref<16x157x2x128xi32, #tpu.memory_space<hbm>> -> memref<1x1x2x128xi32, #tpu.memory_space<hbm>>
      %dma_wait3A_52 = tpu.memref_squeeze %dma_wait3A_51 : memref<1x1x2x128xi32, #tpu.memory_space<hbm>> -> memref<2x128xi32, #tpu.memory_space<hbm>>
      tpu.wait_dma2 semaphore(%arg14 : memref<!tpu.dma_semaphore, #tpu.memory_space<semaphore_mem>>) src(%dma_wait3A_52 : memref<2x128xi32, #tpu.memory_space<hbm>>) dst(%arg7 : memref<2x128xi32, #tpu.memory_space<vmem>>)
      %dma_start3A_53 = arith.constant 1 : i32
      %dma_start3A_54 = arith.constant 0 : i32
      %dma_start3A_55 = tpu.memref_slice %arg7[%dma_start3A_53, %dma_start3A_54] : memref<2x128xi32, #tpu.memory_space<vmem>> -> memref<1x128xi32, #tpu.memory_space<vmem>>
      %dma_start3A_56 = tpu.memref_squeeze %dma_start3A_55 : memref<1x128xi32, #tpu.memory_space<vmem>> -> memref<128xi32, #tpu.memory_space<vmem>>
      %dma_start3A_57 = arith.constant 0 : i32
      %dma_start3A_58 = arith.constant 0 : i32
      %dma_start3A_59 = tpu.memref_slice %arg2[%arg0, %dma_start3A_57, %dma_start3A_58] : memref<2x10240x64xf32, #tpu.memory_space<hbm>> -> memref<1x10240x64xf32, #tpu.memory_space<hbm>>
      %dma_start3A_60 = tpu.memref_squeeze %dma_start3A_59 : memref<1x10240x64xf32, #tpu.memory_space<hbm>> -> memref<10240x64xf32, #tpu.memory_space<hbm>>
      %dma_start3A_61 = arith.constant 0 : i32
      %dma_start3A_62 = arith.constant 0 : i32
      %dma_start3A_63 = tpu.memref_slice %dma_start3A_60[%dma_start3A_61, %dma_start3A_62] : memref<10240x64xf32, #tpu.memory_space<hbm>> -> memref<10240x64xf32, #tpu.memory_space<hbm>>
      tpu.enqueue_indirect_dma source(%dma_start3A_63 : memref<10240x64xf32, #tpu.memory_space<hbm>>) target(%arg8 : memref<128x64xf32, #tpu.memory_space<vmem>>) offsets(%dma_start3A_56 : memref<128xi32, #tpu.memory_space<vmem>>) semaphore(%arg14 : memref<!tpu.dma_semaphore, #tpu.memory_space<semaphore_mem>>)
      %dma_start3A_64 = arith.constant 0 : i32
      %dma_start3A_65 = arith.constant 0 : i32
      %dma_start3A_66 = tpu.memref_slice %arg7[%dma_start3A_64, %dma_start3A_65] : memref<2x128xi32, #tpu.memory_space<vmem>> -> memref<1x128xi32, #tpu.memory_space<vmem>>
      %dma_start3A_67 = tpu.memref_squeeze %dma_start3A_66 : memref<1x128xi32, #tpu.memory_space<vmem>> -> memref<128xi32, #tpu.memory_space<vmem>>
      %dma_start3A_68 = arith.constant 0 : i32
      %dma_start3A_69 = arith.constant 0 : i32
      %dma_start3A_70 = tpu.memref_slice %arg3[%arg0, %dma_start3A_68, %dma_start3A_69] : memref<2x10240x128xf32, #tpu.memory_space<hbm>> -> memref<1x10240x128xf32, #tpu.memory_space<hbm>>
      %dma_start3A_71 = tpu.memref_squeeze %dma_start3A_70 : memref<1x10240x128xf32, #tpu.memory_space<hbm>> -> memref<10240x128xf32, #tpu.memory_space<hbm>>
      %dma_start3A_72 = arith.constant 0 : i32
      %dma_start3A_73 = arith.constant 0 : i32
      %dma_start3A_74 = tpu.memref_slice %dma_start3A_71[%dma_start3A_72, %dma_start3A_73] : memref<10240x128xf32, #tpu.memory_space<hbm>> -> memref<10240x128xf32, #tpu.memory_space<hbm>>
      tpu.enqueue_indirect_dma source(%dma_start3A_74 : memref<10240x128xf32, #tpu.memory_space<hbm>>) target(%arg9 : memref<128x128xf32, #tpu.memory_space<vmem>>) offsets(%dma_start3A_67 : memref<128xi32, #tpu.memory_space<vmem>>) semaphore(%arg14 : memref<!tpu.dma_semaphore, #tpu.memory_space<semaphore_mem>>)
      %mul3A_75 = arith.constant 20096 : i32
      %mul3A_76 = arith.muli %arg1, %mul3A_75 : i32
      %mul3A_77 = arith.constant 128 : i32
      %mul3A_78 = arith.muli %scan3A_37, %mul3A_77 : i32
      %add3A_79 = arith.addi %mul3A_76, %mul3A_78 : i32
      %dma_start3A_80 = arith.constant 0 : i32
      %dma_start3A_81 = tpu.memref_slice %arg4[%arg0, %add3A_79, %dma_start3A_80] : memref<2x321536x64xf32, #tpu.memory_space<hbm>> -> memref<1x128x64xf32, #tpu.memory_space<hbm>>
      %dma_start3A_82 = tpu.memref_squeeze %dma_start3A_81 : memref<1x128x64xf32, #tpu.memory_space<hbm>> -> memref<128x64xf32, #tpu.memory_space<hbm>>
      %dma_start3A_83 = arith.constant 0 : i32
      %dma_start3A_84 = tpu.memref_slice %arg4[%arg0, %add3A_79, %dma_start3A_83] : memref<2x321536x64xf32, #tpu.memory_space<hbm>> -> memref<1x128x64xf32, #tpu.memory_space<hbm>>
      %dma_start3A_85 = tpu.memref_squeeze %dma_start3A_84 : memref<1x128x64xf32, #tpu.memory_space<hbm>> -> memref<128x64xf32, #tpu.memory_space<hbm>>
      tpu.enqueue_dma source(%dma_start3A_85 : memref<128x64xf32, #tpu.memory_space<hbm>>) target(%arg10 : memref<128x64xf32, #tpu.memory_space<vmem>>) target_semaphore(%arg14 : memref<!tpu.dma_semaphore, #tpu.memory_space<semaphore_mem>>)
      %dma_wait3A_86 = arith.constant 1 : i32
      %dma_wait3A_87 = arith.constant 0 : i32
      %dma_wait3A_88 = tpu.memref_slice %arg7[%dma_wait3A_86, %dma_wait3A_87] : memref<2x128xi32, #tpu.memory_space<vmem>> -> memref<1x128xi32, #tpu.memory_space<vmem>>
      %dma_wait3A_89 = tpu.memref_squeeze %dma_wait3A_88 : memref<1x128xi32, #tpu.memory_space<vmem>> -> memref<128xi32, #tpu.memory_space<vmem>>
      %dma_wait3A_90 = arith.constant 0 : i32
      %dma_wait3A_91 = arith.constant 0 : i32
      %dma_wait3A_92 = tpu.memref_slice %arg2[%arg0, %dma_wait3A_90, %dma_wait3A_91] : memref<2x10240x64xf32, #tpu.memory_space<hbm>> -> memref<1x10240x64xf32, #tpu.memory_space<hbm>>
      %dma_wait3A_93 = tpu.memref_squeeze %dma_wait3A_92 : memref<1x10240x64xf32, #tpu.memory_space<hbm>> -> memref<10240x64xf32, #tpu.memory_space<hbm>>
      %dma_wait3A_94 = arith.constant 0 : i32
      %dma_wait3A_95 = arith.constant 0 : i32
      %dma_wait3A_96 = tpu.memref_slice %dma_wait3A_93[%dma_wait3A_94, %dma_wait3A_95] : memref<10240x64xf32, #tpu.memory_space<hbm>> -> memref<10240x64xf32, #tpu.memory_space<hbm>>
      tpu.wait_indirect_dma semaphore(%arg14 : memref<!tpu.dma_semaphore, #tpu.memory_space<semaphore_mem>>) src(%dma_wait3A_96 : memref<10240x64xf32, #tpu.memory_space<hbm>>) dst(%arg8 : memref<128x64xf32, #tpu.memory_space<vmem>>)
      %dma_wait3A_97 = arith.constant 0 : i32
      %dma_wait3A_98 = arith.constant 0 : i32
      %dma_wait3A_99 = tpu.memref_slice %arg7[%dma_wait3A_97, %dma_wait3A_98] : memref<2x128xi32, #tpu.memory_space<vmem>> -> memref<1x128xi32, #tpu.memory_space<vmem>>
      %dma_wait3A_100 = tpu.memref_squeeze %dma_wait3A_99 : memref<1x128xi32, #tpu.memory_space<vmem>> -> memref<128xi32, #tpu.memory_space<vmem>>
      %dma_wait3A_101 = arith.constant 0 : i32
      %dma_wait3A_102 = arith.constant 0 : i32
      %dma_wait3A_103 = tpu.memref_slice %arg3[%arg0, %dma_wait3A_101, %dma_wait3A_102] : memref<2x10240x128xf32, #tpu.memory_space<hbm>> -> memref<1x10240x128xf32, #tpu.memory_space<hbm>>
      %dma_wait3A_104 = tpu.memref_squeeze %dma_wait3A_103 : memref<1x10240x128xf32, #tpu.memory_space<hbm>> -> memref<10240x128xf32, #tpu.memory_space<hbm>>
      %dma_wait3A_105 = arith.constant 0 : i32
      %dma_wait3A_106 = arith.constant 0 : i32
      %dma_wait3A_107 = tpu.memref_slice %dma_wait3A_104[%dma_wait3A_105, %dma_wait3A_106] : memref<10240x128xf32, #tpu.memory_space<hbm>> -> memref<10240x128xf32, #tpu.memory_space<hbm>>
      tpu.wait_indirect_dma semaphore(%arg14 : memref<!tpu.dma_semaphore, #tpu.memory_space<semaphore_mem>>) src(%dma_wait3A_107 : memref<10240x128xf32, #tpu.memory_space<hbm>>) dst(%arg9 : memref<128x128xf32, #tpu.memory_space<vmem>>)
      %dma_wait3A_108 = arith.constant 0 : i32
      %dma_wait3A_109 = tpu.memref_slice %arg4[%arg0, %add3A_79, %dma_wait3A_108] : memref<2x321536x64xf32, #tpu.memory_space<hbm>> -> memref<1x128x64xf32, #tpu.memory_space<hbm>>
      %dma_wait3A_110 = tpu.memref_squeeze %dma_wait3A_109 : memref<1x128x64xf32, #tpu.memory_space<hbm>> -> memref<128x64xf32, #tpu.memory_space<hbm>>
      %dma_wait3A_111 = arith.constant 0 : i32
      %dma_wait3A_112 = tpu.memref_slice %arg4[%arg0, %add3A_79, %dma_wait3A_111] : memref<2x321536x64xf32, #tpu.memory_space<hbm>> -> memref<1x128x64xf32, #tpu.memory_space<hbm>>
      %dma_wait3A_113 = tpu.memref_squeeze %dma_wait3A_112 : memref<1x128x64xf32, #tpu.memory_space<hbm>> -> memref<128x64xf32, #tpu.memory_space<hbm>>
      tpu.wait_dma2 semaphore(%arg14 : memref<!tpu.dma_semaphore, #tpu.memory_space<semaphore_mem>>) src(%dma_wait3A_113 : memref<128x64xf32, #tpu.memory_space<hbm>>) dst(%arg10 : memref<128x64xf32, #tpu.memory_space<vmem>>)
      %scan3A_114 = arith.constant 0 : i32
      %scan3A_115 = arith.constant 0 : i32
      %scan3A_116 = arith.constant 128 : i32
      %scan3A_117 = arith.addi %scan3A_115, %scan3A_116 : i32
      %scan3A_118 = arith.constant 1 : i32
      %scan3A_119 = scf.for %scan3A_136 = %scan3A_115 to %scan3A_117 step %scan3A_118 iter_args(%scan3A_137 = %scan3A_114) -> (i32)  : i32 {
        %get3A = arith.index_cast %scan3A_136 : i32 to index
        %get3A_138 = arith.constant 0 : index
        %get3A_139 = tpu.vector_load %arg8[%get3A, %get3A_138] {strides = array<i32>} : memref<128x64xf32, #tpu.memory_space<vmem>>, vector<16xf32>,
        %get3A_140 = arith.index_cast %scan3A_136 : i32 to index
        %get3A_141 = arith.constant 16 : index
        %get3A_142 = tpu.vector_load %arg8[%get3A_140, %get3A_141] {strides = array<i32>} : memref<128x64xf32, #tpu.memory_space<vmem>>, vector<16xf32>,
        %get3A_143 = arith.index_cast %scan3A_136 : i32 to index
        %get3A_144 = arith.constant 32 : index
        %get3A_145 = tpu.vector_load %arg8[%get3A_143, %get3A_144] {strides = array<i32>} : memref<128x64xf32, #tpu.memory_space<vmem>>, vector<16xf32>,
        %get3A_146 = arith.index_cast %scan3A_136 : i32 to index
        %get3A_147 = arith.constant 48 : index
        %get3A_148 = tpu.vector_load %arg8[%get3A_146, %get3A_147] {strides = array<i32>} : memref<128x64xf32, #tpu.memory_space<vmem>>, vector<16xf32>,
        %get3A_149 = arith.index_cast %scan3A_136 : i32 to index
        %get3A_150 = arith.constant 0 : index
        %get3A_151 = tpu.vector_load %arg9[%get3A_149, %get3A_150] {strides = array<i32>} : memref<128x128xf32, #tpu.memory_space<vmem>>, vector<16xf32>,
        %get3A_152 = arith.index_cast %scan3A_136 : i32 to index
        %get3A_153 = arith.constant 16 : index
        %get3A_154 = tpu.vector_load %arg9[%get3A_152, %get3A_153] {strides = array<i32>} : memref<128x128xf32, #tpu.memory_space<vmem>>, vector<16xf32>,
        %get3A_155 = arith.index_cast %scan3A_136 : i32 to index
        %get3A_156 = arith.constant 32 : index
        %get3A_157 = tpu.vector_load %arg9[%get3A_155, %get3A_156] {strides = array<i32>} : memref<128x128xf32, #tpu.memory_space<vmem>>, vector<16xf32>,
        %get3A_158 = arith.index_cast %scan3A_136 : i32 to index
        %get3A_159 = arith.constant 48 : index
        %get3A_160 = tpu.vector_load %arg9[%get3A_158, %get3A_159] {strides = array<i32>} : memref<128x128xf32, #tpu.memory_space<vmem>>, vector<16xf32>,
        %get3A_161 = arith.index_cast %scan3A_136 : i32 to index
        %get3A_162 = arith.constant 64 : index
        %get3A_163 = tpu.vector_load %arg9[%get3A_161, %get3A_162] {strides = array<i32>} : memref<128x128xf32, #tpu.memory_space<vmem>>, vector<16xf32>,
        %get3A_164 = arith.index_cast %scan3A_136 : i32 to index
        %get3A_165 = arith.constant 80 : index
        %get3A_166 = tpu.vector_load %arg9[%get3A_164, %get3A_165] {strides = array<i32>} : memref<128x128xf32, #tpu.memory_space<vmem>>, vector<16xf32>,
        %get3A_167 = arith.index_cast %scan3A_136 : i32 to index
        %get3A_168 = arith.constant 96 : index
        %get3A_169 = tpu.vector_load %arg9[%get3A_167, %get3A_168] {strides = array<i32>} : memref<128x128xf32, #tpu.memory_space<vmem>>, vector<16xf32>,
        %get3A_170 = arith.index_cast %scan3A_136 : i32 to index
        %get3A_171 = arith.constant 112 : index
        %get3A_172 = tpu.vector_load %arg9[%get3A_170, %get3A_171] {strides = array<i32>} : memref<128x128xf32, #tpu.memory_space<vmem>>, vector<16xf32>,
        %get3A_173 = arith.index_cast %scan3A_136 : i32 to index
        %get3A_174 = arith.constant 0 : index
        %get3A_175 = tpu.vector_load %arg10[%get3A_173, %get3A_174] {strides = array<i32>} : memref<128x64xf32, #tpu.memory_space<vmem>>, vector<16xf32>,
        %get3A_176 = arith.index_cast %scan3A_136 : i32 to index
        %get3A_177 = arith.constant 16 : index
        %get3A_178 = tpu.vector_load %arg10[%get3A_176, %get3A_177] {strides = array<i32>} : memref<128x64xf32, #tpu.memory_space<vmem>>, vector<16xf32>,
        %get3A_179 = arith.index_cast %scan3A_136 : i32 to index
        %get3A_180 = arith.constant 32 : index
        %get3A_181 = tpu.vector_load %arg10[%get3A_179, %get3A_180] {strides = array<i32>} : memref<128x64xf32, #tpu.memory_space<vmem>>, vector<16xf32>,
        %get3A_182 = arith.index_cast %scan3A_136 : i32 to index
        %get3A_183 = arith.constant 48 : index
        %get3A_184 = tpu.vector_load %arg10[%get3A_182, %get3A_183] {strides = array<i32>} : memref<128x64xf32, #tpu.memory_space<vmem>>, vector<16xf32>,
        %add3A_185 = arith.addf %get3A_151, %get3A_175 : vector<16xf32>
        %mul3A_186 = arith.mulf %get3A_139, %add3A_185 : vector<16xf32>
        %add3A_187 = arith.addf %get3A_154, %get3A_178 : vector<16xf32>
        %mul3A_188 = arith.mulf %get3A_142, %add3A_187 : vector<16xf32>
        %add3A_189 = arith.addf %get3A_157, %get3A_181 : vector<16xf32>
        %mul3A_190 = arith.mulf %get3A_145, %add3A_189 : vector<16xf32>
        %add3A_191 = arith.addf %get3A_160, %get3A_184 : vector<16xf32>
        %mul3A_192 = arith.mulf %get3A_148, %add3A_191 : vector<16xf32>
        %add3A_193 = arith.addf %mul3A_186, %mul3A_188 : vector<16xf32>
        %reduce_sum3A = arith.constant true
        %reduce_sum3A_194 = vector.broadcast %reduce_sum3A : i1 to vector<16xi1>
        %reduce_sum3A_195 = tpu.scan <sum>, %add3A_193 masked %reduce_sum3A_194 : vector<16xf32>, vector<16xi1> -> vector<16xf32>
        %reduce_sum3A_196 = vector.extract %reduce_sum3A_195[15] : f32 from vector<16xf32>
        %add3A_197 = arith.addf %mul3A_190, %mul3A_192 : vector<16xf32>
        %reduce_sum3A_198 = arith.constant true
        %reduce_sum3A_199 = vector.broadcast %reduce_sum3A_198 : i1 to vector<16xi1>
        %reduce_sum3A_200 = tpu.scan <sum>, %add3A_197 masked %reduce_sum3A_199 : vector<16xf32>, vector<16xi1> -> vector<16xf32>
        %reduce_sum3A_201 = vector.extract %reduce_sum3A_200[15] : f32 from vector<16xf32>
        %broadcast_in_dim3A_202 = vector.broadcast %reduce_sum3A_196 : f32 to vector<16xf32>
        %mul3A_203 = arith.constant 0.176776692 : f32
        %mul3A_204 = vector.broadcast %mul3A_203 : f32 to vector<16xf32>
        %mul3A_205 = arith.mulf %broadcast_in_dim3A_202, %mul3A_204 : vector<16xf32>
        %exp3A = math.exp %mul3A_205 : vector<16xf32>
        %broadcast_in_dim3A_206 = vector.broadcast %reduce_sum3A_201 : f32 to vector<16xf32>
        %mul3A_207 = arith.constant 0.176776692 : f32
        %mul3A_208 = vector.broadcast %mul3A_207 : f32 to vector<16xf32>
        %mul3A_209 = arith.mulf %broadcast_in_dim3A_206, %mul3A_208 : vector<16xf32>
        %exp3A_210 = math.exp %mul3A_209 : vector<16xf32>
        %add3A_211 = arith.addf %get3A_163, %get3A_175 : vector<16xf32>
        %mul3A_212 = arith.mulf %exp3A, %add3A_211 : vector<16xf32>
        %swap3A = arith.index_cast %scan3A_136 : i32 to index
        %swap3A_213 = arith.constant 0 : index
        %swap3A_214 = tpu.vector_load %arg11[%swap3A, %swap3A_213] {strides = array<i32>} : memref<128x80xf32, #tpu.memory_space<vmem>>, vector<16xf32>,
        tpu.vector_store %arg11[%swap3A, %swap3A_213], %mul3A_212 {strides = array<i32>} : memref<128x80xf32, #tpu.memory_space<vmem>>, vector<16xf32>,
        %add3A_215 = arith.addf %get3A_166, %get3A_178 : vector<16xf32>
        %mul3A_216 = arith.mulf %exp3A, %add3A_215 : vector<16xf32>
        %swap3A_217 = arith.index_cast %scan3A_136 : i32 to index
        %swap3A_218 = arith.constant 16 : index
        %swap3A_219 = tpu.vector_load %arg11[%swap3A_217, %swap3A_218] {strides = array<i32>} : memref<128x80xf32, #tpu.memory_space<vmem>>, vector<16xf32>,
        tpu.vector_store %arg11[%swap3A_217, %swap3A_218], %mul3A_216 {strides = array<i32>} : memref<128x80xf32, #tpu.memory_space<vmem>>, vector<16xf32>,
        %add3A_220 = arith.addf %get3A_169, %get3A_181 : vector<16xf32>
        %mul3A_221 = arith.mulf %exp3A_210, %add3A_220 : vector<16xf32>
        %swap3A_222 = arith.index_cast %scan3A_136 : i32 to index
        %swap3A_223 = arith.constant 32 : index
        %swap3A_224 = tpu.vector_load %arg11[%swap3A_222, %swap3A_223] {strides = array<i32>} : memref<128x80xf32, #tpu.memory_space<vmem>>, vector<16xf32>,
        tpu.vector_store %arg11[%swap3A_222, %swap3A_223], %mul3A_221 {strides = array<i32>} : memref<128x80xf32, #tpu.memory_space<vmem>>, vector<16xf32>,
        %add3A_225 = arith.addf %get3A_172, %get3A_184 : vector<16xf32>
        %mul3A_226 = arith.mulf %exp3A_210, %add3A_225 : vector<16xf32>
        %swap3A_227 = arith.index_cast %scan3A_136 : i32 to index
        %swap3A_228 = arith.constant 48 : index
        %swap3A_229 = tpu.vector_load %arg11[%swap3A_227, %swap3A_228] {strides = array<i32>} : memref<128x80xf32, #tpu.memory_space<vmem>>, vector<16xf32>,
        tpu.vector_store %arg11[%swap3A_227, %swap3A_228], %mul3A_226 {strides = array<i32>} : memref<128x80xf32, #tpu.memory_space<vmem>>, vector<16xf32>,
        %mul3A_230 = arith.constant 2 : i32
        %mul3A_231 = arith.muli %arg0, %mul3A_230 : i32
        %eq3A = vector.broadcast %mul3A_231 : i32 to vector<16xi32>
        %eq3A_232 = arith.cmpi eq, %iota3A, %eq3A : vector<16xi32>
        %select_n3A = arith.select %eq3A_232, %exp3A, %broadcast_in_dim3A_0 : vector<16xi1>, vector<16xf32>
        %mul3A_233 = arith.constant 2 : i32
        %mul3A_234 = arith.muli %arg0, %mul3A_233 : i32
        %add3A_235 = arith.constant 1 : i32
        %add3A_236 = arith.addi %mul3A_234, %add3A_235 : i32
        %eq3A_237 = vector.broadcast %add3A_236 : i32 to vector<16xi32>
        %eq3A_238 = arith.cmpi eq, %iota3A, %eq3A_237 : vector<16xi32>
        %select_n3A_239 = arith.select %eq3A_238, %exp3A_210, %broadcast_in_dim3A_0 : vector<16xi1>, vector<16xf32>
        %add3A_240 = arith.addf %select_n3A, %select_n3A_239 : vector<16xf32>
        %swap3A_241 = arith.index_cast %scan3A_136 : i32 to index
        %swap3A_242 = arith.constant 64 : index
        %swap3A_243 = tpu.vector_load %arg11[%swap3A_241, %swap3A_242] {strides = array<i32>} : memref<128x80xf32, #tpu.memory_space<vmem>>, vector<16xf32>,
        tpu.vector_store %arg11[%swap3A_241, %swap3A_242], %add3A_240 {strides = array<i32>} : memref<128x80xf32, #tpu.memory_space<vmem>>, vector<16xf32>,
        %scan3A_244 = arith.constant 0 : i32
        scf.yield %scan3A_244 : i32
      }
      %scan3A_120 = arith.constant 128 : i32
      %dma_start3A_121 = arith.constant 1 : i32
      %dma_start3A_122 = arith.constant 0 : i32
      %dma_start3A_123 = tpu.memref_slice %arg7[%dma_start3A_121, %dma_start3A_122] : memref<2x128xi32, #tpu.memory_space<vmem>> -> memref<1x128xi32, #tpu.memory_space<vmem>>
      %dma_start3A_124 = tpu.memref_squeeze %dma_start3A_123 : memref<1x128xi32, #tpu.memory_space<vmem>> -> memref<128xi32, #tpu.memory_space<vmem>>
      %dma_start3A_125 = arith.constant 0 : i32
      %dma_start3A_126 = arith.constant 0 : i32
      %dma_start3A_127 = tpu.memref_slice %arg13[%dma_start3A_125, %dma_start3A_126] : memref<10240x80xf32, #tpu.memory_space<vmem_shared>> -> memref<10240x80xf32, #tpu.memory_space<vmem_shared>>
      tpu.enqueue_indirect_dma source(%arg11 : memref<128x80xf32, #tpu.memory_space<vmem>>) target(%dma_start3A_127 : memref<10240x80xf32, #tpu.memory_space<vmem_shared>>) offsets(%dma_start3A_124 : memref<128xi32, #tpu.memory_space<vmem>>) semaphore(%arg14 : memref<!tpu.dma_semaphore, #tpu.memory_space<semaphore_mem>>) {add = true}
      %dma_wait3A_128 = arith.constant 1 : i32
      %dma_wait3A_129 = arith.constant 0 : i32
      %dma_wait3A_130 = tpu.memref_slice %arg7[%dma_wait3A_128, %dma_wait3A_129] : memref<2x128xi32, #tpu.memory_space<vmem>> -> memref<1x128xi32, #tpu.memory_space<vmem>>
      %dma_wait3A_131 = tpu.memref_squeeze %dma_wait3A_130 : memref<1x128xi32, #tpu.memory_space<vmem>> -> memref<128xi32, #tpu.memory_space<vmem>>
      %dma_wait3A_132 = arith.constant 0 : i32
      %dma_wait3A_133 = arith.constant 0 : i32
      %dma_wait3A_134 = tpu.memref_slice %arg13[%dma_wait3A_132, %dma_wait3A_133] : memref<10240x80xf32, #tpu.memory_space<vmem_shared>> -> memref<10240x80xf32, #tpu.memory_space<vmem_shared>>
      tpu.wait_indirect_dma semaphore(%arg14 : memref<!tpu.dma_semaphore, #tpu.memory_space<semaphore_mem>>) src(%arg11 : memref<128x80xf32, #tpu.memory_space<vmem>>) dst(%dma_wait3A_134 : memref<10240x80xf32, #tpu.memory_space<vmem_shared>>)
      %scan3A_135 = arith.constant 0 : i32
      scf.yield %scan3A_135 : i32
    }
    %scan3A_31 = arith.constant 157 : i32
    %barrier3A_32 = arith.constant 0 : index
    tpu.barrier barrier_id(%barrier3A_32)
    %mul3A_33 = arith.constant 640 : i32
    %mul3A_34 = arith.muli %arg1, %mul3A_33 : i32
    %mul3A_35 = arith.constant 640 : i32
    %mul3A_36 = arith.muli %arg1, %mul3A_35 : i32
    "tpu.region"() ({
      %run_scoped3A = tpu.sem_alloc : memref<!tpu.dma_semaphore, #tpu.memory_space<semaphore_mem>>
      %dma_start3A = arith.constant 0 : i32
      %dma_start3A_37 = tpu.memref_slice %arg6[%arg0, %mul3A_36, %dma_start3A] : memref<2x10240x80xf32, #tpu.memory_space<hbm>> -> memref<1x640x80xf32, #tpu.memory_space<hbm>>
      %dma_start3A_38 = tpu.memref_squeeze %dma_start3A_37 : memref<1x640x80xf32, #tpu.memory_space<hbm>> -> memref<640x80xf32, #tpu.memory_space<hbm>>
      %dma_start3A_39 = arith.constant 0 : i32
      %dma_start3A_40 = tpu.memref_slice %arg13[%mul3A_34, %dma_start3A_39] : memref<10240x80xf32, #tpu.memory_space<vmem_shared>> -> memref<640x80xf32, #tpu.memory_space<vmem_shared>>
      tpu.enqueue_dma source(%dma_start3A_40 : memref<640x80xf32, #tpu.memory_space<vmem_shared>>) target(%dma_start3A_38 : memref<640x80xf32, #tpu.memory_space<hbm>>) target_semaphore(%run_scoped3A : memref<!tpu.dma_semaphore, #tpu.memory_space<semaphore_mem>>)
      %dma_wait3A = arith.constant 0 : i32
      %dma_wait3A_41 = tpu.memref_slice %arg6[%arg0, %mul3A_36, %dma_wait3A] : memref<2x10240x80xf32, #tpu.memory_space<hbm>> -> memref<1x640x80xf32, #tpu.memory_space<hbm>>
      %dma_wait3A_42 = tpu.memref_squeeze %dma_wait3A_41 : memref<1x640x80xf32, #tpu.memory_space<hbm>> -> memref<640x80xf32, #tpu.memory_space<hbm>>
      %dma_wait3A_43 = arith.constant 0 : i32
      %dma_wait3A_44 = tpu.memref_slice %arg13[%mul3A_34, %dma_wait3A_43] : memref<10240x80xf32, #tpu.memory_space<vmem_shared>> -> memref<640x80xf32, #tpu.memory_space<vmem_shared>>
      tpu.wait_dma2 semaphore(%run_scoped3A : memref<!tpu.dma_semaphore, #tpu.memory_space<semaphore_mem>>) src(%dma_wait3A_44 : memref<640x80xf32, #tpu.memory_space<vmem_shared>>) dst(%dma_wait3A_42 : memref<640x80xf32, #tpu.memory_space<hbm>>)
      tpu.yield
    }) : () -> ()
    return
  }
}

module attributes {stable_mosaic.version = 14 : i64} {
  func.func @_enc_body(%arg0: i32, %arg1: memref<2000x8xf32, #tpu.memory_space<vmem>>, %arg2: memref<2000x8xf32, #tpu.memory_space<vmem>>, %arg3: memref<8x32xf32, #tpu.memory_space<vmem>>, %arg4: memref<32x128xf32, #tpu.memory_space<vmem>>, %arg5: memref<8x128xf32, #tpu.memory_space<vmem>>, %arg6: memref<1x128xf32, #tpu.memory_space<vmem>>, %arg7: memref<128x128xf32, #tpu.memory_space<vmem>>, %arg8: memref<128x128xf32, #tpu.memory_space<vmem>>, %arg9: memref<128x128xf32, #tpu.memory_space<vmem>>, %arg10: memref<2000x128xf32, #tpu.memory_space<vmem>>, %arg11: memref<2x2000x64xf32, #tpu.memory_space<vmem>>, %arg12: memref<2x2000x128xf32, #tpu.memory_space<vmem>>) attributes {dimension_semantics = [#tpu.dimension_semantics<arbitrary>], iteration_bounds = array<i64: 5>, scalar_prefetch = 0 : i64, scratch_operands = 0 : i64, tpu.core_type = #tpu.core_type<tc>, window_params = [{transform_indices = @transform_0, window_bounds = array<i64: 2000, 8>}, {transform_indices = @transform_1, window_bounds = array<i64: 2000, 8>}, {pipeline_mode = #tpu.pipeline_mode<synchronous>, transform_indices = @transform_2, window_bounds = array<i64: 8, 32>}, {pipeline_mode = #tpu.pipeline_mode<synchronous>, transform_indices = @transform_3, window_bounds = array<i64: 32, 128>}, {pipeline_mode = #tpu.pipeline_mode<synchronous>, transform_indices = @transform_4, window_bounds = array<i64: 8, 128>}, {pipeline_mode = #tpu.pipeline_mode<synchronous>, transform_indices = @transform_5, window_bounds = array<i64: 1, 128>}, {pipeline_mode = #tpu.pipeline_mode<synchronous>, transform_indices = @transform_6, window_bounds = array<i64: 128, 128>}, {pipeline_mode = #tpu.pipeline_mode<synchronous>, transform_indices = @transform_7, window_bounds = array<i64: 128, 128>}, {pipeline_mode = #tpu.pipeline_mode<synchronous>, transform_indices = @transform_8, window_bounds = array<i64: 128, 128>}, {transform_indices = @transform_9, window_bounds = array<i64: 2000, 128>}, {transform_indices = @transform_10, window_bounds = array<i64: 2, 2000, 64>}, {transform_indices = @transform_11, window_bounds = array<i64: 2, 2000, 128>}]} {
    %get3A = arith.constant 0 : index
    %get3A_0 = arith.constant 0 : index
    %get3A_1 = vector.load %arg1[%get3A, %get3A_0] : memref<2000x8xf32, #tpu.memory_space<vmem>>, vector<2000x1xf32>
    %convert_element_type3A = arith.fptosi %get3A_1 : vector<2000x1xf32> to vector<2000x1xi32>
    %iota3A = tpu.iota {dimensions = array<i32: 1>} : vector<2000x8xi32>
    %eq3A = vector.broadcast %convert_element_type3A : vector<2000x1xi32> to vector<2000x8xi32>
    %eq3A_2 = arith.cmpi eq, %iota3A, %eq3A : vector<2000x8xi32>
    %convert_element_type3A_3 = arith.extui %eq3A_2 : vector<2000x8xi1> to vector<2000x8xi32>
    %convert_element_type3A_4 = arith.sitofp %convert_element_type3A_3 : vector<2000x8xi32> to vector<2000x8xf32>
    %get3A_5 = arith.constant 0 : index
    %get3A_6 = arith.constant 0 : index
    %get3A_7 = vector.load %arg3[%get3A_5, %get3A_6] : memref<8x32xf32, #tpu.memory_space<vmem>>, vector<8x32xf32>
    %dot_general3A = arith.constant dense<0.000000e+00> : vector<2000x32xf32>
    %dot_general3A_8 = tpu.matmul %convert_element_type3A_4, %get3A_7, %dot_general3A {dimension_numbers = #tpu.dot_dimension_numbers<[1], [0], [0], [1], [0, 0, 1, 1], [], []>, transpose_lhs_hint = false} : vector<2000x8xf32>, vector<8x32xf32>, vector<2000x32xf32> -> vector<2000x32xf32>
    %get3A_9 = arith.constant 0 : index
    %get3A_10 = arith.constant 0 : index
    %get3A_11 = vector.load %arg4[%get3A_9, %get3A_10] : memref<32x128xf32, #tpu.memory_space<vmem>>, vector<32x128xf32>
    %dot_general3A_12 = arith.constant dense<0.000000e+00> : vector<2000x128xf32>
    %dot_general3A_13 = tpu.matmul %dot_general3A_8, %get3A_11, %dot_general3A_12 {dimension_numbers = #tpu.dot_dimension_numbers<[1], [0], [0], [1], [0, 0, 1, 1], [], []>, transpose_lhs_hint = false} : vector<2000x32xf32>, vector<32x128xf32>, vector<2000x128xf32> -> vector<2000x128xf32>
    %get3A_14 = arith.constant 0 : index
    %get3A_15 = arith.constant 0 : index
    %get3A_16 = vector.load %arg2[%get3A_14, %get3A_15] : memref<2000x8xf32, #tpu.memory_space<vmem>>, vector<2000x8xf32>
    %get3A_17 = arith.constant 0 : index
    %get3A_18 = arith.constant 0 : index
    %get3A_19 = vector.load %arg5[%get3A_17, %get3A_18] : memref<8x128xf32, #tpu.memory_space<vmem>>, vector<8x128xf32>
    %dot_general3A_20 = arith.constant dense<0.000000e+00> : vector<2000x128xf32>
    %dot_general3A_21 = tpu.matmul %get3A_16, %get3A_19, %dot_general3A_20 {dimension_numbers = #tpu.dot_dimension_numbers<[1], [0], [0], [1], [0, 0, 1, 1], [], []>, transpose_lhs_hint = false} : vector<2000x8xf32>, vector<8x128xf32>, vector<2000x128xf32> -> vector<2000x128xf32>
    %add3A = arith.addf %dot_general3A_13, %dot_general3A_21 : vector<2000x128xf32>
    %get3A_22 = arith.constant 0 : index
    %get3A_23 = arith.constant 0 : index
    %get3A_24 = vector.load %arg6[%get3A_22, %get3A_23] : memref<1x128xf32, #tpu.memory_space<vmem>>, vector<1x128xf32>
    %add3A_25 = vector.broadcast %get3A_24 : vector<1x128xf32> to vector<2000x128xf32>
    %add3A_26 = arith.addf %add3A, %add3A_25 : vector<2000x128xf32>
    %swap3A = arith.constant 0 : index
    %swap3A_27 = arith.constant 0 : index
    %swap3A_28 = vector.load %arg10[%swap3A, %swap3A_27] : memref<2000x128xf32, #tpu.memory_space<vmem>>, vector<2000x128xf32>
    tpu.vector_store %arg10[%swap3A, %swap3A_27], %add3A_26 {strides = array<i32>} : memref<2000x128xf32, #tpu.memory_space<vmem>>, vector<2000x128xf32>,
    %get3A_29 = arith.constant 0 : index
    %get3A_30 = arith.constant 0 : index
    %get3A_31 = vector.load %arg7[%get3A_29, %get3A_30] : memref<128x128xf32, #tpu.memory_space<vmem>>, vector<128x128xf32>
    %dot_general3A_32 = arith.constant dense<0.000000e+00> : vector<2000x128xf32>
    %dot_general3A_33 = tpu.matmul %add3A_26, %get3A_31, %dot_general3A_32 {dimension_numbers = #tpu.dot_dimension_numbers<[1], [0], [0], [1], [0, 0, 1, 1], [], []>, transpose_lhs_hint = false} : vector<2000x128xf32>, vector<128x128xf32>, vector<2000x128xf32> -> vector<2000x128xf32>
    %get3A_34 = arith.constant 0 : index
    %get3A_35 = arith.constant 0 : index
    %get3A_36 = vector.load %arg8[%get3A_34, %get3A_35] : memref<128x128xf32, #tpu.memory_space<vmem>>, vector<128x128xf32>
    %dot_general3A_37 = arith.constant dense<0.000000e+00> : vector<2000x128xf32>
    %dot_general3A_38 = tpu.matmul %add3A_26, %get3A_36, %dot_general3A_37 {dimension_numbers = #tpu.dot_dimension_numbers<[1], [0], [0], [1], [0, 0, 1, 1], [], []>, transpose_lhs_hint = false} : vector<2000x128xf32>, vector<128x128xf32>, vector<2000x128xf32> -> vector<2000x128xf32>
    %get3A_39 = arith.constant 0 : index
    %get3A_40 = arith.constant 0 : index
    %get3A_41 = vector.load %arg9[%get3A_39, %get3A_40] : memref<128x128xf32, #tpu.memory_space<vmem>>, vector<128x128xf32>
    %dot_general3A_42 = arith.constant dense<0.000000e+00> : vector<2000x128xf32>
    %dot_general3A_43 = tpu.matmul %add3A_26, %get3A_41, %dot_general3A_42 {dimension_numbers = #tpu.dot_dimension_numbers<[1], [0], [0], [1], [0, 0, 1, 1], [], []>, transpose_lhs_hint = false} : vector<2000x128xf32>, vector<128x128xf32>, vector<2000x128xf32> -> vector<2000x128xf32>
    %slice3A = vector.extract_strided_slice %dot_general3A_33 {offsets = [0, 0], sizes = [2000, 64], strides = [1, 1]} : vector<2000x128xf32> to vector<2000x64xf32>
    %swap3A_44 = arith.constant 0 : index
    %swap3A_45 = arith.constant 0 : index
    %swap3A_46 = arith.constant 0 : index
    %swap3A_47 = vector.load %arg11[%swap3A_44, %swap3A_45, %swap3A_46] : memref<2x2000x64xf32, #tpu.memory_space<vmem>>, vector<1x2000x64xf32>
    %swap3A_48 = vector.shape_cast %swap3A_47 : vector<1x2000x64xf32> to vector<2000x64xf32>
    %swap3A_49 = vector.shape_cast %slice3A : vector<2000x64xf32> to vector<1x2000x64xf32>
    tpu.vector_store %arg11[%swap3A_44, %swap3A_45, %swap3A_46], %swap3A_49 {strides = array<i32>} : memref<2x2000x64xf32, #tpu.memory_space<vmem>>, vector<1x2000x64xf32>,
    %slice3A_50 = vector.extract_strided_slice %dot_general3A_33 {offsets = [0, 64], sizes = [2000, 64], strides = [1, 1]} : vector<2000x128xf32> to vector<2000x64xf32>
    %swap3A_51 = arith.constant 1 : index
    %swap3A_52 = arith.constant 0 : index
    %swap3A_53 = arith.constant 0 : index
    %swap3A_54 = vector.load %arg11[%swap3A_51, %swap3A_52, %swap3A_53] : memref<2x2000x64xf32, #tpu.memory_space<vmem>>, vector<1x2000x64xf32>
    %swap3A_55 = vector.shape_cast %swap3A_54 : vector<1x2000x64xf32> to vector<2000x64xf32>
    %swap3A_56 = vector.shape_cast %slice3A_50 : vector<2000x64xf32> to vector<1x2000x64xf32>
    tpu.vector_store %arg11[%swap3A_51, %swap3A_52, %swap3A_53], %swap3A_56 {strides = array<i32>} : memref<2x2000x64xf32, #tpu.memory_space<vmem>>, vector<1x2000x64xf32>,
    %slice3A_57 = vector.extract_strided_slice %dot_general3A_38 {offsets = [0, 0], sizes = [2000, 64], strides = [1, 1]} : vector<2000x128xf32> to vector<2000x64xf32>
    %slice3A_58 = vector.extract_strided_slice %dot_general3A_43 {offsets = [0, 0], sizes = [2000, 64], strides = [1, 1]} : vector<2000x128xf32> to vector<2000x64xf32>
    %concatenate3A = tpu.concatenate %slice3A_57, %slice3A_58 in 1 : vector<2000x64xf32>, vector<2000x64xf32> -> vector<2000x128xf32>
    %swap3A_59 = arith.constant 0 : index
    %swap3A_60 = arith.constant 0 : index
    %swap3A_61 = arith.constant 0 : index
    %swap3A_62 = vector.load %arg12[%swap3A_59, %swap3A_60, %swap3A_61] : memref<2x2000x128xf32, #tpu.memory_space<vmem>>, vector<1x2000x128xf32>
    %swap3A_63 = vector.shape_cast %swap3A_62 : vector<1x2000x128xf32> to vector<2000x128xf32>
    %swap3A_64 = vector.shape_cast %concatenate3A : vector<2000x128xf32> to vector<1x2000x128xf32>
    tpu.vector_store %arg12[%swap3A_59, %swap3A_60, %swap3A_61], %swap3A_64 {strides = array<i32>} : memref<2x2000x128xf32, #tpu.memory_space<vmem>>, vector<1x2000x128xf32>,
    %slice3A_65 = vector.extract_strided_slice %dot_general3A_38 {offsets = [0, 64], sizes = [2000, 64], strides = [1, 1]} : vector<2000x128xf32> to vector<2000x64xf32>
    %slice3A_66 = vector.extract_strided_slice %dot_general3A_43 {offsets = [0, 64], sizes = [2000, 64], strides = [1, 1]} : vector<2000x128xf32> to vector<2000x64xf32>
    %concatenate3A_67 = tpu.concatenate %slice3A_65, %slice3A_66 in 1 : vector<2000x64xf32>, vector<2000x64xf32> -> vector<2000x128xf32>
    %swap3A_68 = arith.constant 1 : index
    %swap3A_69 = arith.constant 0 : index
    %swap3A_70 = arith.constant 0 : index
    %swap3A_71 = vector.load %arg12[%swap3A_68, %swap3A_69, %swap3A_70] : memref<2x2000x128xf32, #tpu.memory_space<vmem>>, vector<1x2000x128xf32>
    %swap3A_72 = vector.shape_cast %swap3A_71 : vector<1x2000x128xf32> to vector<2000x128xf32>
    %swap3A_73 = vector.shape_cast %concatenate3A_67 : vector<2000x128xf32> to vector<1x2000x128xf32>
    tpu.vector_store %arg12[%swap3A_68, %swap3A_69, %swap3A_70], %swap3A_73 {strides = array<i32>} : memref<2x2000x128xf32, #tpu.memory_space<vmem>>, vector<1x2000x128xf32>,
    return
  }
  func.func @transform_0(%arg0: i32) -> (i32, i32) {
    %c0_i32 = arith.constant 0 : i32
    %c0_i32_0 = arith.constant 0 : i32
    return %arg0, %c0_i32 : i32, i32
  }
  func.func @transform_1(%arg0: i32) -> (i32, i32) {
    %c0_i32 = arith.constant 0 : i32
    %c0_i32_0 = arith.constant 0 : i32
    return %arg0, %c0_i32 : i32, i32
  }
  func.func @transform_2(%arg0: i32) -> (i32, i32) {
    %c0_i32 = arith.constant 0 : i32
    %c0_i32_0 = arith.constant 0 : i32
    %c0_i32_1 = arith.constant 0 : i32
    return %c0_i32, %c0_i32_0 : i32, i32
  }
  func.func @transform_3(%arg0: i32) -> (i32, i32) {
    %c0_i32 = arith.constant 0 : i32
    %c0_i32_0 = arith.constant 0 : i32
    %c0_i32_1 = arith.constant 0 : i32
    return %c0_i32, %c0_i32_0 : i32, i32
  }
  func.func @transform_4(%arg0: i32) -> (i32, i32) {
    %c0_i32 = arith.constant 0 : i32
    %c0_i32_0 = arith.constant 0 : i32
    %c0_i32_1 = arith.constant 0 : i32
    return %c0_i32, %c0_i32_0 : i32, i32
  }
  func.func @transform_5(%arg0: i32) -> (i32, i32) {
    %c0_i32 = arith.constant 0 : i32
    %c0_i32_0 = arith.constant 0 : i32
    %c0_i32_1 = arith.constant 0 : i32
    return %c0_i32, %c0_i32_0 : i32, i32
  }
  func.func @transform_6(%arg0: i32) -> (i32, i32) {
    %c0_i32 = arith.constant 0 : i32
    %c0_i32_0 = arith.constant 0 : i32
    %c0_i32_1 = arith.constant 0 : i32
    return %c0_i32, %c0_i32_0 : i32, i32
  }
  func.func @transform_7(%arg0: i32) -> (i32, i32) {
    %c0_i32 = arith.constant 0 : i32
    %c0_i32_0 = arith.constant 0 : i32
    %c0_i32_1 = arith.constant 0 : i32
    return %c0_i32, %c0_i32_0 : i32, i32
  }
  func.func @transform_8(%arg0: i32) -> (i32, i32) {
    %c0_i32 = arith.constant 0 : i32
    %c0_i32_0 = arith.constant 0 : i32
    %c0_i32_1 = arith.constant 0 : i32
    return %c0_i32, %c0_i32_0 : i32, i32
  }
  func.func @transform_9(%arg0: i32) -> (i32, i32) {
    %c0_i32 = arith.constant 0 : i32
    %c0_i32_0 = arith.constant 0 : i32
    return %arg0, %c0_i32 : i32, i32
  }
  func.func @transform_10(%arg0: i32) -> (i32, i32, i32) {
    %c0_i32 = arith.constant 0 : i32
    %c0_i32_0 = arith.constant 0 : i32
    %c0_i32_1 = arith.constant 0 : i32
    return %c0_i32, %arg0, %c0_i32_0 : i32, i32, i32
  }
  func.func @transform_11(%arg0: i32) -> (i32, i32, i32) {
    %c0_i32 = arith.constant 0 : i32
    %c0_i32_0 = arith.constant 0 : i32
    %c0_i32_1 = arith.constant 0 : i32
    return %c0_i32, %arg0, %c0_i32_0 : i32, i32, i32
  }
}

module attributes {stable_mosaic.version = 14 : i64} {
  func.func @_e_body(%arg0: i32, %arg1: memref<2048x1xf32, #tpu.memory_space<vmem>>, %arg2: memref<32x128xf32, #tpu.memory_space<vmem>>, %arg3: memref<2x2048x64xf32, #tpu.memory_space<vmem>>) attributes {dimension_semantics = [#tpu.dimension_semantics<arbitrary>], iteration_bounds = array<i64: 157>, scalar_prefetch = 0 : i64, scratch_operands = 0 : i64, tpu.core_type = #tpu.core_type<tc>, window_params = [{transform_indices = @transform_0, window_bounds = array<i64: 2048, 1>}, {pipeline_mode = #tpu.pipeline_mode<synchronous>, transform_indices = @transform_1, window_bounds = array<i64: 32, 128>}, {transform_indices = @transform_2, window_bounds = array<i64: 2, 2048, 64>}]} {
    %get3A = arith.constant 0 : index
    %get3A_0 = arith.constant 0 : index
    %get3A_1 = vector.load %arg1[%get3A, %get3A_0] : memref<2048x1xf32, #tpu.memory_space<vmem>>, vector<2048x1xf32>
    %add3A = arith.constant 9.99999996E-13 : f32
    %add3A_2 = vector.broadcast %add3A : f32 to vector<2048x1xf32>
    %add3A_3 = arith.addf %get3A_1, %add3A_2 : vector<2048x1xf32>
    %sqrt3A = math.sqrt %add3A_3 : vector<2048x1xf32>
    %iota3A = tpu.iota {dimensions = array<i32: 1>} : vector<1x32xi32>
    %convert_element_type3A = arith.sitofp %iota3A : vector<1x32xi32> to vector<1x32xf32>
    %mul3A = arith.constant 0.193548381 : f32
    %mul3A_4 = vector.broadcast %mul3A : f32 to vector<1x32xf32>
    %mul3A_5 = arith.mulf %convert_element_type3A, %mul3A_4 : vector<1x32xf32>
    %sub3A = vector.broadcast %sqrt3A : vector<2048x1xf32> to vector<2048x32xf32>
    %sub3A_6 = vector.broadcast %mul3A_5 : vector<1x32xf32> to vector<2048x32xf32>
    %sub3A_7 = arith.subf %sub3A, %sub3A_6 : vector<2048x32xf32>
    %mul3A_8 = arith.mulf %sub3A_7, %sub3A_7 : vector<2048x32xf32>
    %neg3A = arith.constant 0.000000e+00 : f32
    %neg3A_9 = vector.broadcast %neg3A : f32 to vector<2048x32xf32>
    %neg3A_10 = arith.subf %neg3A_9, %mul3A_8 : vector<2048x32xf32>
    %mul3A_11 = arith.constant 14.2222223 : f32
    %mul3A_12 = vector.broadcast %mul3A_11 : f32 to vector<2048x32xf32>
    %mul3A_13 = arith.mulf %neg3A_10, %mul3A_12 : vector<2048x32xf32>
    %exp3A = math.exp %mul3A_13 : vector<2048x32xf32>
    %get3A_14 = arith.constant 0 : index
    %get3A_15 = arith.constant 0 : index
    %get3A_16 = vector.load %arg2[%get3A_14, %get3A_15] : memref<32x128xf32, #tpu.memory_space<vmem>>, vector<32x128xf32>
    %dot_general3A = arith.constant dense<0.000000e+00> : vector<2048x128xf32>
    %dot_general3A_17 = tpu.matmul %exp3A, %get3A_16, %dot_general3A {dimension_numbers = #tpu.dot_dimension_numbers<[1], [0], [0], [1], [0, 0, 1, 1], [], []>, transpose_lhs_hint = false} : vector<2048x32xf32>, vector<32x128xf32>, vector<2048x128xf32> -> vector<2048x128xf32>
    %slice3A = vector.extract_strided_slice %dot_general3A_17 {offsets = [0, 0], sizes = [2048, 64], strides = [1, 1]} : vector<2048x128xf32> to vector<2048x64xf32>
    %swap3A = arith.constant 0 : index
    %swap3A_18 = arith.constant 0 : index
    %swap3A_19 = arith.constant 0 : index
    %swap3A_20 = vector.load %arg3[%swap3A, %swap3A_18, %swap3A_19] : memref<2x2048x64xf32, #tpu.memory_space<vmem>>, vector<1x2048x64xf32>
    %swap3A_21 = vector.shape_cast %swap3A_20 : vector<1x2048x64xf32> to vector<2048x64xf32>
    %swap3A_22 = vector.shape_cast %slice3A : vector<2048x64xf32> to vector<1x2048x64xf32>
    tpu.vector_store %arg3[%swap3A, %swap3A_18, %swap3A_19], %swap3A_22 {strides = array<i32>} : memref<2x2048x64xf32, #tpu.memory_space<vmem>>, vector<1x2048x64xf32>,
    %slice3A_23 = vector.extract_strided_slice %dot_general3A_17 {offsets = [0, 64], sizes = [2048, 64], strides = [1, 1]} : vector<2048x128xf32> to vector<2048x64xf32>
    %swap3A_24 = arith.constant 1 : index
    %swap3A_25 = arith.constant 0 : index
    %swap3A_26 = arith.constant 0 : index
    %swap3A_27 = vector.load %arg3[%swap3A_24, %swap3A_25, %swap3A_26] : memref<2x2048x64xf32, #tpu.memory_space<vmem>>, vector<1x2048x64xf32>
    %swap3A_28 = vector.shape_cast %swap3A_27 : vector<1x2048x64xf32> to vector<2048x64xf32>
    %swap3A_29 = vector.shape_cast %slice3A_23 : vector<2048x64xf32> to vector<1x2048x64xf32>
    tpu.vector_store %arg3[%swap3A_24, %swap3A_25, %swap3A_26], %swap3A_29 {strides = array<i32>} : memref<2x2048x64xf32, #tpu.memory_space<vmem>>, vector<1x2048x64xf32>,
    return
  }
  func.func @transform_0(%arg0: i32) -> (i32, i32) {
    %c0_i32 = arith.constant 0 : i32
    %c0_i32_0 = arith.constant 0 : i32
    return %arg0, %c0_i32 : i32, i32
  }
  func.func @transform_1(%arg0: i32) -> (i32, i32) {
    %c0_i32 = arith.constant 0 : i32
    %c0_i32_0 = arith.constant 0 : i32
    %c0_i32_1 = arith.constant 0 : i32
    return %c0_i32, %c0_i32_0 : i32, i32
  }
  func.func @transform_2(%arg0: i32) -> (i32, i32, i32) {
    %c0_i32 = arith.constant 0 : i32
    %c0_i32_0 = arith.constant 0 : i32
    %c0_i32_1 = arith.constant 0 : i32
    return %c0_i32, %arg0, %c0_i32_0 : i32, i32, i32
  }
}

module attributes {stable_mosaic.version = 14 : i64} {
  func.func @_merge_body(%arg0: i32, %arg1: memref<2000x128xf32, #tpu.memory_space<vmem>>, %arg2: memref<2x2000x80xf32, #tpu.memory_space<vmem>>, %arg3: memref<128x128xf32, #tpu.memory_space<vmem>>, %arg4: memref<1x128xf32, #tpu.memory_space<vmem>>, %arg5: memref<1x128xf32, #tpu.memory_space<vmem>>, %arg6: memref<1x128xf32, #tpu.memory_space<vmem>>, %arg7: memref<128x128xf32, #tpu.memory_space<vmem>>, %arg8: memref<128x128xf32, #tpu.memory_space<vmem>>, %arg9: memref<128x128xf32, #tpu.memory_space<vmem>>, %arg10: memref<2000x128xf32, #tpu.memory_space<vmem>>, %arg11: memref<2x2000x64xf32, #tpu.memory_space<vmem>>, %arg12: memref<2x2000x128xf32, #tpu.memory_space<vmem>>) attributes {dimension_semantics = [#tpu.dimension_semantics<arbitrary>], iteration_bounds = array<i64: 5>, scalar_prefetch = 0 : i64, scratch_operands = 0 : i64, tpu.core_type = #tpu.core_type<tc>, window_params = [{transform_indices = @transform_0, window_bounds = array<i64: 2000, 128>}, {transform_indices = @transform_1, window_bounds = array<i64: 2, 2000, 80>}, {pipeline_mode = #tpu.pipeline_mode<synchronous>, transform_indices = @transform_2, window_bounds = array<i64: 128, 128>}, {pipeline_mode = #tpu.pipeline_mode<synchronous>, transform_indices = @transform_3, window_bounds = array<i64: 1, 128>}, {pipeline_mode = #tpu.pipeline_mode<synchronous>, transform_indices = @transform_4, window_bounds = array<i64: 1, 128>}, {pipeline_mode = #tpu.pipeline_mode<synchronous>, transform_indices = @transform_5, window_bounds = array<i64: 1, 128>}, {pipeline_mode = #tpu.pipeline_mode<synchronous>, transform_indices = @transform_6, window_bounds = array<i64: 128, 128>}, {pipeline_mode = #tpu.pipeline_mode<synchronous>, transform_indices = @transform_7, window_bounds = array<i64: 128, 128>}, {pipeline_mode = #tpu.pipeline_mode<synchronous>, transform_indices = @transform_8, window_bounds = array<i64: 128, 128>}, {transform_indices = @transform_9, window_bounds = array<i64: 2000, 128>}, {transform_indices = @transform_10, window_bounds = array<i64: 2, 2000, 64>}, {transform_indices = @transform_11, window_bounds = array<i64: 2, 2000, 128>}]} {
    %get3A = arith.constant 0 : index
    %get3A_0 = arith.constant 0 : index
    %get3A_1 = arith.constant 0 : index
    %get3A_2 = vector.load %arg2[%get3A, %get3A_0, %get3A_1] : memref<2x2000x80xf32, #tpu.memory_space<vmem>>, vector<2x2000x80xf32>
    %slice3A = vector.extract_strided_slice %get3A_2 {offsets = [0, 0, 0], sizes = [1, 2000, 64], strides = [1, 1, 1]} : vector<2x2000x80xf32> to vector<1x2000x64xf32>
    %squeeze3A = vector.shape_cast %slice3A : vector<1x2000x64xf32> to vector<2000x64xf32>
    %slice3A_3 = vector.extract_strided_slice %get3A_2 {offsets = [1, 0, 0], sizes = [1, 2000, 64], strides = [1, 1, 1]} : vector<2x2000x80xf32> to vector<1x2000x64xf32>
    %squeeze3A_4 = vector.shape_cast %slice3A_3 : vector<1x2000x64xf32> to vector<2000x64xf32>
    %concatenate3A = tpu.concatenate %squeeze3A, %squeeze3A_4 in 1 : vector<2000x64xf32>, vector<2000x64xf32> -> vector<2000x128xf32>
    %slice3A_5 = vector.extract_strided_slice %get3A_2 {offsets = [0, 0, 64], sizes = [1, 2000, 16], strides = [1, 1, 1]} : vector<2x2000x80xf32> to vector<1x2000x16xf32>
    %squeeze3A_6 = vector.shape_cast %slice3A_5 : vector<1x2000x16xf32> to vector<2000x16xf32>
    %slice3A_7 = vector.extract_strided_slice %get3A_2 {offsets = [1, 0, 64], sizes = [1, 2000, 16], strides = [1, 1, 1]} : vector<2x2000x80xf32> to vector<1x2000x16xf32>
    %squeeze3A_8 = vector.shape_cast %slice3A_7 : vector<1x2000x16xf32> to vector<2000x16xf32>
    %add3A = arith.addf %squeeze3A_6, %squeeze3A_8 : vector<2000x16xf32>
    %slice3A_9 = vector.extract_strided_slice %add3A {offsets = [0, 0], sizes = [2000, 1], strides = [1, 1]} : vector<2000x16xf32> to vector<2000x1xf32>
    %broadcast_in_dim3A = vector.shape_cast %slice3A_9 : vector<2000x1xf32> to vector<2000x1xf32>
    %broadcast_in_dim3A_10 = vector.broadcast %broadcast_in_dim3A : vector<2000x1xf32> to vector<2000x32xf32>
    %slice3A_11 = vector.extract_strided_slice %add3A {offsets = [0, 1], sizes = [2000, 1], strides = [1, 1]} : vector<2000x16xf32> to vector<2000x1xf32>
    %broadcast_in_dim3A_12 = vector.shape_cast %slice3A_11 : vector<2000x1xf32> to vector<2000x1xf32>
    %broadcast_in_dim3A_13 = vector.broadcast %broadcast_in_dim3A_12 : vector<2000x1xf32> to vector<2000x32xf32>
    %slice3A_14 = vector.extract_strided_slice %add3A {offsets = [0, 2], sizes = [2000, 1], strides = [1, 1]} : vector<2000x16xf32> to vector<2000x1xf32>
    %broadcast_in_dim3A_15 = vector.shape_cast %slice3A_14 : vector<2000x1xf32> to vector<2000x1xf32>
    %broadcast_in_dim3A_16 = vector.broadcast %broadcast_in_dim3A_15 : vector<2000x1xf32> to vector<2000x32xf32>
    %slice3A_17 = vector.extract_strided_slice %add3A {offsets = [0, 3], sizes = [2000, 1], strides = [1, 1]} : vector<2000x16xf32> to vector<2000x1xf32>
    %broadcast_in_dim3A_18 = vector.shape_cast %slice3A_17 : vector<2000x1xf32> to vector<2000x1xf32>
    %broadcast_in_dim3A_19 = vector.broadcast %broadcast_in_dim3A_18 : vector<2000x1xf32> to vector<2000x32xf32>
    %concatenate3A_20 = tpu.concatenate %broadcast_in_dim3A_10, %broadcast_in_dim3A_13, %broadcast_in_dim3A_16, %broadcast_in_dim3A_19 in 1 : vector<2000x32xf32>, vector<2000x32xf32>, vector<2000x32xf32>, vector<2000x32xf32> -> vector<2000x128xf32>
    %add3A_21 = arith.constant 1.000000e-16 : f32
    %add3A_22 = vector.broadcast %add3A_21 : f32 to vector<2000x128xf32>
    %add3A_23 = arith.addf %concatenate3A_20, %add3A_22 : vector<2000x128xf32>
    %div3A = arith.divf %concatenate3A, %add3A_23 : vector<2000x128xf32>
    %get3A_24 = arith.constant 0 : index
    %get3A_25 = arith.constant 0 : index
    %get3A_26 = vector.load %arg3[%get3A_24, %get3A_25] : memref<128x128xf32, #tpu.memory_space<vmem>>, vector<128x128xf32>
    %dot_general3A = arith.constant dense<0.000000e+00> : vector<2000x128xf32>
    %dot_general3A_27 = tpu.matmul %div3A, %get3A_26, %dot_general3A {dimension_numbers = #tpu.dot_dimension_numbers<[1], [0], [0], [1], [0, 0, 1, 1], [], []>, transpose_lhs_hint = false} : vector<2000x128xf32>, vector<128x128xf32>, vector<2000x128xf32> -> vector<2000x128xf32>
    %get3A_28 = arith.constant 0 : index
    %get3A_29 = arith.constant 0 : index
    %get3A_30 = vector.load %arg4[%get3A_28, %get3A_29] : memref<1x128xf32, #tpu.memory_space<vmem>>, vector<1x128xf32>
    %add3A_31 = vector.broadcast %get3A_30 : vector<1x128xf32> to vector<2000x128xf32>
    %add3A_32 = arith.addf %dot_general3A_27, %add3A_31 : vector<2000x128xf32>
    %integer_pow3A = arith.mulf %add3A_32, %add3A_32 : vector<2000x128xf32>
    %integer_pow3A_33 = arith.mulf %add3A_32, %integer_pow3A : vector<2000x128xf32>
    %mul3A = arith.constant 4.471500e-02 : f32
    %mul3A_34 = vector.broadcast %mul3A : f32 to vector<2000x128xf32>
    %mul3A_35 = arith.mulf %mul3A_34, %integer_pow3A_33 : vector<2000x128xf32>
    %add3A_36 = arith.addf %add3A_32, %mul3A_35 : vector<2000x128xf32>
    %mul3A_37 = arith.constant 0.797884583 : f32
    %mul3A_38 = vector.broadcast %mul3A_37 : f32 to vector<2000x128xf32>
    %mul3A_39 = arith.mulf %mul3A_38, %add3A_36 : vector<2000x128xf32>
    %tanh3A = math.tanh %mul3A_39 : vector<2000x128xf32>
    %add3A_40 = arith.constant 1.000000e+00 : f32
    %add3A_41 = vector.broadcast %add3A_40 : f32 to vector<2000x128xf32>
    %add3A_42 = arith.addf %add3A_41, %tanh3A : vector<2000x128xf32>
    %mul3A_43 = arith.constant 5.000000e-01 : f32
    %mul3A_44 = vector.broadcast %mul3A_43 : f32 to vector<2000x128xf32>
    %mul3A_45 = arith.mulf %mul3A_44, %add3A_42 : vector<2000x128xf32>
    %mul3A_46 = arith.mulf %add3A_32, %mul3A_45 : vector<2000x128xf32>
    %get3A_47 = arith.constant 0 : index
    %get3A_48 = arith.constant 0 : index
    %get3A_49 = vector.load %arg1[%get3A_47, %get3A_48] : memref<2000x128xf32, #tpu.memory_space<vmem>>, vector<2000x128xf32>
    %add3A_50 = arith.addf %get3A_49, %mul3A_46 : vector<2000x128xf32>
    %reduce_sum3A = arith.constant dense<0.000000e+00> : vector<2000xf32>
    %reduce_sum3A_51 = vector.multi_reduction <add>, %add3A_50, %reduce_sum3A [1] : vector<2000x128xf32> to vector<2000xf32>
    %broadcast_in_dim3A_52 = vector.shape_cast %reduce_sum3A_51 : vector<2000xf32> to vector<2000x1xf32>
    %div3A_53 = arith.constant 1.280000e+02 : f32
    %div3A_54 = vector.broadcast %div3A_53 : f32 to vector<2000x1xf32>
    %div3A_55 = arith.divf %broadcast_in_dim3A_52, %div3A_54 : vector<2000x1xf32>
    %sub3A = vector.broadcast %div3A_55 : vector<2000x1xf32> to vector<2000x128xf32>
    %sub3A_56 = arith.subf %add3A_50, %sub3A : vector<2000x128xf32>
    %sub3A_57 = vector.broadcast %div3A_55 : vector<2000x1xf32> to vector<2000x128xf32>
    %sub3A_58 = arith.subf %add3A_50, %sub3A_57 : vector<2000x128xf32>
    %mul3A_59 = arith.mulf %sub3A_56, %sub3A_58 : vector<2000x128xf32>
    %reduce_sum3A_60 = arith.constant dense<0.000000e+00> : vector<2000xf32>
    %reduce_sum3A_61 = vector.multi_reduction <add>, %mul3A_59, %reduce_sum3A_60 [1] : vector<2000x128xf32> to vector<2000xf32>
    %broadcast_in_dim3A_62 = vector.shape_cast %reduce_sum3A_61 : vector<2000xf32> to vector<2000x1xf32>
    %div3A_63 = arith.constant 1.280000e+02 : f32
    %div3A_64 = vector.broadcast %div3A_63 : f32 to vector<2000x1xf32>
    %div3A_65 = arith.divf %broadcast_in_dim3A_62, %div3A_64 : vector<2000x1xf32>
    %sub3A_66 = vector.broadcast %div3A_55 : vector<2000x1xf32> to vector<2000x128xf32>
    %sub3A_67 = arith.subf %add3A_50, %sub3A_66 : vector<2000x128xf32>
    %add3A_68 = arith.constant 9.99999974E-6 : f32
    %add3A_69 = vector.broadcast %add3A_68 : f32 to vector<2000x1xf32>
    %add3A_70 = arith.addf %div3A_65, %add3A_69 : vector<2000x1xf32>
    %sqrt3A = math.sqrt %add3A_70 : vector<2000x1xf32>
    %div3A_71 = vector.broadcast %sqrt3A : vector<2000x1xf32> to vector<2000x128xf32>
    %div3A_72 = arith.divf %sub3A_67, %div3A_71 : vector<2000x128xf32>
    %get3A_73 = arith.constant 0 : index
    %get3A_74 = arith.constant 0 : index
    %get3A_75 = vector.load %arg5[%get3A_73, %get3A_74] : memref<1x128xf32, #tpu.memory_space<vmem>>, vector<1x128xf32>
    %mul3A_76 = vector.broadcast %get3A_75 : vector<1x128xf32> to vector<2000x128xf32>
    %mul3A_77 = arith.mulf %div3A_72, %mul3A_76 : vector<2000x128xf32>
    %get3A_78 = arith.constant 0 : index
    %get3A_79 = arith.constant 0 : index
    %get3A_80 = vector.load %arg6[%get3A_78, %get3A_79] : memref<1x128xf32, #tpu.memory_space<vmem>>, vector<1x128xf32>
    %add3A_81 = vector.broadcast %get3A_80 : vector<1x128xf32> to vector<2000x128xf32>
    %add3A_82 = arith.addf %mul3A_77, %add3A_81 : vector<2000x128xf32>
    %swap3A = arith.constant 0 : index
    %swap3A_83 = arith.constant 0 : index
    %swap3A_84 = vector.load %arg10[%swap3A, %swap3A_83] : memref<2000x128xf32, #tpu.memory_space<vmem>>, vector<2000x128xf32>
    tpu.vector_store %arg10[%swap3A, %swap3A_83], %add3A_82 {strides = array<i32>} : memref<2000x128xf32, #tpu.memory_space<vmem>>, vector<2000x128xf32>,
    %get3A_85 = arith.constant 0 : index
    %get3A_86 = arith.constant 0 : index
    %get3A_87 = vector.load %arg7[%get3A_85, %get3A_86] : memref<128x128xf32, #tpu.memory_space<vmem>>, vector<128x128xf32>
    %dot_general3A_88 = arith.constant dense<0.000000e+00> : vector<2000x128xf32>
    %dot_general3A_89 = tpu.matmul %add3A_82, %get3A_87, %dot_general3A_88 {dimension_numbers = #tpu.dot_dimension_numbers<[1], [0], [0], [1], [0, 0, 1, 1], [], []>, transpose_lhs_hint = false} : vector<2000x128xf32>, vector<128x128xf32>, vector<2000x128xf32> -> vector<2000x128xf32>
    %get3A_90 = arith.constant 0 : index
    %get3A_91 = arith.constant 0 : index
    %get3A_92 = vector.load %arg8[%get3A_90, %get3A_91] : memref<128x128xf32, #tpu.memory_space<vmem>>, vector<128x128xf32>
    %dot_general3A_93 = arith.constant dense<0.000000e+00> : vector<2000x128xf32>
    %dot_general3A_94 = tpu.matmul %add3A_82, %get3A_92, %dot_general3A_93 {dimension_numbers = #tpu.dot_dimension_numbers<[1], [0], [0], [1], [0, 0, 1, 1], [], []>, transpose_lhs_hint = false} : vector<2000x128xf32>, vector<128x128xf32>, vector<2000x128xf32> -> vector<2000x128xf32>
    %get3A_95 = arith.constant 0 : index
    %get3A_96 = arith.constant 0 : index
    %get3A_97 = vector.load %arg9[%get3A_95, %get3A_96] : memref<128x128xf32, #tpu.memory_space<vmem>>, vector<128x128xf32>
    %dot_general3A_98 = arith.constant dense<0.000000e+00> : vector<2000x128xf32>
    %dot_general3A_99 = tpu.matmul %add3A_82, %get3A_97, %dot_general3A_98 {dimension_numbers = #tpu.dot_dimension_numbers<[1], [0], [0], [1], [0, 0, 1, 1], [], []>, transpose_lhs_hint = false} : vector<2000x128xf32>, vector<128x128xf32>, vector<2000x128xf32> -> vector<2000x128xf32>
    %slice3A_100 = vector.extract_strided_slice %dot_general3A_89 {offsets = [0, 0], sizes = [2000, 64], strides = [1, 1]} : vector<2000x128xf32> to vector<2000x64xf32>
    %swap3A_101 = arith.constant 0 : index
    %swap3A_102 = arith.constant 0 : index
    %swap3A_103 = arith.constant 0 : index
    %swap3A_104 = vector.load %arg11[%swap3A_101, %swap3A_102, %swap3A_103] : memref<2x2000x64xf32, #tpu.memory_space<vmem>>, vector<1x2000x64xf32>
    %swap3A_105 = vector.shape_cast %swap3A_104 : vector<1x2000x64xf32> to vector<2000x64xf32>
    %swap3A_106 = vector.shape_cast %slice3A_100 : vector<2000x64xf32> to vector<1x2000x64xf32>
    tpu.vector_store %arg11[%swap3A_101, %swap3A_102, %swap3A_103], %swap3A_106 {strides = array<i32>} : memref<2x2000x64xf32, #tpu.memory_space<vmem>>, vector<1x2000x64xf32>,
    %slice3A_107 = vector.extract_strided_slice %dot_general3A_89 {offsets = [0, 64], sizes = [2000, 64], strides = [1, 1]} : vector<2000x128xf32> to vector<2000x64xf32>
    %swap3A_108 = arith.constant 1 : index
    %swap3A_109 = arith.constant 0 : index
    %swap3A_110 = arith.constant 0 : index
    %swap3A_111 = vector.load %arg11[%swap3A_108, %swap3A_109, %swap3A_110] : memref<2x2000x64xf32, #tpu.memory_space<vmem>>, vector<1x2000x64xf32>
    %swap3A_112 = vector.shape_cast %swap3A_111 : vector<1x2000x64xf32> to vector<2000x64xf32>
    %swap3A_113 = vector.shape_cast %slice3A_107 : vector<2000x64xf32> to vector<1x2000x64xf32>
    tpu.vector_store %arg11[%swap3A_108, %swap3A_109, %swap3A_110], %swap3A_113 {strides = array<i32>} : memref<2x2000x64xf32, #tpu.memory_space<vmem>>, vector<1x2000x64xf32>,
    %slice3A_114 = vector.extract_strided_slice %dot_general3A_94 {offsets = [0, 0], sizes = [2000, 64], strides = [1, 1]} : vector<2000x128xf32> to vector<2000x64xf32>
    %slice3A_115 = vector.extract_strided_slice %dot_general3A_99 {offsets = [0, 0], sizes = [2000, 64], strides = [1, 1]} : vector<2000x128xf32> to vector<2000x64xf32>
    %concatenate3A_116 = tpu.concatenate %slice3A_114, %slice3A_115 in 1 : vector<2000x64xf32>, vector<2000x64xf32> -> vector<2000x128xf32>
    %swap3A_117 = arith.constant 0 : index
    %swap3A_118 = arith.constant 0 : index
    %swap3A_119 = arith.constant 0 : index
    %swap3A_120 = vector.load %arg12[%swap3A_117, %swap3A_118, %swap3A_119] : memref<2x2000x128xf32, #tpu.memory_space<vmem>>, vector<1x2000x128xf32>
    %swap3A_121 = vector.shape_cast %swap3A_120 : vector<1x2000x128xf32> to vector<2000x128xf32>
    %swap3A_122 = vector.shape_cast %concatenate3A_116 : vector<2000x128xf32> to vector<1x2000x128xf32>
    tpu.vector_store %arg12[%swap3A_117, %swap3A_118, %swap3A_119], %swap3A_122 {strides = array<i32>} : memref<2x2000x128xf32, #tpu.memory_space<vmem>>, vector<1x2000x128xf32>,
    %slice3A_123 = vector.extract_strided_slice %dot_general3A_94 {offsets = [0, 64], sizes = [2000, 64], strides = [1, 1]} : vector<2000x128xf32> to vector<2000x64xf32>
    %slice3A_124 = vector.extract_strided_slice %dot_general3A_99 {offsets = [0, 64], sizes = [2000, 64], strides = [1, 1]} : vector<2000x128xf32> to vector<2000x64xf32>
    %concatenate3A_125 = tpu.concatenate %slice3A_123, %slice3A_124 in 1 : vector<2000x64xf32>, vector<2000x64xf32> -> vector<2000x128xf32>
    %swap3A_126 = arith.constant 1 : index
    %swap3A_127 = arith.constant 0 : index
    %swap3A_128 = arith.constant 0 : index
    %swap3A_129 = vector.load %arg12[%swap3A_126, %swap3A_127, %swap3A_128] : memref<2x2000x128xf32, #tpu.memory_space<vmem>>, vector<1x2000x128xf32>
    %swap3A_130 = vector.shape_cast %swap3A_129 : vector<1x2000x128xf32> to vector<2000x128xf32>
    %swap3A_131 = vector.shape_cast %concatenate3A_125 : vector<2000x128xf32> to vector<1x2000x128xf32>
    tpu.vector_store %arg12[%swap3A_126, %swap3A_127, %swap3A_128], %swap3A_131 {strides = array<i32>} : memref<2x2000x128xf32, #tpu.memory_space<vmem>>, vector<1x2000x128xf32>,
    return
  }
  func.func @transform_0(%arg0: i32) -> (i32, i32) {
    %c0_i32 = arith.constant 0 : i32
    %c0_i32_0 = arith.constant 0 : i32
    return %arg0, %c0_i32 : i32, i32
  }
  func.func @transform_1(%arg0: i32) -> (i32, i32, i32) {
    %c0_i32 = arith.constant 0 : i32
    %c0_i32_0 = arith.constant 0 : i32
    %c0_i32_1 = arith.constant 0 : i32
    return %c0_i32, %arg0, %c0_i32_0 : i32, i32, i32
  }
  func.func @transform_2(%arg0: i32) -> (i32, i32) {
    %c0_i32 = arith.constant 0 : i32
    %c0_i32_0 = arith.constant 0 : i32
    %c0_i32_1 = arith.constant 0 : i32
    return %c0_i32, %c0_i32_0 : i32, i32
  }
  func.func @transform_3(%arg0: i32) -> (i32, i32) {
    %c0_i32 = arith.constant 0 : i32
    %c0_i32_0 = arith.constant 0 : i32
    %c0_i32_1 = arith.constant 0 : i32
    return %c0_i32, %c0_i32_0 : i32, i32
  }
  func.func @transform_4(%arg0: i32) -> (i32, i32) {
    %c0_i32 = arith.constant 0 : i32
    %c0_i32_0 = arith.constant 0 : i32
    %c0_i32_1 = arith.constant 0 : i32
    return %c0_i32, %c0_i32_0 : i32, i32
  }
  func.func @transform_5(%arg0: i32) -> (i32, i32) {
    %c0_i32 = arith.constant 0 : i32
    %c0_i32_0 = arith.constant 0 : i32
    %c0_i32_1 = arith.constant 0 : i32
    return %c0_i32, %c0_i32_0 : i32, i32
  }
  func.func @transform_6(%arg0: i32) -> (i32, i32) {
    %c0_i32 = arith.constant 0 : i32
    %c0_i32_0 = arith.constant 0 : i32
    %c0_i32_1 = arith.constant 0 : i32
    return %c0_i32, %c0_i32_0 : i32, i32
  }
  func.func @transform_7(%arg0: i32) -> (i32, i32) {
    %c0_i32 = arith.constant 0 : i32
    %c0_i32_0 = arith.constant 0 : i32
    %c0_i32_1 = arith.constant 0 : i32
    return %c0_i32, %c0_i32_0 : i32, i32
  }
  func.func @transform_8(%arg0: i32) -> (i32, i32) {
    %c0_i32 = arith.constant 0 : i32
    %c0_i32_0 = arith.constant 0 : i32
    %c0_i32_1 = arith.constant 0 : i32
    return %c0_i32, %c0_i32_0 : i32, i32
  }
  func.func @transform_9(%arg0: i32) -> (i32, i32) {
    %c0_i32 = arith.constant 0 : i32
    %c0_i32_0 = arith.constant 0 : i32
    return %arg0, %c0_i32 : i32, i32
  }
  func.func @transform_10(%arg0: i32) -> (i32, i32, i32) {
    %c0_i32 = arith.constant 0 : i32
    %c0_i32_0 = arith.constant 0 : i32
    %c0_i32_1 = arith.constant 0 : i32
    return %c0_i32, %arg0, %c0_i32_0 : i32, i32, i32
  }
  func.func @transform_11(%arg0: i32) -> (i32, i32, i32) {
    %c0_i32 = arith.constant 0 : i32
    %c0_i32_0 = arith.constant 0 : i32
    %c0_i32_1 = arith.constant 0 : i32
    return %c0_i32, %arg0, %c0_i32_0 : i32, i32, i32
  }
}

module attributes {stable_mosaic.version = 14 : i64} {
  func.func @_lambda_(%arg0: i32, %arg1: memref<2000x128xf32, #tpu.memory_space<vmem>>, %arg2: memref<2x2000x80xf32, #tpu.memory_space<vmem>>, %arg3: memref<128x128xf32, #tpu.memory_space<vmem>>, %arg4: memref<1x128xf32, #tpu.memory_space<vmem>>, %arg5: memref<1x128xf32, #tpu.memory_space<vmem>>, %arg6: memref<1x128xf32, #tpu.memory_space<vmem>>, %arg7: memref<2000x128xf32, #tpu.memory_space<vmem>>) attributes {dimension_semantics = [#tpu.dimension_semantics<arbitrary>], iteration_bounds = array<i64: 5>, scalar_prefetch = 0 : i64, scratch_operands = 0 : i64, tpu.core_type = #tpu.core_type<tc>, window_params = [{transform_indices = @transform_0, window_bounds = array<i64: 2000, 128>}, {transform_indices = @transform_1, window_bounds = array<i64: 2, 2000, 80>}, {pipeline_mode = #tpu.pipeline_mode<synchronous>, transform_indices = @transform_2, window_bounds = array<i64: 128, 128>}, {pipeline_mode = #tpu.pipeline_mode<synchronous>, transform_indices = @transform_3, window_bounds = array<i64: 1, 128>}, {pipeline_mode = #tpu.pipeline_mode<synchronous>, transform_indices = @transform_4, window_bounds = array<i64: 1, 128>}, {pipeline_mode = #tpu.pipeline_mode<synchronous>, transform_indices = @transform_5, window_bounds = array<i64: 1, 128>}, {transform_indices = @transform_6, window_bounds = array<i64: 2000, 128>}]} {
    %get3A = arith.constant 0 : index
    %get3A_0 = arith.constant 0 : index
    %get3A_1 = arith.constant 0 : index
    %get3A_2 = vector.load %arg2[%get3A, %get3A_0, %get3A_1] : memref<2x2000x80xf32, #tpu.memory_space<vmem>>, vector<2x2000x80xf32>
    %slice3A = vector.extract_strided_slice %get3A_2 {offsets = [0, 0, 0], sizes = [1, 2000, 64], strides = [1, 1, 1]} : vector<2x2000x80xf32> to vector<1x2000x64xf32>
    %squeeze3A = vector.shape_cast %slice3A : vector<1x2000x64xf32> to vector<2000x64xf32>
    %slice3A_3 = vector.extract_strided_slice %get3A_2 {offsets = [1, 0, 0], sizes = [1, 2000, 64], strides = [1, 1, 1]} : vector<2x2000x80xf32> to vector<1x2000x64xf32>
    %squeeze3A_4 = vector.shape_cast %slice3A_3 : vector<1x2000x64xf32> to vector<2000x64xf32>
    %concatenate3A = tpu.concatenate %squeeze3A, %squeeze3A_4 in 1 : vector<2000x64xf32>, vector<2000x64xf32> -> vector<2000x128xf32>
    %slice3A_5 = vector.extract_strided_slice %get3A_2 {offsets = [0, 0, 64], sizes = [1, 2000, 16], strides = [1, 1, 1]} : vector<2x2000x80xf32> to vector<1x2000x16xf32>
    %squeeze3A_6 = vector.shape_cast %slice3A_5 : vector<1x2000x16xf32> to vector<2000x16xf32>
    %slice3A_7 = vector.extract_strided_slice %get3A_2 {offsets = [1, 0, 64], sizes = [1, 2000, 16], strides = [1, 1, 1]} : vector<2x2000x80xf32> to vector<1x2000x16xf32>
    %squeeze3A_8 = vector.shape_cast %slice3A_7 : vector<1x2000x16xf32> to vector<2000x16xf32>
    %add3A = arith.addf %squeeze3A_6, %squeeze3A_8 : vector<2000x16xf32>
    %slice3A_9 = vector.extract_strided_slice %add3A {offsets = [0, 0], sizes = [2000, 1], strides = [1, 1]} : vector<2000x16xf32> to vector<2000x1xf32>
    %broadcast_in_dim3A = vector.shape_cast %slice3A_9 : vector<2000x1xf32> to vector<2000x1xf32>
    %broadcast_in_dim3A_10 = vector.broadcast %broadcast_in_dim3A : vector<2000x1xf32> to vector<2000x32xf32>
    %slice3A_11 = vector.extract_strided_slice %add3A {offsets = [0, 1], sizes = [2000, 1], strides = [1, 1]} : vector<2000x16xf32> to vector<2000x1xf32>
    %broadcast_in_dim3A_12 = vector.shape_cast %slice3A_11 : vector<2000x1xf32> to vector<2000x1xf32>
    %broadcast_in_dim3A_13 = vector.broadcast %broadcast_in_dim3A_12 : vector<2000x1xf32> to vector<2000x32xf32>
    %slice3A_14 = vector.extract_strided_slice %add3A {offsets = [0, 2], sizes = [2000, 1], strides = [1, 1]} : vector<2000x16xf32> to vector<2000x1xf32>
    %broadcast_in_dim3A_15 = vector.shape_cast %slice3A_14 : vector<2000x1xf32> to vector<2000x1xf32>
    %broadcast_in_dim3A_16 = vector.broadcast %broadcast_in_dim3A_15 : vector<2000x1xf32> to vector<2000x32xf32>
    %slice3A_17 = vector.extract_strided_slice %add3A {offsets = [0, 3], sizes = [2000, 1], strides = [1, 1]} : vector<2000x16xf32> to vector<2000x1xf32>
    %broadcast_in_dim3A_18 = vector.shape_cast %slice3A_17 : vector<2000x1xf32> to vector<2000x1xf32>
    %broadcast_in_dim3A_19 = vector.broadcast %broadcast_in_dim3A_18 : vector<2000x1xf32> to vector<2000x32xf32>
    %concatenate3A_20 = tpu.concatenate %broadcast_in_dim3A_10, %broadcast_in_dim3A_13, %broadcast_in_dim3A_16, %broadcast_in_dim3A_19 in 1 : vector<2000x32xf32>, vector<2000x32xf32>, vector<2000x32xf32>, vector<2000x32xf32> -> vector<2000x128xf32>
    %add3A_21 = arith.constant 1.000000e-16 : f32
    %add3A_22 = vector.broadcast %add3A_21 : f32 to vector<2000x128xf32>
    %add3A_23 = arith.addf %concatenate3A_20, %add3A_22 : vector<2000x128xf32>
    %div3A = arith.divf %concatenate3A, %add3A_23 : vector<2000x128xf32>
    %get3A_24 = arith.constant 0 : index
    %get3A_25 = arith.constant 0 : index
    %get3A_26 = vector.load %arg3[%get3A_24, %get3A_25] : memref<128x128xf32, #tpu.memory_space<vmem>>, vector<128x128xf32>
    %dot_general3A = arith.constant dense<0.000000e+00> : vector<2000x128xf32>
    %dot_general3A_27 = tpu.matmul %div3A, %get3A_26, %dot_general3A {dimension_numbers = #tpu.dot_dimension_numbers<[1], [0], [0], [1], [0, 0, 1, 1], [], []>, transpose_lhs_hint = false} : vector<2000x128xf32>, vector<128x128xf32>, vector<2000x128xf32> -> vector<2000x128xf32>
    %get3A_28 = arith.constant 0 : index
    %get3A_29 = arith.constant 0 : index
    %get3A_30 = vector.load %arg4[%get3A_28, %get3A_29] : memref<1x128xf32, #tpu.memory_space<vmem>>, vector<1x128xf32>
    %add3A_31 = vector.broadcast %get3A_30 : vector<1x128xf32> to vector<2000x128xf32>
    %add3A_32 = arith.addf %dot_general3A_27, %add3A_31 : vector<2000x128xf32>
    %integer_pow3A = arith.mulf %add3A_32, %add3A_32 : vector<2000x128xf32>
    %integer_pow3A_33 = arith.mulf %add3A_32, %integer_pow3A : vector<2000x128xf32>
    %mul3A = arith.constant 4.471500e-02 : f32
    %mul3A_34 = vector.broadcast %mul3A : f32 to vector<2000x128xf32>
    %mul3A_35 = arith.mulf %mul3A_34, %integer_pow3A_33 : vector<2000x128xf32>
    %add3A_36 = arith.addf %add3A_32, %mul3A_35 : vector<2000x128xf32>
    %mul3A_37 = arith.constant 0.797884583 : f32
    %mul3A_38 = vector.broadcast %mul3A_37 : f32 to vector<2000x128xf32>
    %mul3A_39 = arith.mulf %mul3A_38, %add3A_36 : vector<2000x128xf32>
    %tanh3A = math.tanh %mul3A_39 : vector<2000x128xf32>
    %add3A_40 = arith.constant 1.000000e+00 : f32
    %add3A_41 = vector.broadcast %add3A_40 : f32 to vector<2000x128xf32>
    %add3A_42 = arith.addf %add3A_41, %tanh3A : vector<2000x128xf32>
    %mul3A_43 = arith.constant 5.000000e-01 : f32
    %mul3A_44 = vector.broadcast %mul3A_43 : f32 to vector<2000x128xf32>
    %mul3A_45 = arith.mulf %mul3A_44, %add3A_42 : vector<2000x128xf32>
    %mul3A_46 = arith.mulf %add3A_32, %mul3A_45 : vector<2000x128xf32>
    %get3A_47 = arith.constant 0 : index
    %get3A_48 = arith.constant 0 : index
    %get3A_49 = vector.load %arg1[%get3A_47, %get3A_48] : memref<2000x128xf32, #tpu.memory_space<vmem>>, vector<2000x128xf32>
    %add3A_50 = arith.addf %get3A_49, %mul3A_46 : vector<2000x128xf32>
    %reduce_sum3A = arith.constant dense<0.000000e+00> : vector<2000xf32>
    %reduce_sum3A_51 = vector.multi_reduction <add>, %add3A_50, %reduce_sum3A [1] : vector<2000x128xf32> to vector<2000xf32>
    %broadcast_in_dim3A_52 = vector.shape_cast %reduce_sum3A_51 : vector<2000xf32> to vector<2000x1xf32>
    %div3A_53 = arith.constant 1.280000e+02 : f32
    %div3A_54 = vector.broadcast %div3A_53 : f32 to vector<2000x1xf32>
    %div3A_55 = arith.divf %broadcast_in_dim3A_52, %div3A_54 : vector<2000x1xf32>
    %sub3A = vector.broadcast %div3A_55 : vector<2000x1xf32> to vector<2000x128xf32>
    %sub3A_56 = arith.subf %add3A_50, %sub3A : vector<2000x128xf32>
    %sub3A_57 = vector.broadcast %div3A_55 : vector<2000x1xf32> to vector<2000x128xf32>
    %sub3A_58 = arith.subf %add3A_50, %sub3A_57 : vector<2000x128xf32>
    %mul3A_59 = arith.mulf %sub3A_56, %sub3A_58 : vector<2000x128xf32>
    %reduce_sum3A_60 = arith.constant dense<0.000000e+00> : vector<2000xf32>
    %reduce_sum3A_61 = vector.multi_reduction <add>, %mul3A_59, %reduce_sum3A_60 [1] : vector<2000x128xf32> to vector<2000xf32>
    %broadcast_in_dim3A_62 = vector.shape_cast %reduce_sum3A_61 : vector<2000xf32> to vector<2000x1xf32>
    %div3A_63 = arith.constant 1.280000e+02 : f32
    %div3A_64 = vector.broadcast %div3A_63 : f32 to vector<2000x1xf32>
    %div3A_65 = arith.divf %broadcast_in_dim3A_62, %div3A_64 : vector<2000x1xf32>
    %sub3A_66 = vector.broadcast %div3A_55 : vector<2000x1xf32> to vector<2000x128xf32>
    %sub3A_67 = arith.subf %add3A_50, %sub3A_66 : vector<2000x128xf32>
    %add3A_68 = arith.constant 9.99999974E-6 : f32
    %add3A_69 = vector.broadcast %add3A_68 : f32 to vector<2000x1xf32>
    %add3A_70 = arith.addf %div3A_65, %add3A_69 : vector<2000x1xf32>
    %sqrt3A = math.sqrt %add3A_70 : vector<2000x1xf32>
    %div3A_71 = vector.broadcast %sqrt3A : vector<2000x1xf32> to vector<2000x128xf32>
    %div3A_72 = arith.divf %sub3A_67, %div3A_71 : vector<2000x128xf32>
    %get3A_73 = arith.constant 0 : index
    %get3A_74 = arith.constant 0 : index
    %get3A_75 = vector.load %arg5[%get3A_73, %get3A_74] : memref<1x128xf32, #tpu.memory_space<vmem>>, vector<1x128xf32>
    %mul3A_76 = vector.broadcast %get3A_75 : vector<1x128xf32> to vector<2000x128xf32>
    %mul3A_77 = arith.mulf %div3A_72, %mul3A_76 : vector<2000x128xf32>
    %get3A_78 = arith.constant 0 : index
    %get3A_79 = arith.constant 0 : index
    %get3A_80 = vector.load %arg6[%get3A_78, %get3A_79] : memref<1x128xf32, #tpu.memory_space<vmem>>, vector<1x128xf32>
    %add3A_81 = vector.broadcast %get3A_80 : vector<1x128xf32> to vector<2000x128xf32>
    %add3A_82 = arith.addf %mul3A_77, %add3A_81 : vector<2000x128xf32>
    %swap3A = arith.constant 0 : index
    %swap3A_83 = arith.constant 0 : index
    %swap3A_84 = vector.load %arg7[%swap3A, %swap3A_83] : memref<2000x128xf32, #tpu.memory_space<vmem>>, vector<2000x128xf32>
    tpu.vector_store %arg7[%swap3A, %swap3A_83], %add3A_82 {strides = array<i32>} : memref<2000x128xf32, #tpu.memory_space<vmem>>, vector<2000x128xf32>,
    return
  }
  func.func @transform_0(%arg0: i32) -> (i32, i32) {
    %c0_i32 = arith.constant 0 : i32
    %c0_i32_0 = arith.constant 0 : i32
    return %arg0, %c0_i32 : i32, i32
  }
  func.func @transform_1(%arg0: i32) -> (i32, i32, i32) {
    %c0_i32 = arith.constant 0 : i32
    %c0_i32_0 = arith.constant 0 : i32
    %c0_i32_1 = arith.constant 0 : i32
    return %c0_i32, %arg0, %c0_i32_0 : i32, i32, i32
  }
  func.func @transform_2(%arg0: i32) -> (i32, i32) {
    %c0_i32 = arith.constant 0 : i32
    %c0_i32_0 = arith.constant 0 : i32
    %c0_i32_1 = arith.constant 0 : i32
    return %c0_i32, %c0_i32_0 : i32, i32
  }
  func.func @transform_3(%arg0: i32) -> (i32, i32) {
    %c0_i32 = arith.constant 0 : i32
    %c0_i32_0 = arith.constant 0 : i32
    %c0_i32_1 = arith.constant 0 : i32
    return %c0_i32, %c0_i32_0 : i32, i32
  }
  func.func @transform_4(%arg0: i32) -> (i32, i32) {
    %c0_i32 = arith.constant 0 : i32
    %c0_i32_0 = arith.constant 0 : i32
    %c0_i32_1 = arith.constant 0 : i32
    return %c0_i32, %c0_i32_0 : i32, i32
  }
  func.func @transform_5(%arg0: i32) -> (i32, i32) {
    %c0_i32 = arith.constant 0 : i32
    %c0_i32_0 = arith.constant 0 : i32
    %c0_i32_1 = arith.constant 0 : i32
    return %c0_i32, %c0_i32_0 : i32, i32
  }
  func.func @transform_6(%arg0: i32) -> (i32, i32) {
    %c0_i32 = arith.constant 0 : i32
    %c0_i32_0 = arith.constant 0 : i32
    return %arg0, %c0_i32 : i32, i32
  }
}

module attributes {stable_mosaic.version = 14 : i64} {
  func.func @_dec_body(%arg0: i32, %arg1: memref<2000x8xf32, #tpu.memory_space<vmem>>, %arg2: memref<2000x128xf32, #tpu.memory_space<vmem>>, %arg3: memref<128x128xf32, #tpu.memory_space<vmem>>, %arg4: memref<1x128xf32, #tpu.memory_space<vmem>>, %arg5: memref<128x128xf32, #tpu.memory_space<vmem>>, %arg6: memref<1x128xf32, #tpu.memory_space<vmem>>, %arg7: memref<128x4608xf32, #tpu.memory_space<vmem>>, %arg8: memref<1x4608xf32, #tpu.memory_space<vmem>>, %arg9: memref<128x4608xf32, #tpu.memory_space<vmem>>, %arg10: memref<128x128xf32, #tpu.memory_space<vmem>>) attributes {dimension_semantics = [#tpu.dimension_semantics<arbitrary>], iteration_bounds = array<i64: 5>, scalar_prefetch = 0 : i64, scratch_operands = 1 : i64, tpu.core_type = #tpu.core_type<tc>, window_params = [{transform_indices = @transform_0, window_bounds = array<i64: 2000, 8>}, {transform_indices = @transform_1, window_bounds = array<i64: 2000, 128>}, {pipeline_mode = #tpu.pipeline_mode<synchronous>, transform_indices = @transform_2, window_bounds = array<i64: 128, 128>}, {pipeline_mode = #tpu.pipeline_mode<synchronous>, transform_indices = @transform_3, window_bounds = array<i64: 1, 128>}, {pipeline_mode = #tpu.pipeline_mode<synchronous>, transform_indices = @transform_4, window_bounds = array<i64: 128, 128>}, {pipeline_mode = #tpu.pipeline_mode<synchronous>, transform_indices = @transform_5, window_bounds = array<i64: 1, 128>}, {pipeline_mode = #tpu.pipeline_mode<synchronous>, transform_indices = @transform_6, window_bounds = array<i64: 128, 4608>}, {pipeline_mode = #tpu.pipeline_mode<synchronous>, transform_indices = @transform_7, window_bounds = array<i64: 1, 4608>}, {pipeline_mode = #tpu.pipeline_mode<synchronous>, transform_indices = @transform_8, window_bounds = array<i64: 128, 4608>}]} {
    %eq3A = arith.constant 0 : i32
    %eq3A_0 = arith.cmpi eq, %arg0, %eq3A : i32
    %convert_element_type3A = arith.extui %eq3A_0 : i1 to i32
    %cond3A = arith.constant 0 : i32
    %cond3A_1 = arith.cmpi ne, %convert_element_type3A, %cond3A : i32
    scf.if %cond3A_1 {
      %broadcast_in_dim3A = arith.constant 0.000000e+00 : f32
      %broadcast_in_dim3A_23 = vector.broadcast %broadcast_in_dim3A : f32 to vector<128x128xf32>
      %swap3A_24 = arith.constant 0 : index
      %swap3A_25 = arith.constant 0 : index
      %swap3A_26 = vector.load %arg10[%swap3A_24, %swap3A_25] : memref<128x128xf32, #tpu.memory_space<vmem>>, vector<128x128xf32>
      tpu.vector_store %arg10[%swap3A_24, %swap3A_25], %broadcast_in_dim3A_23 {strides = array<i32>} : memref<128x128xf32, #tpu.memory_space<vmem>>, vector<128x128xf32>,
    } else {
    }
    %get3A = arith.constant 0 : index
    %get3A_2 = arith.constant 0 : index
    %get3A_3 = vector.load %arg1[%get3A, %get3A_2] : memref<2000x8xf32, #tpu.memory_space<vmem>>, vector<2000x1xf32>
    %convert_element_type3A_4 = arith.fptosi %get3A_3 : vector<2000x1xf32> to vector<2000x1xi32>
    %iota3A = tpu.iota {dimensions = array<i32: 1>} : vector<2000x128xi32>
    %eq3A_5 = vector.broadcast %convert_element_type3A_4 : vector<2000x1xi32> to vector<2000x128xi32>
    %eq3A_6 = arith.cmpi eq, %iota3A, %eq3A_5 : vector<2000x128xi32>
    %convert_element_type3A_7 = arith.extui %eq3A_6 : vector<2000x128xi1> to vector<2000x128xi32>
    %convert_element_type3A_8 = arith.sitofp %convert_element_type3A_7 : vector<2000x128xi32> to vector<2000x128xf32>
    %get3A_9 = arith.constant 0 : index
    %get3A_10 = arith.constant 0 : index
    %get3A_11 = vector.load %arg10[%get3A_9, %get3A_10] : memref<128x128xf32, #tpu.memory_space<vmem>>, vector<128x128xf32>
    %get3A_12 = arith.constant 0 : index
    %get3A_13 = arith.constant 0 : index
    %get3A_14 = vector.load %arg2[%get3A_12, %get3A_13] : memref<2000x128xf32, #tpu.memory_space<vmem>>, vector<2000x128xf32>
    %dot_general3A = arith.constant dense<0.000000e+00> : vector<128x128xf32>
    %dot_general3A_15 = tpu.matmul %convert_element_type3A_8, %get3A_14, %dot_general3A {dimension_numbers = #tpu.dot_dimension_numbers<[0], [0], [1], [1], [0, 1, 1, 1], [], []>, transpose_lhs_hint = false} : vector<2000x128xf32>, vector<2000x128xf32>, vector<128x128xf32> -> vector<128x128xf32>
    %add3A = arith.addf %get3A_11, %dot_general3A_15 : vector<128x128xf32>
    %swap3A = arith.constant 0 : index
    %swap3A_16 = arith.constant 0 : index
    %swap3A_17 = vector.load %arg10[%swap3A, %swap3A_16] : memref<128x128xf32, #tpu.memory_space<vmem>>, vector<128x128xf32>
    tpu.vector_store %arg10[%swap3A, %swap3A_16], %add3A {strides = array<i32>} : memref<128x128xf32, #tpu.memory_space<vmem>>, vector<128x128xf32>,
    %eq3A_18 = arith.constant 4 : i32
    %eq3A_19 = arith.cmpi eq, %arg0, %eq3A_18 : i32
    %convert_element_type3A_20 = arith.extui %eq3A_19 : i1 to i32
    %cond3A_21 = arith.constant 0 : i32
    %cond3A_22 = arith.cmpi ne, %convert_element_type3A_20, %cond3A_21 : i32
    scf.if %cond3A_22 {
      %get3A_23 = arith.constant 0 : index
      %get3A_24 = arith.constant 0 : index
      %get3A_25 = vector.load %arg10[%get3A_23, %get3A_24] : memref<128x128xf32, #tpu.memory_space<vmem>>, vector<128x128xf32>
      %get3A_26 = arith.constant 0 : index
      %get3A_27 = arith.constant 0 : index
      %get3A_28 = vector.load %arg3[%get3A_26, %get3A_27] : memref<128x128xf32, #tpu.memory_space<vmem>>, vector<128x128xf32>
      %dot_general3A_29 = arith.constant dense<0.000000e+00> : vector<128x128xf32>
      %dot_general3A_30 = tpu.matmul %get3A_25, %get3A_28, %dot_general3A_29 {dimension_numbers = #tpu.dot_dimension_numbers<[1], [0], [0], [1], [0, 0, 1, 1], [], []>, transpose_lhs_hint = false} : vector<128x128xf32>, vector<128x128xf32>, vector<128x128xf32> -> vector<128x128xf32>
      %get3A_31 = arith.constant 0 : index
      %get3A_32 = arith.constant 0 : index
      %get3A_33 = vector.load %arg4[%get3A_31, %get3A_32] : memref<1x128xf32, #tpu.memory_space<vmem>>, vector<1x128xf32>
      %add3A_34 = vector.broadcast %get3A_33 : vector<1x128xf32> to vector<128x128xf32>
      %add3A_35 = arith.addf %dot_general3A_30, %add3A_34 : vector<128x128xf32>
      %integer_pow3A = arith.mulf %add3A_35, %add3A_35 : vector<128x128xf32>
      %integer_pow3A_36 = arith.mulf %add3A_35, %integer_pow3A : vector<128x128xf32>
      %mul3A = arith.constant 4.471500e-02 : f32
      %mul3A_37 = vector.broadcast %mul3A : f32 to vector<128x128xf32>
      %mul3A_38 = arith.mulf %mul3A_37, %integer_pow3A_36 : vector<128x128xf32>
      %add3A_39 = arith.addf %add3A_35, %mul3A_38 : vector<128x128xf32>
      %mul3A_40 = arith.constant 0.797884583 : f32
      %mul3A_41 = vector.broadcast %mul3A_40 : f32 to vector<128x128xf32>
      %mul3A_42 = arith.mulf %mul3A_41, %add3A_39 : vector<128x128xf32>
      %tanh3A = math.tanh %mul3A_42 : vector<128x128xf32>
      %add3A_43 = arith.constant 1.000000e+00 : f32
      %add3A_44 = vector.broadcast %add3A_43 : f32 to vector<128x128xf32>
      %add3A_45 = arith.addf %add3A_44, %tanh3A : vector<128x128xf32>
      %mul3A_46 = arith.constant 5.000000e-01 : f32
      %mul3A_47 = vector.broadcast %mul3A_46 : f32 to vector<128x128xf32>
      %mul3A_48 = arith.mulf %mul3A_47, %add3A_45 : vector<128x128xf32>
      %mul3A_49 = arith.mulf %add3A_35, %mul3A_48 : vector<128x128xf32>
      %get3A_50 = arith.constant 0 : index
      %get3A_51 = arith.constant 0 : index
      %get3A_52 = vector.load %arg5[%get3A_50, %get3A_51] : memref<128x128xf32, #tpu.memory_space<vmem>>, vector<128x128xf32>
      %dot_general3A_53 = arith.constant dense<0.000000e+00> : vector<128x128xf32>
      %dot_general3A_54 = tpu.matmul %mul3A_49, %get3A_52, %dot_general3A_53 {dimension_numbers = #tpu.dot_dimension_numbers<[1], [0], [0], [1], [0, 0, 1, 1], [], []>, transpose_lhs_hint = false} : vector<128x128xf32>, vector<128x128xf32>, vector<128x128xf32> -> vector<128x128xf32>
      %get3A_55 = arith.constant 0 : index
      %get3A_56 = arith.constant 0 : index
      %get3A_57 = vector.load %arg6[%get3A_55, %get3A_56] : memref<1x128xf32, #tpu.memory_space<vmem>>, vector<1x128xf32>
      %add3A_58 = vector.broadcast %get3A_57 : vector<1x128xf32> to vector<128x128xf32>
      %add3A_59 = arith.addf %dot_general3A_54, %add3A_58 : vector<128x128xf32>
      %integer_pow3A_60 = arith.mulf %add3A_59, %add3A_59 : vector<128x128xf32>
      %integer_pow3A_61 = arith.mulf %add3A_59, %integer_pow3A_60 : vector<128x128xf32>
      %mul3A_62 = arith.constant 4.471500e-02 : f32
      %mul3A_63 = vector.broadcast %mul3A_62 : f32 to vector<128x128xf32>
      %mul3A_64 = arith.mulf %mul3A_63, %integer_pow3A_61 : vector<128x128xf32>
      %add3A_65 = arith.addf %add3A_59, %mul3A_64 : vector<128x128xf32>
      %mul3A_66 = arith.constant 0.797884583 : f32
      %mul3A_67 = vector.broadcast %mul3A_66 : f32 to vector<128x128xf32>
      %mul3A_68 = arith.mulf %mul3A_67, %add3A_65 : vector<128x128xf32>
      %tanh3A_69 = math.tanh %mul3A_68 : vector<128x128xf32>
      %add3A_70 = arith.constant 1.000000e+00 : f32
      %add3A_71 = vector.broadcast %add3A_70 : f32 to vector<128x128xf32>
      %add3A_72 = arith.addf %add3A_71, %tanh3A_69 : vector<128x128xf32>
      %mul3A_73 = arith.constant 5.000000e-01 : f32
      %mul3A_74 = vector.broadcast %mul3A_73 : f32 to vector<128x128xf32>
      %mul3A_75 = arith.mulf %mul3A_74, %add3A_72 : vector<128x128xf32>
      %mul3A_76 = arith.mulf %add3A_59, %mul3A_75 : vector<128x128xf32>
      %get3A_77 = arith.constant 0 : index
      %get3A_78 = arith.constant 0 : index
      %get3A_79 = vector.load %arg7[%get3A_77, %get3A_78] : memref<128x4608xf32, #tpu.memory_space<vmem>>, vector<128x4608xf32>
      %dot_general3A_80 = arith.constant dense<0.000000e+00> : vector<128x4608xf32>
      %dot_general3A_81 = tpu.matmul %mul3A_76, %get3A_79, %dot_general3A_80 {dimension_numbers = #tpu.dot_dimension_numbers<[1], [0], [0], [1], [0, 0, 1, 1], [], []>, transpose_lhs_hint = false} : vector<128x128xf32>, vector<128x4608xf32>, vector<128x4608xf32> -> vector<128x4608xf32>
      %get3A_82 = arith.constant 0 : index
      %get3A_83 = arith.constant 0 : index
      %get3A_84 = vector.load %arg8[%get3A_82, %get3A_83] : memref<1x4608xf32, #tpu.memory_space<vmem>>, vector<1x4608xf32>
      %add3A_85 = vector.broadcast %get3A_84 : vector<1x4608xf32> to vector<128x4608xf32>
      %add3A_86 = arith.addf %dot_general3A_81, %add3A_85 : vector<128x4608xf32>
      %swap3A_87 = arith.constant 0 : index
      %swap3A_88 = arith.constant 0 : index
      %swap3A_89 = vector.load %arg9[%swap3A_87, %swap3A_88] : memref<128x4608xf32, #tpu.memory_space<vmem>>, vector<128x4608xf32>
      tpu.vector_store %arg9[%swap3A_87, %swap3A_88], %add3A_86 {strides = array<i32>} : memref<128x4608xf32, #tpu.memory_space<vmem>>, vector<128x4608xf32>,
    } else {
    }
    return
  }
  func.func @transform_0(%arg0: i32) -> (i32, i32) {
    %c0_i32 = arith.constant 0 : i32
    %c0_i32_0 = arith.constant 0 : i32
    return %arg0, %c0_i32 : i32, i32
  }
  func.func @transform_1(%arg0: i32) -> (i32, i32) {
    %c0_i32 = arith.constant 0 : i32
    %c0_i32_0 = arith.constant 0 : i32
    return %arg0, %c0_i32 : i32, i32
  }
  func.func @transform_2(%arg0: i32) -> (i32, i32) {
    %c0_i32 = arith.constant 0 : i32
    %c0_i32_0 = arith.constant 0 : i32
    %c0_i32_1 = arith.constant 0 : i32
    return %c0_i32, %c0_i32_0 : i32, i32
  }
  func.func @transform_3(%arg0: i32) -> (i32, i32) {
    %c0_i32 = arith.constant 0 : i32
    %c0_i32_0 = arith.constant 0 : i32
    %c0_i32_1 = arith.constant 0 : i32
    return %c0_i32, %c0_i32_0 : i32, i32
  }
  func.func @transform_4(%arg0: i32) -> (i32, i32) {
    %c0_i32 = arith.constant 0 : i32
    %c0_i32_0 = arith.constant 0 : i32
    %c0_i32_1 = arith.constant 0 : i32
    return %c0_i32, %c0_i32_0 : i32, i32
  }
  func.func @transform_5(%arg0: i32) -> (i32, i32) {
    %c0_i32 = arith.constant 0 : i32
    %c0_i32_0 = arith.constant 0 : i32
    %c0_i32_1 = arith.constant 0 : i32
    return %c0_i32, %c0_i32_0 : i32, i32
  }
  func.func @transform_6(%arg0: i32) -> (i32, i32) {
    %c0_i32 = arith.constant 0 : i32
    %c0_i32_0 = arith.constant 0 : i32
    %c0_i32_1 = arith.constant 0 : i32
    return %c0_i32, %c0_i32_0 : i32, i32
  }
  func.func @transform_7(%arg0: i32) -> (i32, i32) {
    %c0_i32 = arith.constant 0 : i32
    %c0_i32_0 = arith.constant 0 : i32
    %c0_i32_1 = arith.constant 0 : i32
    return %c0_i32, %c0_i32_0 : i32, i32
  }
  func.func @transform_8(%arg0: i32) -> (i32, i32) {
    %c0_i32 = arith.constant 0 : i32
    %c0_i32_0 = arith.constant 0 : i32
    %c0_i32_1 = arith.constant 0 : i32
    return %c0_i32, %c0_i32_0 : i32, i32
  }
}

</mosaic_0001>

<sc_bundles>
// kernel: _run.11.cloned.1.call-start
scs
__scs_entry_jumppad:
0x0: {  	(pc) =	sbr.rel $0x88, $3  }
0x1: {  	(tag) =	ssettag $0x0;
	lr =	simm.s32 $0x1  }
0x2: {  	[smem:$0x3F84] =	sst lr;
	_ =	strace $0xD0000000  }
0x3: {  	_ = 	snop  }
0x4: {  	_ = 	snop  }
0x5: {  	_ = 	snop  }
0x6: {  	_ = 	snop  }
0x7: {  	_ = 	snop  }
__scs_overlays_trampoline_lowered:
0x8: {  	[smem:$0x3F93] =	sst s0  }
0x9: {  	[smem:$0x3F94] =	sst s1  }
0xa: {  	[smem:$0x3F95] =	sst s2  }
0xb: {  	[smem:$0x3F96] =	sst s3  }
0xc: {  	[smem:$0x3F97] =	sst s4  }
0xd: {  	[smem:$0x3F98] =	sst s5  }
0xe: {  	[smem:$0x3F99] =	sst s6  }
0xf: {  	[smem:$0x3F9A] =	sst s7  }
0x10: {  	[smem:$0x3F9B] =	sst s8  }
0x11: {  	[smem:$0x3F9C] =	sst s9;
	s0 =	simm.s32 @!p0 $0x0  }
0x12: {  	s1 =	sld [smem:$0x3F82];
	s0 =	simm.s32 @p0 $0x1  }
0x13: {  	[smem:$0x3F9D] =	sst s0;
	s0 =	simm.s32 @!p1 $0x0  }
0x14: {  	s2 =	sld [smem:$0x3F81];
	s0 =	simm.s32 @p1 $0x1  }
0x15: {  	[smem:$0x3F9E] =	sst s0;
	s0 =	simm.s32 @!p2 $0x0  }
0x16: {  	s3 =	sld [smem:$0x3FDB];
	s0 =	simm.s32 @p2 $0x1  }
0x17: {  	s4 =	simm.s32 $0x1BF5;
	[smem:$0x3FA0] =	sst s0  }
0x18: {  	s0 =	sld [smem:$0x3F83];
	_ =	swait.ge [sflag:s4], $0x0  }
0x19: {  	s7 =	sld [smem:$0x3F84]  }
0x1a: {  	s8 =	sadd.s32 $0xFFFFE003, lr  }
0x1b: {  	s9 =	sadd.s32 $0xFFFFFEF7, lr;
	s5 =	simm.s32 $0xFFFFFFFF;
	p2 =	slt.u32 s8, $0xFFFFF086  }
0x1c: {  	p1 =	slt.u32 s9, $0xF7A;
	s5 =	simm.s32 @!p2 $0x0  }
0x1d: {  	s5 =	simm.s32 @p1 $0x1;
	p0 =	seq.s32 s7, s2  }
0x1e: {  	s7 =	smul.u32 @!p0 $0xF7A, s2;
	p2 =	seq.s32 @!p0 s5, $0x0  }
0x1f: {  	s9 =	smul.u32 $0xF7A, s1;
	s8 =	simm.s32 @!p0 $0x1BF5;
	p2 =	por !p2, p0  }
0x20: {  	[sflag:s8] =	ssyncset.s32 @!p0 $0xFFFFF086;
	s6 =	sadd.s32 @!p0 s3, s7;
	s7 =	simm.s32 @!p0 $0x108  }
0x21: {  	s3 =	sadd.s32 s3, s9;
	s6 =	sadd.s32 @!p0 $0x88, s6;
	s7 =	simm.s32 @p2 $0x1082  }
0x22: {  	[simem:s7], [sflag:s8] =	dma.local @!p0 [hbm:s6], $0xF7A  }
0x23: {  	s9 =	sor.u32 $0xD0000000, s2;
	s6 =	simm.s32 $0x108;
	_ =	swait.ge @!p0 [sflag:s8], $0x0  }
0x24: {  	s3 =	sadd.s32 $0x88, s3;
	s6 =	simm.s32 @!p1 $0x1082;
	[sflag:s4] =	ssyncset.s32 $0xFFFFF086  }
0x25: {  	[simem:s6], [sflag:s4] =	dma.local [hbm:s3], $0xF7A  }
0x26: {  	[smem:$0x3F84] =	sst s1;
	(tag) =	ssettag s2;
	_ =	strace s9  }
0x27: {  	s1 =	sld [smem:$0x3F94]  }
0x28: {  	s2 =	sld [smem:$0x3F95]  }
0x29: {  	s4 =	sld [smem:$0x3F97]  }
0x2a: {  	p0 =	seq.s32 s5, $0x0;
	s5 =	sld [smem:$0x3F98]  }
0x2b: {  	s6 =	sld [smem:$0x3F99]  }
0x2c: {  	s7 =	sld [smem:$0x3F9A]  }
0x2d: {  	s3 =	simm.s32 $0x108;
	s8 =	sld [smem:$0x3F9B]  }
0x2e: {  	s3 =	simm.s32 @!p0 $0x1082;
	s9 =	sld [smem:$0x3F9C]  }
0x2f: {  	lr =	sadd.s32 s0, s3;
	s0 =	sld [smem:$0x3F93]  }
0x30: {  	s3 =	sld [smem:$0x3F96]  }
0x31: {  	[smem:$0x3F9F] =	sst s10  }
0x32: {  	s10 =	sld [smem:$0x3F9D];
	_ =	sdelay $0x3  }
0x33: {  	p0 =	seq.s32 s10, $0x1;
	s10 =	sld [smem:$0x3F9F];
	_ =	sdelay $0x3  }
0x34: {  	[smem:$0x3F9F] =	sst s10  }
0x35: {  	s10 =	sld [smem:$0x3F9E];
	_ =	sdelay $0x3  }
0x36: {  	p1 =	seq.s32 s10, $0x1;
	s10 =	sld [smem:$0x3F9F];
	_ =	sdelay $0x3  }
0x37: {  	[smem:$0x3F9F] =	sst s10  }
0x38: {  	s10 =	sld [smem:$0x3FA0]  }
0x39: {  	_ = 	snop;
	(pc) =	sbr.ind lr, $3  }
0x3a: {  	_ = 	snop  }
0x3b: {  	_ = 	snop  }
0x3c: {  	p2 =	seq.s32 s10, $0x1;
	s10 =	sld [smem:$0x3F9F]  }
0x3d: {  	_ =	shalt  }
0x3e: {  	_ =	shalt  }
0x3f: {  	_ =	shalt  }
0x40: {  	_ =	shalt  }
0x41: {  	_ =	shalt  }
0x42: {  	_ =	shalt  }
0x43: {  	_ =	shalt  }
0x44: {  	_ =	shalt  }
0x45: {  	_ =	shalt  }
0x46: {  	_ =	shalt  }
0x47: {  	_ =	shalt  }
0x48: {  	_ =	shalt  }
0x49: {  	_ =	shalt  }
0x4a: {  	_ =	shalt  }
0x4b: {  	_ =	shalt  }
0x4c: {  	_ =	shalt  }
0x4d: {  	_ =	shalt  }
0x4e: {  	_ =	shalt  }
0x4f: {  	_ =	shalt  }
0x50: {  	_ =	shalt  }
0x51: {  	_ =	shalt  }
0x52: {  	_ =	shalt  }
0x53: {  	_ =	shalt  }
0x54: {  	_ =	shalt  }
0x55: {  	_ =	shalt  }
0x56: {  	_ =	shalt  }
0x57: {  	_ =	shalt  }
0x58: {  	_ =	shalt  }
0x59: {  	_ =	shalt  }
0x5a: {  	_ =	shalt  }
0x5b: {  	_ =	shalt  }
0x5c: {  	_ =	shalt  }
0x5d: {  	_ =	shalt  }
0x5e: {  	_ =	shalt  }
0x5f: {  	_ =	shalt  }
0x60: {  	_ =	shalt  }
0x61: {  	_ =	shalt  }
0x62: {  	_ =	shalt  }
0x63: {  	_ =	shalt  }
0x64: {  	_ =	shalt  }
0x65: {  	_ =	shalt  }
0x66: {  	_ =	shalt  }
0x67: {  	_ =	shalt  }
0x68: {  	_ =	shalt  }
0x69: {  	_ =	shalt  }
0x6a: {  	_ =	shalt  }
0x6b: {  	_ =	shalt  }
0x6c: {  	_ =	shalt  }
0x6d: {  	_ =	shalt  }
0x6e: {  	_ =	shalt  }
0x6f: {  	_ =	shalt  }
0x70: {  	_ =	shalt  }
0x71: {  	_ =	shalt  }
0x72: {  	_ =	shalt  }
0x73: {  	_ =	shalt  }
0x74: {  	_ =	shalt  }
0x75: {  	_ =	shalt  }
0x76: {  	_ =	shalt  }
0x77: {  	_ =	shalt  }
0x78: {  	_ =	shalt  }
0x79: {  	_ =	shalt  }
0x7a: {  	_ =	shalt  }
0x7b: {  	_ =	shalt  }
0x7c: {  	_ =	shalt  }
0x7d: {  	_ =	shalt  }
0x7e: {  	_ =	shalt  }
0x7f: {  	_ =	shalt  }
0x80: {  	_ =	shalt  }
0x81: {  	_ =	shalt  }
0x82: {  	_ =	shalt  }
0x83: {  	_ =	shalt  }
0x84: {  	_ =	shalt  }
0x85: {  	_ =	shalt  }
0x86: {  	_ =	shalt  }
0x87: {  	_ =	shalt  }
.Lfunc_end0:
.L_simem_size_0:
called_computation_lowered:
.L_overlay_start_0:
0x88: {  	s2 =	sld [smem:$0x3FD9]  }
0x89: {  	s3 =	sld [smem:$0x3FFE];
	_ =	sdelay $0x1  }
0x8a: {  	s1 =	srdreg.scid  }
0x8b: {  	s0 =	sand.u32 $0x1, s1  }
0x8c: {  	s16 =	sshll.u32 s0, $0xA;
	s2 =	sadd.s32 s3, s2  }
0x8d: {  	s2 =	sadd.s32 s2, s16  }
0x8e: {  	[smem:$0x3FAB] =	sst s2  }
0x8f: {  	_ = 	snop  }
0x90: {  	(tm) =	ssettm $0x1  }
0x91: {  	s17 =	sld [smem:$0x3FFB];
	_ =	sdelay $0x3  }
0x92: {  	_ =	strace s17  }
0x93: {  	s2 =	sld [smem:$0x3FFC];
	_ =	sdelay $0x3  }
0x94: {  	_ =	strace s2  }
0x95: {  	s2 =	sld [smem:$0x3FFD];
	_ =	sdelay $0x3  }
0x96: {  	_ =	strace s2  }
0x97: {  	_ =	strace $0x8FFFFFFF  }
0x98: {  	s18 =	sld [smem:$0x3FDB];
	_ =	sdelay $0x1  }
0x99: {  	s19 =	simm.s32 $_scs_section_size  }
0x9a: {  	s4 =	simm.s32 $_size__tile_overlayer_lowered;
	s5 =	simm.s32 $_tile_overlayer_lowered  }
0x9b: {  	s22 =	simm.s32 $0x1BFF;
	s21 =	sshll.u32 s5, $0x1;
	s2 =	sadd.s32 s19, s18  }
0x9c: {  	s6 =	simm.s32 $0x0;
	s20 =	sshll.u32 s4, $0x1;
	s4 =	sadd.s32 s21, s2  }
0x9d: {  	[timem:s6], [sflag:s22] =	dma.local [hbm:s4], s20  }
0x9e: {  	_ =	swait.ge [sflag:s22], s20  }
0x9f: {  	s3 =	ssub.s32 $0x0, s20;
	[sflag:s22] =	ssyncset.done $0x0  }
0xa0: {  	[sflag:s22] =	ssyncadd.s32 s3;
	_ =	sdelay $0x1  }
0xa1: {  	s23 =	simm.s32 $0x1B8B  }
0xa2: {  	_ =	swait.ge [sflag:s23], $0x1  }
0xa3: {  	[sflag:s23] =	ssyncset.done $0x0  }
0xa4: {  	s25 =	simm.s32 $0x1B8E;
	s24 =	sld [smem:$0x3FFE];
	[sflag:s23] =	ssyncadd.s32 $0xFFFFFFFF  }
0xa5: {  	s26 =	simm.s32 $execute0_lowered;
	[smem:$0x3FD2] =	sst s25  }
0xa6: {  	s4 =	sshll.u32 s26, $0x1;
	_ =	strace $0x80000046;
	[dreg:$0x1] =	wrdreg $0xFFFFFFFF  }
0xa7: {  	s28 =	simm.s32 $_size_execute0_lowered;
	s2 =	sadd.s32 s2, s4;
	[dreg:$0x0] =	wrdreg $0x0  }
0xa8: {  	s4 =	sshll.u32 s28, $0x1;
	[dreg:$0x2] =	wrdreg s2  }
0xa9: {  	[dreg:$0x3] =	wrdreg s4  }
0xaa: {  	[dreg:$0x4] =	wrdreg $0xC0  }
0xab: {  	_ =	task [dreg:s6], $0x5FFFF  }
0xac: {  	[dreg:$0x1] =	wrdreg $0xFFFFFFFF  }
0xad: {  	[dreg:$0x0] =	wrdreg $0x60  }
0xae: {  	[dreg:$0x2] =	wrdreg s24  }
0xaf: {  	[dreg:$0x3] =	wrdreg $0x9  }
0xb0: {  	_ =	task.clear_ibuf [dreg:s6], $0x4FFFF;
	_ =	strace $0x90000046  }
0xb1: {  	s29 =	simm.s32 $0x9;
	_ =	strace $0x80000048  }
0xb2: {  	_ =	swait.ge [sflag:s29], $0x1  }
0xb3: {  	[sflag:s29] =	ssyncadd.s32 $0xFFFFFFFF  }
0xb4: {  	_ =	strace $0x90000048  }
0xb5: {  	_ =	sfence  }
0xb6: {  	s30 =	sld [smem:$0x0];
	_ =	sdelay $0x2  }
0xb7: {  	s31 =	sshll.u32 s1, $0xD;
	s1 =	sshrl.u32 s1, $0x2  }
0xb8: {  	s3 =	sand.u32 $0x4000, s31;
	s1 =	sadd.s32 s1, s30  }
0xb9: {  	s0 =	sor.u32 s3, s0;
	s1 =	sshll.u32 s1, $0x11  }
0xba: {  	s0 =	sor.u32 s1, s0  }
0xbb: {  	s0 =	sadd.s32 $0x8F2B, s0  }
0xbc: {  	[sflag:s0] =	ssyncadd.remote.s32 $0x1  }
0xbd: {  	_ =	sfence.sel $0xFFFF  }
0xbe: {  	[dreg:$0x0] =	wrdreg $0xFFFFFFFF;
	(pc) =	sbr.abs _section_cstart, $3  }
0xbf: {  	[dreg:$0x1] =	wrdreg $0xFFFFFFFF  }
0xc0: {  	_ =	task.clear_ibuf [dreg:s6], $0x2FFFF;
	_ =	strace $0x9FFFFFFF  }
0xc1: {  	(tm) =	ssettm $0x7FFFFFFF  }
tec
execute0_lowered:
.L_overlay_start_1:
0x0: {  	(tag) =	ssettag $0x1  }
0x1: {  	s0 =	srdreg.scid  }
0x2: {  	s4 =	rddreg [dreg:$0x0];
	s1 =	stileid.u32;
	s3 =	sand.u32 $0x1, s0  }
0x3: {  	s2 =	simm.s32 $0x0;
	s9 =	simm.s32 $0x7530;
	s5 =	sshll.u32 s3, $0x4  }
0x4: {  	s10 =	simm.s32 $0x9C40;
	s11 =	simm.s32 $0xC350;
	s5 =	sor.u32 s1, s5  }
0x5: {  	s0 =	rddreg [dreg:$0x1];
	s6 =	ssub.s32 $0x2, s3;
	s5 =	smul.u32 $0x4E2, s5  }
0x6: {  	s12 =	simm.s32 $0x0;
	[smem:$0x7FF] =	sst s2;
	s7 =	sshrl.u32 s6, $0x1  }
0x7: {  	_ =	strace $0x80000047;
	s7 =	ssub.s32 s6, s7;
	s8 =	sadd.s32 s5, s4  }
0x8: {  	s3 =	sadd.s32 $0x18A00, s4;
	s7 =	smax.u32 s7, $0x1;
	s4 =	sadd.s32 $0xEC00, s8  }
0x9: {  	s5 =	sadd.s32 $0x4E00, s8;
	s6 =	sadd.s32 $0x19A00, s8;
	s8 =	simm.s32 $0x1  }
.LBB2_1:
0xa: {  	[tilespmem:s2], [sflag:$0x1] =	stream.linear.gather [hbm4b:s3+s2], $0x7530, $0x38;
	[tilespmem:$0xEA60] =	vst v63  }
0xb: {  	_ =	swait.ge [sflag:s8], $0x7530  }
0xc: {  	[sflag:s8] =	ssyncset.done $0x0  }
0xd: {  	[sflag:s8] =	ssyncadd.s32 $0xFFFF8AD0  }
0xe: {  	[tilespmem:s9], [sflag:$0x1] =	stream.linear.gather [hbm4b:s4+s2], $0x2710, $0x38;
	[tilespmem:$0xEA60] =	vst v63  }
0xf: {  	_ =	swait.ge [sflag:s8], $0x2710  }
0x10: {  	[sflag:s8] =	ssyncset.done $0x0  }
0x11: {  	[sflag:s8] =	ssyncadd.s32 $0xFFFFD8F0  }
0x12: {  	[tilespmem:s10], [sflag:$0x1] =	stream.linear.gather [hbm4b:s5+s2], $0x2710, $0x38;
	[tilespmem:$0xEA60] =	vst v63  }
0x13: {  	_ =	swait.ge [sflag:s8], $0x2710  }
0x14: {  	[sflag:s8] =	ssyncset.done $0x0  }
0x15: {  	s13 =	simm.s32 $0x0;
	[sflag:s8] =	ssyncadd.s32 $0xFFFFD8F0  }
0x16: {  	v0 =	vld [tilespmem:s13+$0x7530]  }
0x17: {  	v1 =	vld [tilespmem:s13+$0x9C40];
	_ =	sdelay $0x4  }
0x18: {  	v2 =	vadd.s32 $0x2710, v0  }
0x19: {  	v3 =	vadd.s32 $0x2710, v1  }
0x1a: {  	v4 =	vadd.s32 $0x4E20, v0  }
0x1b: {  	v5 =	vld.idx.msk [tilespmem:v1+s2+$0x0], $0xffff;
	v1 =	vadd.s32 $0x4E20, v1  }
0x1c: {  	v6 =	vld.idx.msk [tilespmem:v0+s2+$0x0], $0xffff  }
0x1d: {  	v7 =	vld.idx.msk [tilespmem:v2+s2+$0x0], $0xffff  }
0x1e: {  	v8 =	vld.idx.msk [tilespmem:v3+s2+$0x0], $0xffff  }
0x1f: {  	v2 =	vld.idx.msk [tilespmem:v4+s2+$0x0], $0xffff  }
0x20: {  	v3 =	vld.idx.msk [tilespmem:v1+s2+$0x0], $0xffff;
	_ =	sdelay $0x1  }
0x21: {  	s14 =	simm.s32 $0x10  }
0x22: {  	v0 =	vld [tilespmem:s14+$0x7530];
	v4 =	vsub.f32 v6, v5;
	v5 =	vsub.f32 v7, v8  }
0x23: {  	s15 =	simm.s32 $0x80;
	v1 =	vld [tilespmem:s14+$0x9C40]  }
.LBB2_2:
0x24: {  	p0 =	sne.s32 s15, $0x9C00;
	v2 =	vsub.f32 v2, v3;
	v3 =	vmul.f32 v4, v4;
	v4 =	vmul.f32 v5, v5;
	_ =	sdelay $0x1  }
0x25: {  	v3 =	vadd.f32 v4, v3;
	v2 =	vmul.f32 v2, v2;
	_ =	sdelay $0x1  }
0x26: {  	v4 =	vadd.s32 $0x2710, v0;
	v2 =	vadd.f32 v2, v3  }
0x27: {  	v3 =	vadd.s32 $0x2710, v1  }
0x28: {  	v5 =	vadd.s32 $0x4E20, v0;
	[tilespmem:s13+$0xC350] =	vst v2;
	s13 =	smov.u32 s14  }
0x29: {  	v6 =	vld.idx.msk [tilespmem:v1+s2+$0x0], $0xffff;
	v1 =	vadd.s32 $0x4E20, v1  }
0x2a: {  	v7 =	vld.idx.msk [tilespmem:v0+s2+$0x0], $0xffff  }
0x2b: {  	v8 =	vld.idx.msk [tilespmem:v4+s2+$0x0], $0xffff  }
0x2c: {  	v9 =	vld.idx.msk [tilespmem:v3+s2+$0x0], $0xffff  }
0x2d: {  	v2 =	vld.idx.msk [tilespmem:v5+s2+$0x0], $0xffff  }
0x2e: {  	v3 =	vld.idx.msk [tilespmem:v1+s2+$0x0], $0xffff  }
.Ltmp0:
0x2f: {  	(pc) =	sbr.rel @p0 .LBB2_2-.Ltmp0, $4  }
0x30: {  	_ = 	snop  }
0x31: {  	s14 =	sshra.s32 s15, $0x2  }
0x32: {  	v4 =	vsub.f32 v7, v6;
	v5 =	vsub.f32 v8, v9;
	v0 =	vld [tilespmem:s14+$0x7530]  }
0x33: {  	s15 =	sadd.s32 $0x40, s15;
	v1 =	vld [tilespmem:s14+$0x9C40]  }
0x34: {  	_ = 	snop  }
0x35: {  	v2 =	vsub.f32 v2, v3;
	v56 =	vmul.f32 v4, v4;
	v57 =	vmul.f32 v5, v5;
	_ =	sdelay $0x1  }
0x36: {  	v3 =	vadd.f32 v57, v56;
	v2 =	vmul.f32 v2, v2;
	_ =	sdelay $0x1  }
0x37: {  	v58 =	vadd.s32 $0x2710, v0;
	v2 =	vadd.f32 v2, v3  }
0x38: {  	v59 =	vadd.s32 $0x2710, v1  }
0x39: {  	v60 =	vadd.s32 $0x4E20, v0;
	[tilespmem:s13+$0xC350] =	vst v2  }
0x3a: {  	v61 =	vadd.s32 $0x4E20, v1;
	v2 =	vld.idx.msk [tilespmem:v1+s2+$0x0], $0xffff  }
0x3b: {  	v62 =	vld.idx.msk [tilespmem:v0+s2+$0x0], $0xffff  }
0x3c: {  	v4 =	vld.idx.msk [tilespmem:v58+s2+$0x0], $0xffff  }
0x3d: {  	v3 =	vld.idx.msk [tilespmem:v59+s2+$0x0], $0xffff  }
0x3e: {  	v5 =	vld.idx.msk [tilespmem:v60+s2+$0x0], $0xffff  }
0x3f: {  	v1 =	vld.idx.msk [tilespmem:v61+s2+$0x0], $0xffff;
	_ =	sdelay $0x2  }
0x40: {  	v0 =	vsub.f32 v62, v2;
	v63 =	vsub.f32 v4, v3;
	_ =	sdelay $0x1  }
0x41: {  	v1 =	vsub.f32 v5, v1;
	v0 =	vmul.f32 v0, v0;
	v2 =	vmul.f32 v63, v63;
	_ =	sdelay $0x1  }
0x42: {  	v1 =	vmul.f32 v1, v1;
	v0 =	vadd.f32 v2, v0;
	_ =	sdelay $0x1  }
0x43: {  	s12 =	sadd.s32 $0x1, s12;
	v0 =	vadd.f32 v1, v0  }
0x44: {  	p0 =	sne.s32 s12, s7  }
.Ltmp1:
0x45: {  	[tilespmem:s14+$0xC350] =	vst v0;
	(pc) =	sbr.rel @p0 .LBB2_1-.Ltmp1, $4  }
0x46: {  	[hbm4b:s6+s2] =	stream.linear.scatter [tilespmem:s11], [sflag:$0x1], $0x2710, $0x38;
	[tilespmem:$0xEA60] =	vst v63  }
0x47: {  	_ =	swait.ge [sflag:s8], $0x2710  }
0x48: {  	[sflag:s8] =	ssyncset.done $0x0  }
0x49: {  	[sflag:s8] =	ssyncadd.s32 $0xFFFFD8F0  }
0x4a: {  	_ =	sfence.sel $0x180000  }
0x4b: {  	[bflag:$0x0] =	sbarrier.arrive $0xFFFF  }
0x4c: {  	p0 =	sne.s32 s1, $0x0;
	_ =	strace $0x90000047  }
0x4d: {  	s0 =	sadd.s32 @!p0 $0x100000, s0;
	[bflag:$0x2] =	sbarrier.arrive $0xFFFF  }
0x4e: {  	[sflag:s0] =	ssyncadd.tile.s32 @!p0 $0x1;
	_ =	shalt  }
.Lfunc_end2:
_tile_overlayer_lowered:
.L_overlay_start_2:
0x4f: {  	(tag) =	ssettag $0x2  }
0x50: {  	s0 =	rddreg [dreg:$0x0];
	s2 =	stileid.u32  }
0x51: {  	s1 =	rddreg [dreg:$0x1];
	p0 =	sne.s32 s2, $0x0  }
0x52: {  	s3 =	rddreg [dreg:$0x2];
	[bflag:$0x3] =	sbarrier.arrive $0xFFFF;
	s2 =	simm.s32 @!p0 $0x1C01  }
0x53: {  	[timem:s3], [sflag:s2] =	dma.local @!p0 [hbm:s0], s1  }
0x54: {  	s0 =	simm.s32 @!p0 $0x1  }
0x55: {  	_ =	swait.ge @!p0 [sflag:s0], s1  }
0x56: {  	s1 =	ssub.s32 @!p0 $0x0, s1;
	[sflag:s0] =	ssyncset.done @!p0 $0x0  }
0x57: {  	[sflag:s0] =	ssyncadd.s32 @!p0 s1  }
0x58: {  	[bflag:$0x3] =	sbarrier.arrive $0xFFFF  }
0x59: {  	_ =	shalt  }

// kernel: _run.14.cloned.1.call-start
scs
__scs_entry_jumppad:
0x0: {  	(pc) =	sbr.rel $0x88, $3  }
0x1: {  	(tag) =	ssettag $0x0;
	lr =	simm.s32 $0x1  }
0x2: {  	[smem:$0x3F84] =	sst lr;
	_ =	strace $0xD0000000  }
0x3: {  	_ = 	snop  }
0x4: {  	_ = 	snop  }
0x5: {  	_ = 	snop  }
0x6: {  	_ = 	snop  }
0x7: {  	_ = 	snop  }
__scs_overlays_trampoline_lowered:
0x8: {  	[smem:$0x3F93] =	sst s0  }
0x9: {  	[smem:$0x3F94] =	sst s1  }
0xa: {  	[smem:$0x3F95] =	sst s2  }
0xb: {  	[smem:$0x3F96] =	sst s3  }
0xc: {  	[smem:$0x3F97] =	sst s4  }
0xd: {  	[smem:$0x3F98] =	sst s5  }
0xe: {  	[smem:$0x3F99] =	sst s6  }
0xf: {  	[smem:$0x3F9A] =	sst s7  }
0x10: {  	[smem:$0x3F9B] =	sst s8  }
0x11: {  	[smem:$0x3F9C] =	sst s9;
	s0 =	simm.s32 @!p0 $0x0  }
0x12: {  	s1 =	sld [smem:$0x3F82];
	s0 =	simm.s32 @p0 $0x1  }
0x13: {  	[smem:$0x3F9D] =	sst s0;
	s0 =	simm.s32 @!p1 $0x0  }
0x14: {  	s2 =	sld [smem:$0x3F81];
	s0 =	simm.s32 @p1 $0x1  }
0x15: {  	[smem:$0x3F9E] =	sst s0;
	s0 =	simm.s32 @!p2 $0x0  }
0x16: {  	s3 =	sld [smem:$0x3FDB];
	s0 =	simm.s32 @p2 $0x1  }
0x17: {  	s4 =	simm.s32 $0x1BF5;
	[smem:$0x3FA0] =	sst s0  }
0x18: {  	s0 =	sld [smem:$0x3F83];
	_ =	swait.ge [sflag:s4], $0x0  }
0x19: {  	s7 =	sld [smem:$0x3F84]  }
0x1a: {  	s8 =	sadd.s32 $0xFFFFE003, lr  }
0x1b: {  	s9 =	sadd.s32 $0xFFFFFEF7, lr;
	s5 =	simm.s32 $0xFFFFFFFF;
	p2 =	slt.u32 s8, $0xFFFFF086  }
0x1c: {  	p1 =	slt.u32 s9, $0xF7A;
	s5 =	simm.s32 @!p2 $0x0  }
0x1d: {  	s5 =	simm.s32 @p1 $0x1;
	p0 =	seq.s32 s7, s2  }
0x1e: {  	s7 =	smul.u32 @!p0 $0xF7A, s2;
	p2 =	seq.s32 @!p0 s5, $0x0  }
0x1f: {  	s9 =	smul.u32 $0xF7A, s1;
	s8 =	simm.s32 @!p0 $0x1BF5;
	p2 =	por !p2, p0  }
0x20: {  	[sflag:s8] =	ssyncset.s32 @!p0 $0xFFFFF086;
	s6 =	sadd.s32 @!p0 s3, s7;
	s7 =	simm.s32 @!p0 $0x108  }
0x21: {  	s3 =	sadd.s32 s3, s9;
	s6 =	sadd.s32 @!p0 $0x88, s6;
	s7 =	simm.s32 @p2 $0x1082  }
0x22: {  	[simem:s7], [sflag:s8] =	dma.local @!p0 [hbm:s6], $0xF7A  }
0x23: {  	s9 =	sor.u32 $0xD0000000, s2;
	s6 =	simm.s32 $0x108;
	_ =	swait.ge @!p0 [sflag:s8], $0x0  }
0x24: {  	s3 =	sadd.s32 $0x88, s3;
	s6 =	simm.s32 @!p1 $0x1082;
	[sflag:s4] =	ssyncset.s32 $0xFFFFF086  }
0x25: {  	[simem:s6], [sflag:s4] =	dma.local [hbm:s3], $0xF7A  }
0x26: {  	[smem:$0x3F84] =	sst s1;
	(tag) =	ssettag s2;
	_ =	strace s9  }
0x27: {  	s1 =	sld [smem:$0x3F94]  }
0x28: {  	s2 =	sld [smem:$0x3F95]  }
0x29: {  	s4 =	sld [smem:$0x3F97]  }
0x2a: {  	p0 =	seq.s32 s5, $0x0;
	s5 =	sld [smem:$0x3F98]  }
0x2b: {  	s6 =	sld [smem:$0x3F99]  }
0x2c: {  	s7 =	sld [smem:$0x3F9A]  }
0x2d: {  	s3 =	simm.s32 $0x108;
	s8 =	sld [smem:$0x3F9B]  }
0x2e: {  	s3 =	simm.s32 @!p0 $0x1082;
	s9 =	sld [smem:$0x3F9C]  }
0x2f: {  	lr =	sadd.s32 s0, s3;
	s0 =	sld [smem:$0x3F93]  }
0x30: {  	s3 =	sld [smem:$0x3F96]  }
0x31: {  	[smem:$0x3F9F] =	sst s10  }
0x32: {  	s10 =	sld [smem:$0x3F9D];
	_ =	sdelay $0x3  }
0x33: {  	p0 =	seq.s32 s10, $0x1;
	s10 =	sld [smem:$0x3F9F];
	_ =	sdelay $0x3  }
0x34: {  	[smem:$0x3F9F] =	sst s10  }
0x35: {  	s10 =	sld [smem:$0x3F9E];
	_ =	sdelay $0x3  }
0x36: {  	p1 =	seq.s32 s10, $0x1;
	s10 =	sld [smem:$0x3F9F];
	_ =	sdelay $0x3  }
0x37: {  	[smem:$0x3F9F] =	sst s10  }
0x38: {  	s10 =	sld [smem:$0x3FA0]  }
0x39: {  	_ = 	snop;
	(pc) =	sbr.ind lr, $3  }
0x3a: {  	_ = 	snop  }
0x3b: {  	_ = 	snop  }
0x3c: {  	p2 =	seq.s32 s10, $0x1;
	s10 =	sld [smem:$0x3F9F]  }
0x3d: {  	_ =	shalt  }
0x3e: {  	_ =	shalt  }
0x3f: {  	_ =	shalt  }
0x40: {  	_ =	shalt  }
0x41: {  	_ =	shalt  }
0x42: {  	_ =	shalt  }
0x43: {  	_ =	shalt  }
0x44: {  	_ =	shalt  }
0x45: {  	_ =	shalt  }
0x46: {  	_ =	shalt  }
0x47: {  	_ =	shalt  }
0x48: {  	_ =	shalt  }
0x49: {  	_ =	shalt  }
0x4a: {  	_ =	shalt  }
0x4b: {  	_ =	shalt  }
0x4c: {  	_ =	shalt  }
0x4d: {  	_ =	shalt  }
0x4e: {  	_ =	shalt  }
0x4f: {  	_ =	shalt  }
0x50: {  	_ =	shalt  }
0x51: {  	_ =	shalt  }
0x52: {  	_ =	shalt  }
0x53: {  	_ =	shalt  }
0x54: {  	_ =	shalt  }
0x55: {  	_ =	shalt  }
0x56: {  	_ =	shalt  }
0x57: {  	_ =	shalt  }
0x58: {  	_ =	shalt  }
0x59: {  	_ =	shalt  }
0x5a: {  	_ =	shalt  }
0x5b: {  	_ =	shalt  }
0x5c: {  	_ =	shalt  }
0x5d: {  	_ =	shalt  }
0x5e: {  	_ =	shalt  }
0x5f: {  	_ =	shalt  }
0x60: {  	_ =	shalt  }
0x61: {  	_ =	shalt  }
0x62: {  	_ =	shalt  }
0x63: {  	_ =	shalt  }
0x64: {  	_ =	shalt  }
0x65: {  	_ =	shalt  }
0x66: {  	_ =	shalt  }
0x67: {  	_ =	shalt  }
0x68: {  	_ =	shalt  }
0x69: {  	_ =	shalt  }
0x6a: {  	_ =	shalt  }
0x6b: {  	_ =	shalt  }
0x6c: {  	_ =	shalt  }
0x6d: {  	_ =	shalt  }
0x6e: {  	_ =	shalt  }
0x6f: {  	_ =	shalt  }
0x70: {  	_ =	shalt  }
0x71: {  	_ =	shalt  }
0x72: {  	_ =	shalt  }
0x73: {  	_ =	shalt  }
0x74: {  	_ =	shalt  }
0x75: {  	_ =	shalt  }
0x76: {  	_ =	shalt  }
0x77: {  	_ =	shalt  }
0x78: {  	_ =	shalt  }
0x79: {  	_ =	shalt  }
0x7a: {  	_ =	shalt  }
0x7b: {  	_ =	shalt  }
0x7c: {  	_ =	shalt  }
0x7d: {  	_ =	shalt  }
0x7e: {  	_ =	shalt  }
0x7f: {  	_ =	shalt  }
0x80: {  	_ =	shalt  }
0x81: {  	_ =	shalt  }
0x82: {  	_ =	shalt  }
0x83: {  	_ =	shalt  }
0x84: {  	_ =	shalt  }
0x85: {  	_ =	shalt  }
0x86: {  	_ =	shalt  }
0x87: {  	_ =	shalt  }
.Lfunc_end0:
.L_simem_size_0:
called_computation.1_lowered:
.L_overlay_start_0:
0x88: {  	s2 =	sld [smem:$0x3FD9]  }
0x89: {  	s3 =	sld [smem:$0x3FFE];
	_ =	sdelay $0x1  }
0x8a: {  	s1 =	srdreg.scid  }
0x8b: {  	s0 =	sand.u32 $0x1, s1  }
0x8c: {  	s17 =	sshll.u32 s0, $0xA;
	s2 =	sadd.s32 s3, s2  }
0x8d: {  	s2 =	sadd.s32 s2, s17  }
0x8e: {  	[smem:$0x3FAB] =	sst s2  }
0x8f: {  	_ = 	snop  }
0x90: {  	s2 =	sld [smem:$0x3FD0];
	(tm) =	ssettm $0x1  }
0x91: {  	s18 =	sld [smem:$0x3FFB];
	_ =	sdelay $0x3  }
0x92: {  	_ =	strace s18  }
0x93: {  	s3 =	sld [smem:$0x3FFC];
	_ =	sdelay $0x3  }
0x94: {  	_ =	strace s3  }
0x95: {  	s3 =	sld [smem:$0x3FFD];
	_ =	sdelay $0x3  }
0x96: {  	_ =	strace s3  }
0x97: {  	_ =	strace $0x8FFFFFFF  }
0x98: {  	s19 =	sld [smem:$0x3FDB];
	_ =	sdelay $0x1  }
0x99: {  	s4 =	simm.s32 $_scs_section_size  }
0x9a: {  	s5 =	simm.s32 $_size__tile_overlayer_lowered;
	s6 =	simm.s32 $_tile_overlayer_lowered  }
0x9b: {  	s22 =	simm.s32 $0x1BFF;
	s21 =	sshll.u32 s6, $0x1;
	s3 =	sadd.s32 s4, s19  }
0x9c: {  	s7 =	simm.s32 $0x0;
	s20 =	sshll.u32 s5, $0x1;
	s5 =	sadd.s32 s21, s3  }
0x9d: {  	[timem:s7], [sflag:s22] =	dma.local [hbm:s5], s20  }
0x9e: {  	_ =	swait.ge [sflag:s22], s20  }
0x9f: {  	s4 =	ssub.s32 $0x0, s20;
	[sflag:s22] =	ssyncset.done $0x0  }
0xa0: {  	[sflag:s22] =	ssyncadd.s32 s4;
	_ =	sdelay $0x1  }
0xa1: {  	s23 =	simm.s32 $0x1B8B  }
0xa2: {  	_ =	swait.ge [sflag:s23], $0x1  }
0xa3: {  	[sflag:s23] =	ssyncset.done $0x0  }
0xa4: {  	s25 =	simm.s32 $0x1B8E;
	s24 =	sld [smem:$0x3FFE];
	[sflag:s23] =	ssyncadd.s32 $0xFFFFFFFF  }
0xa5: {  	s26 =	simm.s32 $execute0_lowered;
	[smem:$0x3FD2] =	sst s25  }
0xa6: {  	s5 =	sshll.u32 s26, $0x1;
	_ =	strace $0x80000049;
	[dreg:$0x1] =	wrdreg $0xFFFFFFFF  }
0xa7: {  	s28 =	simm.s32 $_size_execute0_lowered;
	s3 =	sadd.s32 s3, s5;
	[dreg:$0x0] =	wrdreg $0x0  }
0xa8: {  	s5 =	sshll.u32 s28, $0x1;
	[dreg:$0x2] =	wrdreg s3  }
0xa9: {  	[dreg:$0x3] =	wrdreg s5  }
0xaa: {  	[dreg:$0x4] =	wrdreg $0xC0  }
0xab: {  	_ =	task [dreg:s7], $0x5FFFF  }
0xac: {  	[dreg:$0x1] =	wrdreg $0xFFFFFFFF  }
0xad: {  	[dreg:$0x0] =	wrdreg $0x60  }
0xae: {  	[dreg:$0x2] =	wrdreg s24  }
0xaf: {  	[dreg:$0x3] =	wrdreg s2  }
0xb0: {  	[dreg:$0x4] =	wrdreg $0xD1000  }
0xb1: {  	[dreg:$0x5] =	wrdreg $0x9  }
0xb2: {  	_ =	task.clear_ibuf [dreg:s7], $0x6FFFF;
	_ =	strace $0x90000049  }
0xb3: {  	s29 =	simm.s32 $0x9;
	_ =	strace $0x8000004B  }
0xb4: {  	_ =	swait.ge [sflag:s29], $0x1  }
0xb5: {  	[sflag:s29] =	ssyncadd.s32 $0xFFFFFFFF  }
0xb6: {  	_ =	strace $0x9000004B  }
0xb7: {  	_ =	sfence  }
0xb8: {  	s30 =	sld [smem:$0x0];
	_ =	sdelay $0x2  }
0xb9: {  	s31 =	sshll.u32 s1, $0xD;
	s1 =	sshrl.u32 s1, $0x2  }
0xba: {  	s3 =	sand.u32 $0x4000, s31;
	s1 =	sadd.s32 s1, s30  }
0xbb: {  	s0 =	sor.u32 s3, s0;
	s1 =	sshll.u32 s1, $0x11  }
0xbc: {  	s0 =	sor.u32 s1, s0  }
0xbd: {  	s0 =	sadd.s32 $0x8F2B, s0  }
0xbe: {  	[sflag:s0] =	ssyncadd.remote.s32 $0x1  }
0xbf: {  	_ =	sfence.sel $0xFFFF  }
0xc0: {  	[dreg:$0x0] =	wrdreg $0xFFFFFFFF;
	(pc) =	sbr.abs _section_cstart, $3  }
0xc1: {  	[dreg:$0x1] =	wrdreg $0xFFFFFFFF  }
0xc2: {  	_ =	task.clear_ibuf [dreg:s7], $0x2FFFF;
	_ =	strace $0x9FFFFFFF  }
0xc3: {  	(tm) =	ssettm $0x7FFFFFFF  }
tec
execute0_lowered:
.L_overlay_start_1:
0x0: {  	(tag) =	ssettag $0x1  }
0x1: {  	s0 =	rddreg [dreg:$0x0]  }
0x2: {  	s1 =	rddreg [dreg:$0x1]  }
0x3: {  	s3 =	srdreg.scid;
	s11 =	stileid.u32  }
0x4: {  	s2 =	rddreg [dreg:$0x2];
	s6 =	simm.s32 $0x0;
	s29 =	smul.u32 $0xC800, s11  }
0x5: {  	s17 =	simm.s32 $0xA900;
	s18 =	simm.s32 $0x2;
	s8 =	smul.u32 $0x32000, s11  }
0x6: {  	s19 =	simm.s32 $0x1;
	s20 =	simm.s32 $0x80;
	s15 =	smul.u32 $0x13A000, s11  }
0x7: {  	s21 =	simm.s32 $0x100;
	s3 =	sand.u32 $0x1, s3;
	s11 =	smul.u32 $0x9D00, s11  }
0x8: {  	s22 =	simm.s32 $0x2100;
	s23 =	simm.s32 $0x6100;
	s4 =	smul.u32 $0x14000, s3  }
0x9: {  	s24 =	simm.s32 $0x8100;
	[smem:$0x7FF] =	sst s6;
	s5 =	smul.u32 $0x28000, s3  }
0xa: {  	s25 =	simm.s32 $0x0;
	_ =	strace $0x8000004A;
	s7 =	smul.u32 $0xC8000, s3  }
0xb: {  	s9 =	ssub.s32 $0x2, s3;
	s14 =	smul.u32 $0x13A0000, s3;
	s31 =	sshll.u32 s3, $0x1  }
0xc: {  	s3 =	sshllo.u32 s3, $0x1;
	s10 =	sshrl.u32 s9, $0x1;
	s8 =	sshrl.u32 s8, $0x2  }
0xd: {  	s6 =	sadd.s32 s29, s2;
	s4 =	sadd.s32 s4, s0;
	s13 =	sadd.s32 s5, s0  }
0xe: {  	s5 =	sadd.s32 $0xFCB000, s0;
	s7 =	sadd.s32 s29, s7;
	s16 =	ssub.s32 s9, s10  }
0xf: {  	s30 =	sadd.s32 s8, s2;
	s14 =	sadd.s32 s15, s14;
	s7 =	sshrl.u32 s7, $0x3  }
0x10: {  	s8 =	sadd.s32 $0x5000, s30;
	s9 =	sadd.s32 $0x7800, s30;
	s10 =	sadd.s32 $0xA000, s30  }
0x11: {  	v3 =	vlaneseq.u32;
	v1 =	vmov s31;
	v2 =	vmov s3;
	s12 =	sadd.s32 $0xEB000, s4;
	s13 =	sadd.s32 $0x73E00, s13;
	s0 =	sadd.s32 s7, s0  }
0x12: {  	v0 =	vimm.f32 $0.0e+00;
	vm0 =	veq.s32 v2, v3;
	vm1 =	veq.s32 v1, v3;
	s16 =	smax.u32 s16, $0x1;
	s7 =	sadd.s32 $0x2800, s30;
	s15 =	sadd.s32 $0x23E00, s0  }
.LBB2_1:
0x13: {  	s0 =	simm.s32 $0x0  }
0x14: {  	s0 =	smul.u32 $0xCCCD, s0;
	_ =	sdelay $0x1  }
0x15: {  	s3 =	sshrl.u32 s0, $0x12  }
0x16: {  	s4 =	simm.s32 $0x0;
	s0 =	simm.s32 $0x1;
	s26 =	smul.u32 $0x5, s3  }
.LBB2_2:
0x17: {  	s28 =	smul.u32 $0xCCCD, s0  }
0x18: {  	s29 =	smov.u32 s0;
	s3 =	smul.u32 $0x140, s3;
	p0 =	sne.s32 s0, $0x27F  }
.Ltmp0:
0x19: {  	s4 =	ssub.s32 s4, s26;
	(pc) =	sbr.rel @p0 .LBB2_2-.Ltmp0, $4  }
0x1a: {  	s0 =	sadd.s32 $0x1, s0;
	s4 =	sand.u32 $0xFFFF, s4  }
0x1b: {  	s26 =	sshrl.u32 s3, $0x2;
	s30 =	sshll.u32 s4, $0x4;
	s4 =	smov.u32 s29  }
0x1c: {  	s3 =	sshrl.u32 s28, $0x12;
	s28 =	sadd.s32 s30, s26  }
0x1d: {  	s26 =	smul.u32 $0x5, s3;
	[tilespmem:s28+$0xA900] =	vst v0  }
0x1e: {  	_ = 	snop  }
0x1f: {  	s3 =	smul.u32 $0x140, s3;
	s0 =	ssub.s32 s4, s26  }
0x20: {  	s0 =	sand.u32 $0xFFFF, s0  }
0x21: {  	s3 =	sshrl.u32 s3, $0x2;
	s0 =	sshll.u32 s0, $0x4  }
0x22: {  	s0 =	sadd.s32 s0, s3  }
0x23: {  	[tilespmem:s0+$0xA900] =	vst v0  }
0x24: {  	[spmem:s6] =	stream.linear.scatter [tilespmem:s17], [sflag:$0x2], $0x2800, $0x38;
	[tilespmem:$0x19900] =	vst v63  }
0x25: {  	_ =	swait.ge [sflag:s18], $0x2800  }
0x26: {  	[sflag:s18] =	ssyncset.done $0x0  }
0x27: {  	[sflag:s18] =	ssyncadd.s32 $0xFFFFD800  }
0x28: {  	[spmem:s7] =	stream.linear.scatter [tilespmem:s17], [sflag:$0x2], $0x2800, $0x38;
	[tilespmem:$0x19900] =	vst v63  }
0x29: {  	_ =	swait.ge [sflag:s18], $0x2800  }
0x2a: {  	[sflag:s18] =	ssyncset.done $0x0  }
0x2b: {  	[sflag:s18] =	ssyncadd.s32 $0xFFFFD800  }
0x2c: {  	[spmem:s8] =	stream.linear.scatter [tilespmem:s17], [sflag:$0x2], $0x2800, $0x38;
	[tilespmem:$0x19900] =	vst v63  }
0x2d: {  	_ =	swait.ge [sflag:s18], $0x2800  }
0x2e: {  	[sflag:s18] =	ssyncset.done $0x0  }
0x2f: {  	[sflag:s18] =	ssyncadd.s32 $0xFFFFD800  }
0x30: {  	[spmem:s9] =	stream.linear.scatter [tilespmem:s17], [sflag:$0x2], $0x2800, $0x38;
	[tilespmem:$0x19900] =	vst v63  }
0x31: {  	_ =	swait.ge [sflag:s18], $0x2800  }
0x32: {  	[sflag:s18] =	ssyncset.done $0x0  }
0x33: {  	[sflag:s18] =	ssyncadd.s32 $0xFFFFD800  }
0x34: {  	[spmem:s10] =	stream.linear.scatter [tilespmem:s17], [sflag:$0x2], $0x2800, $0x38;
	[tilespmem:$0x19900] =	vst v63  }
0x35: {  	_ =	swait.ge [sflag:s18], $0x2800  }
0x36: {  	[sflag:s18] =	ssyncset.done $0x0  }
0x37: {  	[sflag:s18] =	ssyncadd.s32 $0xFFFFD800  }
0x38: {  	s28 =	simm.s32 $0x0;
	s26 =	simm.s32 $0x0;
	[bflag:$0x0] =	sbarrier.arrive $0xFFFF  }
.LBB2_4:
0x39: {  	s0 =	sshll.u32 s28, $0x8  }
0x3a: {  	s0 =	sadd.s32 s11, s0  }
0x3b: {  	s0 =	sshrl.u32 s0, $0x3  }
0x3c: {  	s0 =	sadd.s32 s1, s0  }
0x3d: {  	[tilespmem:s26], [sflag:$0x1] =	stream.linear.gather [hbm4b:s0+s26], $0x100, $0x38;
	[tilespmem:$0x19900] =	vst v63  }
0x3e: {  	_ =	swait.ge [sflag:s19], $0x100  }
0x3f: {  	s3 =	sshll.u32 s28, $0xD;
	[sflag:s19] =	ssyncset.done $0x0  }
0x40: {  	s0 =	sadd.s32 s3, s14;
	[sflag:s19] =	ssyncadd.s32 $0xFFFFFF00  }
0x41: {  	[tilespmem:s21], [sflag:$0x1] =	stream.indirect.gather [hbm4b:s12+s20], $0x40, s20, s20, $0xb8;
	[tilespmem:$0x19900] =	vst v63  }
0x42: {  	s0 =	sshrl.u32 s0, $0x3  }
0x43: {  	[tilespmem:s22], [sflag:$0x1] =	stream.indirect.gather [hbm4b:s13+s20], $0x80, s26, s20, $0xb8;
	[tilespmem:$0x19900] =	vst v63  }
0x44: {  	s0 =	sadd.s32 s5, s0  }
0x45: {  	[tilespmem:s23], [sflag:$0x1] =	stream.linear.gather [hbm4b:s0+s26], $0x2000, $0x38;
	[tilespmem:$0x19900] =	vst v63  }
0x46: {  	_ =	swait.ge [sflag:s19], $0x2000  }
0x47: {  	[sflag:s19] =	ssyncset.done $0x0  }
0x48: {  	[sflag:s19] =	ssyncadd.s32 $0xFFFFE000  }
0x49: {  	_ =	swait.ge [sflag:s19], $0x4000  }
0x4a: {  	[sflag:s19] =	ssyncset.done $0x0  }
0x4b: {  	[sflag:s19] =	ssyncadd.s32 $0xFFFFC000  }
0x4c: {  	_ =	swait.ge [sflag:s19], $0x2000  }
0x4d: {  	[sflag:s19] =	ssyncset.done $0x0  }
0x4e: {  	s30 =	simm.s32 $0x2140;
	[sflag:s19] =	ssyncadd.s32 $0xFFFFE000  }
0x4f: {  	v5 =	vld [tilespmem:s30+$0xFFFFFFF0]  }
0x50: {  	s4 =	simm.s32 $0x0;
	v6 =	vld [tilespmem:s30+$0xFFFFFFE0]  }
0x51: {  	v1 =	vld [tilespmem:s4+$0x6110]  }
0x52: {  	v3 =	vld [tilespmem:s4+$0x6120]  }
0x53: {  	v4 =	vld [tilespmem:s4+$0x6130]  }
0x54: {  	v7 =	vld [tilespmem:s4+$0x120]  }
0x55: {  	v8 =	vld [tilespmem:s4+$0x130]  }
0x56: {  	v2 =	vld [tilespmem:s4+$0x6100]  }
0x57: {  	v9 =	vld [tilespmem:s30+$0xFFFFFFD0]  }
0x58: {  	v10 =	vld [tilespmem:s30+$0xFFFFFFC0];
	v6 =	vadd.f32 v3, v6;
	v5 =	vadd.f32 v4, v5  }
0x59: {  	v11 =	vld [tilespmem:s4+$0x110]  }
0x5a: {  	v12 =	vld [tilespmem:s4+$0x100];
	v6 =	vmul.f32 v6, v7;
	v5 =	vmul.f32 v5, v8;
	_ =	sdelay $0x1  }
0x5b: {  	v5 =	vadd.f32 v5, v6  }
0x5c: {  	v9 =	vadd.f32 v1, v9;
	v10 =	vadd.f32 v2, v10  }
0x5d: {  	(xrf2) =	vadd.scan.msk.f32 $0xffff, v5  }
0x5e: {  	v7 =	vmul.f32 v10, v12;
	v63 =	vmul.f32 v9, v11;
	_ =	sdelay $0x1  }
0x5f: {  	v6 =	vadd.f32 v63, v7  }
0x60: {  	s31 =	simm.s32 $0x2140  }
0x61: {  	s29 =	simm.s32 $0x8120;
	s0 =	simm.s32 $0x8120;
	s4 =	simm.s32 $0x100;
	(xrf2) =	vadd.scan.msk.f32 $0xffff, v6  }
.LBB2_5:
0x62: {  	_ =	sdelay $0x3  }
0x63: {  	p0 =	sne.s32 s4, $0x7F00;
	s0 =	sadd.s32 $0x50, s0;
	s30 =	sadd.s32 $0x80, s30;
	v5, _, _ =	vpop (xrf2)  }
0x64: {  	s3 =	smov.u32 s4;
	s4 =	sadd.s32 $0x100, s4;
	v5 =	vmul.f32 $1.767766920e-01, v5;
	_ =	sdelay $0x1  }
0x65: {  	v5 =	vmul.f32 $1.442695020e+00, v5;
	_ =	sdelay $0x1  }
0x66: {  	v5 =	vbroadcast v5, $0xF;
	v6, _, _ =	vpop (xrf2)  }
0x67: {  	v6 =	vmul.f32 $1.767766920e-01, v6  }
0x68: {  	(erf) = vpow2.f32 v5  }
0x69: {  	v5 =	vmul.f32 $1.442695020e+00, v6  }
0x6a: {  	v6 =	vld [tilespmem:s31+$0x30]  }
0x6b: {  	s3 =	sshra.s32 s3, $0x2;
	v7 =	vld [tilespmem:s31+$0x20];
	v5 =	vbroadcast v5, $0xF;
	_ =	sdelay $0x1  }
0x6c: {  	(erf) = vpow2.f32 v5;
	_ =	sdelay $0x1  }
0x6d: {  	v5 =	vld [tilespmem:s31+$0x10]  }
0x6e: {  	v4 =	vadd.f32 v4, v6;
	v8 =	vld [tilespmem:s31+$0x0];
	v3 =	vadd.f32 v3, v7;
	s31 =	smov.u32 s30  }
0x6f: {  	v6 =	vpop (erf)  }
0x70: {  	v3 =	vmul.f32 v6, v3;
	v4 =	vmul.f32 v6, v4;
	_ =	sdelay $0x1  }
0x71: {  	[tilespmem:s29+$0x0] =	vst v3  }
0x72: {  	v1 =	vadd.f32 v1, v5;
	v2 =	vadd.f32 v2, v8;
	[tilespmem:s29+$0x10] =	vst v4  }
0x73: {  	v3 =	vnsel vm0, $0x0, v6;
	v4 =	vpop (erf)  }
0x74: {  	v2 =	vmul.f32 v4, v2;
	v1 =	vmul.f32 v4, v1;
	v4 =	vnsel vm1, $0x0, v4  }
0x75: {  	v3 =	vadd.f32 v3, v4  }
0x76: {  	[tilespmem:s29+$0xFFFFFFE0] =	vst v2  }
0x77: {  	[tilespmem:s29+$0x20] =	vst v3  }
0x78: {  	[tilespmem:s29+$0xFFFFFFF0] =	vst v1;
	s29 =	smov.u32 s0  }
0x79: {  	v5 =	vld [tilespmem:s30+$0xFFFFFFF0]  }
0x7a: {  	v6 =	vld [tilespmem:s30+$0xFFFFFFE0]  }
0x7b: {  	v1 =	vld [tilespmem:s3+$0x6110]  }
0x7c: {  	v3 =	vld [tilespmem:s3+$0x6120]  }
0x7d: {  	v4 =	vld [tilespmem:s3+$0x6130]  }
0x7e: {  	v7 =	vld [tilespmem:s3+$0x120]  }
0x7f: {  	v8 =	vld [tilespmem:s3+$0x130]  }
0x80: {  	v2 =	vld [tilespmem:s3+$0x6100]  }
0x81: {  	v9 =	vld [tilespmem:s30+$0xFFFFFFD0];
	v6 =	vadd.f32 v3, v6  }
0x82: {  	v10 =	vld [tilespmem:s30+$0xFFFFFFC0];
	v5 =	vadd.f32 v4, v5  }
0x83: {  	v11 =	vld [tilespmem:s3+$0x110];
	v6 =	vmul.f32 v6, v7  }
0x84: {  	v7 =	vld [tilespmem:s3+$0x100];
	v5 =	vmul.f32 v5, v8;
	_ =	sdelay $0x1  }
0x85: {  	v8 =	vadd.f32 v1, v9;
	v5 =	vadd.f32 v5, v6  }
0x86: {  	v6 =	vadd.f32 v2, v10  }
0x87: {  	(xrf2) =	vadd.scan.msk.f32 $0xffff, v5  }
.Ltmp1:
0x88: {  	v5 =	vmul.f32 v6, v7;
	v6 =	vmul.f32 v8, v11;
	(pc) =	sbr.rel @p0 .LBB2_5-.Ltmp1, $3  }
0x89: {  	_ = 	snop  }
0x8a: {  	v5 =	vadd.f32 v6, v5;
	_ =	sdelay $0x1  }
0x8b: {  	(xrf2) =	vadd.scan.msk.f32 $0xffff, v5  }
0x8c: {  	_ =	sdelay $0x6  }
0x8d: {  	v5, _, _ =	vpop (xrf2)  }
0x8e: {  	v5 =	vmul.f32 $1.767766920e-01, v5  }
0x8f: {  	v6, _, _ =	vpop (xrf2)  }
0x90: {  	v5 =	vmul.f32 $1.442695020e+00, v5;
	v6 =	vmul.f32 $1.767766920e-01, v6;
	_ =	sdelay $0x1  }
0x91: {  	v5 =	vbroadcast v5, $0xF;
	v6 =	vmul.f32 $1.442695020e+00, v6;
	_ =	sdelay $0x1  }
0x92: {  	(erf) = vpow2.f32 v5;
	v58 =	vbroadcast v6, $0xF;
	_ =	sdelay $0x1  }
0x93: {  	(erf) = vpow2.f32 v58  }
0x94: {  	v59 =	vld [tilespmem:s31+$0x20]  }
0x95: {  	v60 =	vld [tilespmem:s31+$0x30]  }
0x96: {  	v7 =	vld [tilespmem:s31+$0x0]  }
0x97: {  	v8 =	vld [tilespmem:s31+$0x10];
	_ =	sdelay $0x1  }
0x98: {  	v3 =	vadd.f32 v3, v59  }
0x99: {  	v4 =	vadd.f32 v4, v60;
	v61 =	vpop (erf)  }
0x9a: {  	v2 =	vadd.f32 v2, v7;
	v3 =	vmul.f32 v61, v3  }
0x9b: {  	v1 =	vadd.f32 v1, v8;
	v4 =	vmul.f32 v61, v4;
	v62 =	vpop (erf)  }
0x9c: {  	[tilespmem:s29+$0x0] =	vst v3;
	v2 =	vmul.f32 v62, v2  }
0x9d: {  	v3 =	vnsel vm0, $0x0, v61;
	[tilespmem:s29+$0x10] =	vst v4;
	v63 =	vnsel vm1, $0x0, v62;
	v1 =	vmul.f32 v62, v1  }
0x9e: {  	s28 =	sadd.s32 $0x1, s28;
	v3 =	vadd.f32 v3, v63;
	[tilespmem:s29+$0xFFFFFFE0] =	vst v2  }
0x9f: {  	p0 =	sne.s32 s28, $0x9D;
	[tilespmem:s29+$0xFFFFFFF0] =	vst v1  }
.Ltmp2:
0xa0: {  	[tilespmem:s29+$0x20] =	vst v3;
	(pc) =	sbr.rel @p0 .LBB2_4-.Ltmp2, $4  }
0xa1: {  	[spmem:s2] =	stream.indirect.scatter.add.f32 [tilespmem:s24], [sflag:$0x1], $0x50, s20, s20, $0xb8;
	[tilespmem:$0x19900] =	vst v63  }
0xa2: {  	_ =	swait.ge [sflag:s19], $0x2800  }
0xa3: {  	[sflag:s19] =	ssyncset.done $0x0  }
0xa4: {  	[sflag:s19] =	ssyncadd.s32 $0xFFFFD800  }
0xa5: {  	s0 =	stileid.u32;
	s25 =	sadd.s32 $0x1, s25  }
0xa6: {  	[bflag:$0x0] =	sbarrier.arrive $0xFFFF;
	s0 =	sshll.u32 s0, $0x6;
	p0 =	sne.s32 s25, s16  }
.Ltmp3:
0xa7: {  	s3 =	sshrl.u32 s6, $0x3;
	s0 =	sor.u32 $0x1C02, s0;
	(pc) =	sbr.rel @p0 .LBB2_1-.Ltmp3, $4  }
0xa8: {  	[hbm:s15], [sflag:s0] =	dma.local [spmem:s3], $0x1900  }
0xa9: {  	_ =	swait.ge [sflag:s18], $0x1900  }
0xaa: {  	[sflag:s18] =	ssyncset.done $0x0  }
0xab: {  	[sflag:s18] =	ssyncadd.s32 $0xFFFFE700  }
0xac: {  	_ =	sfence.sel $0x180000  }
0xad: {  	[bflag:$0x0] =	sbarrier.arrive $0xFFFF  }
0xae: {  	_ =	strace $0x9000004A  }
0xaf: {  	s0 =	stileid.u32;
	[bflag:$0x2] =	sbarrier.arrive $0xFFFF  }
0xb0: {  	p0 =	sne.s32 s0, $0x0;
	s0 =	rddreg [dreg:$0x3]  }
0xb1: {  	s0 =	sadd.s32 @!p0 $0x100000, s0  }
0xb2: {  	[sflag:s0] =	ssyncadd.tile.s32 @!p0 $0x1;
	_ =	shalt  }
.Lfunc_end2:
_tile_overlayer_lowered:
.L_overlay_start_2:
0xb3: {  	(tag) =	ssettag $0x2  }
0xb4: {  	s0 =	rddreg [dreg:$0x0];
	s2 =	stileid.u32  }
0xb5: {  	s1 =	rddreg [dreg:$0x1];
	p0 =	sne.s32 s2, $0x0  }
0xb6: {  	s3 =	rddreg [dreg:$0x2];
	[bflag:$0x3] =	sbarrier.arrive $0xFFFF;
	s2 =	simm.s32 @!p0 $0x1C02  }
0xb7: {  	[timem:s3], [sflag:s2] =	dma.local @!p0 [hbm:s0], s1  }
0xb8: {  	s0 =	simm.s32 @!p0 $0x2  }
0xb9: {  	_ =	swait.ge @!p0 [sflag:s0], s1  }
0xba: {  	s1 =	ssub.s32 @!p0 $0x0, s1;
	[sflag:s0] =	ssyncset.done @!p0 $0x0  }
0xbb: {  	[sflag:s0] =	ssyncadd.s32 @!p0 s1  }
0xbc: {  	[bflag:$0x3] =	sbarrier.arrive $0xFFFF  }
0xbd: {  	_ =	shalt  }

// kernel: _run.17.cloned.1.call-start
scs
__scs_entry_jumppad:
0x0: {  	(pc) =	sbr.rel $0x88, $3  }
0x1: {  	(tag) =	ssettag $0x0;
	lr =	simm.s32 $0x1  }
0x2: {  	[smem:$0x3F84] =	sst lr;
	_ =	strace $0xD0000000  }
0x3: {  	_ = 	snop  }
0x4: {  	_ = 	snop  }
0x5: {  	_ = 	snop  }
0x6: {  	_ = 	snop  }
0x7: {  	_ = 	snop  }
__scs_overlays_trampoline_lowered:
0x8: {  	[smem:$0x3F93] =	sst s0  }
0x9: {  	[smem:$0x3F94] =	sst s1  }
0xa: {  	[smem:$0x3F95] =	sst s2  }
0xb: {  	[smem:$0x3F96] =	sst s3  }
0xc: {  	[smem:$0x3F97] =	sst s4  }
0xd: {  	[smem:$0x3F98] =	sst s5  }
0xe: {  	[smem:$0x3F99] =	sst s6  }
0xf: {  	[smem:$0x3F9A] =	sst s7  }
0x10: {  	[smem:$0x3F9B] =	sst s8  }
0x11: {  	[smem:$0x3F9C] =	sst s9;
	s0 =	simm.s32 @!p0 $0x0  }
0x12: {  	s1 =	sld [smem:$0x3F82];
	s0 =	simm.s32 @p0 $0x1  }
0x13: {  	[smem:$0x3F9D] =	sst s0;
	s0 =	simm.s32 @!p1 $0x0  }
0x14: {  	s2 =	sld [smem:$0x3F81];
	s0 =	simm.s32 @p1 $0x1  }
0x15: {  	[smem:$0x3F9E] =	sst s0;
	s0 =	simm.s32 @!p2 $0x0  }
0x16: {  	s3 =	sld [smem:$0x3FDB];
	s0 =	simm.s32 @p2 $0x1  }
0x17: {  	s4 =	simm.s32 $0x1BF5;
	[smem:$0x3FA0] =	sst s0  }
0x18: {  	s0 =	sld [smem:$0x3F83];
	_ =	swait.ge [sflag:s4], $0x0  }
0x19: {  	s7 =	sld [smem:$0x3F84]  }
0x1a: {  	s8 =	sadd.s32 $0xFFFFE003, lr  }
0x1b: {  	s9 =	sadd.s32 $0xFFFFFEF7, lr;
	s5 =	simm.s32 $0xFFFFFFFF;
	p2 =	slt.u32 s8, $0xFFFFF086  }
0x1c: {  	p1 =	slt.u32 s9, $0xF7A;
	s5 =	simm.s32 @!p2 $0x0  }
0x1d: {  	s5 =	simm.s32 @p1 $0x1;
	p0 =	seq.s32 s7, s2  }
0x1e: {  	s7 =	smul.u32 @!p0 $0xF7A, s2;
	p2 =	seq.s32 @!p0 s5, $0x0  }
0x1f: {  	s9 =	smul.u32 $0xF7A, s1;
	s8 =	simm.s32 @!p0 $0x1BF5;
	p2 =	por !p2, p0  }
0x20: {  	[sflag:s8] =	ssyncset.s32 @!p0 $0xFFFFF086;
	s6 =	sadd.s32 @!p0 s3, s7;
	s7 =	simm.s32 @!p0 $0x108  }
0x21: {  	s3 =	sadd.s32 s3, s9;
	s6 =	sadd.s32 @!p0 $0x88, s6;
	s7 =	simm.s32 @p2 $0x1082  }
0x22: {  	[simem:s7], [sflag:s8] =	dma.local @!p0 [hbm:s6], $0xF7A  }
0x23: {  	s9 =	sor.u32 $0xD0000000, s2;
	s6 =	simm.s32 $0x108;
	_ =	swait.ge @!p0 [sflag:s8], $0x0  }
0x24: {  	s3 =	sadd.s32 $0x88, s3;
	s6 =	simm.s32 @!p1 $0x1082;
	[sflag:s4] =	ssyncset.s32 $0xFFFFF086  }
0x25: {  	[simem:s6], [sflag:s4] =	dma.local [hbm:s3], $0xF7A  }
0x26: {  	[smem:$0x3F84] =	sst s1;
	(tag) =	ssettag s2;
	_ =	strace s9  }
0x27: {  	s1 =	sld [smem:$0x3F94]  }
0x28: {  	s2 =	sld [smem:$0x3F95]  }
0x29: {  	s4 =	sld [smem:$0x3F97]  }
0x2a: {  	p0 =	seq.s32 s5, $0x0;
	s5 =	sld [smem:$0x3F98]  }
0x2b: {  	s6 =	sld [smem:$0x3F99]  }
0x2c: {  	s7 =	sld [smem:$0x3F9A]  }
0x2d: {  	s3 =	simm.s32 $0x108;
	s8 =	sld [smem:$0x3F9B]  }
0x2e: {  	s3 =	simm.s32 @!p0 $0x1082;
	s9 =	sld [smem:$0x3F9C]  }
0x2f: {  	lr =	sadd.s32 s0, s3;
	s0 =	sld [smem:$0x3F93]  }
0x30: {  	s3 =	sld [smem:$0x3F96]  }
0x31: {  	[smem:$0x3F9F] =	sst s10  }
0x32: {  	s10 =	sld [smem:$0x3F9D];
	_ =	sdelay $0x3  }
0x33: {  	p0 =	seq.s32 s10, $0x1;
	s10 =	sld [smem:$0x3F9F];
	_ =	sdelay $0x3  }
0x34: {  	[smem:$0x3F9F] =	sst s10  }
0x35: {  	s10 =	sld [smem:$0x3F9E];
	_ =	sdelay $0x3  }
0x36: {  	p1 =	seq.s32 s10, $0x1;
	s10 =	sld [smem:$0x3F9F];
	_ =	sdelay $0x3  }
0x37: {  	[smem:$0x3F9F] =	sst s10  }
0x38: {  	s10 =	sld [smem:$0x3FA0]  }
0x39: {  	_ = 	snop;
	(pc) =	sbr.ind lr, $3  }
0x3a: {  	_ = 	snop  }
0x3b: {  	_ = 	snop  }
0x3c: {  	p2 =	seq.s32 s10, $0x1;
	s10 =	sld [smem:$0x3F9F]  }
0x3d: {  	_ =	shalt  }
0x3e: {  	_ =	shalt  }
0x3f: {  	_ =	shalt  }
0x40: {  	_ =	shalt  }
0x41: {  	_ =	shalt  }
0x42: {  	_ =	shalt  }
0x43: {  	_ =	shalt  }
0x44: {  	_ =	shalt  }
0x45: {  	_ =	shalt  }
0x46: {  	_ =	shalt  }
0x47: {  	_ =	shalt  }
0x48: {  	_ =	shalt  }
0x49: {  	_ =	shalt  }
0x4a: {  	_ =	shalt  }
0x4b: {  	_ =	shalt  }
0x4c: {  	_ =	shalt  }
0x4d: {  	_ =	shalt  }
0x4e: {  	_ =	shalt  }
0x4f: {  	_ =	shalt  }
0x50: {  	_ =	shalt  }
0x51: {  	_ =	shalt  }
0x52: {  	_ =	shalt  }
0x53: {  	_ =	shalt  }
0x54: {  	_ =	shalt  }
0x55: {  	_ =	shalt  }
0x56: {  	_ =	shalt  }
0x57: {  	_ =	shalt  }
0x58: {  	_ =	shalt  }
0x59: {  	_ =	shalt  }
0x5a: {  	_ =	shalt  }
0x5b: {  	_ =	shalt  }
0x5c: {  	_ =	shalt  }
0x5d: {  	_ =	shalt  }
0x5e: {  	_ =	shalt  }
0x5f: {  	_ =	shalt  }
0x60: {  	_ =	shalt  }
0x61: {  	_ =	shalt  }
0x62: {  	_ =	shalt  }
0x63: {  	_ =	shalt  }
0x64: {  	_ =	shalt  }
0x65: {  	_ =	shalt  }
0x66: {  	_ =	shalt  }
0x67: {  	_ =	shalt  }
0x68: {  	_ =	shalt  }
0x69: {  	_ =	shalt  }
0x6a: {  	_ =	shalt  }
0x6b: {  	_ =	shalt  }
0x6c: {  	_ =	shalt  }
0x6d: {  	_ =	shalt  }
0x6e: {  	_ =	shalt  }
0x6f: {  	_ =	shalt  }
0x70: {  	_ =	shalt  }
0x71: {  	_ =	shalt  }
0x72: {  	_ =	shalt  }
0x73: {  	_ =	shalt  }
0x74: {  	_ =	shalt  }
0x75: {  	_ =	shalt  }
0x76: {  	_ =	shalt  }
0x77: {  	_ =	shalt  }
0x78: {  	_ =	shalt  }
0x79: {  	_ =	shalt  }
0x7a: {  	_ =	shalt  }
0x7b: {  	_ =	shalt  }
0x7c: {  	_ =	shalt  }
0x7d: {  	_ =	shalt  }
0x7e: {  	_ =	shalt  }
0x7f: {  	_ =	shalt  }
0x80: {  	_ =	shalt  }
0x81: {  	_ =	shalt  }
0x82: {  	_ =	shalt  }
0x83: {  	_ =	shalt  }
0x84: {  	_ =	shalt  }
0x85: {  	_ =	shalt  }
0x86: {  	_ =	shalt  }
0x87: {  	_ =	shalt  }
.Lfunc_end0:
.L_simem_size_0:
called_computation.2_lowered:
.L_overlay_start_0:
0x88: {  	s2 =	sld [smem:$0x3FD9]  }
0x89: {  	s3 =	sld [smem:$0x3FFE];
	_ =	sdelay $0x1  }
0x8a: {  	s1 =	srdreg.scid  }
0x8b: {  	s0 =	sand.u32 $0x1, s1  }
0x8c: {  	s17 =	sshll.u32 s0, $0xA;
	s2 =	sadd.s32 s3, s2  }
0x8d: {  	s2 =	sadd.s32 s2, s17  }
0x8e: {  	[smem:$0x3FAB] =	sst s2  }
0x8f: {  	_ = 	snop  }
0x90: {  	s2 =	sld [smem:$0x3FD0];
	(tm) =	ssettm $0x1  }
0x91: {  	s18 =	sld [smem:$0x3FFB];
	_ =	sdelay $0x3  }
0x92: {  	_ =	strace s18  }
0x93: {  	s3 =	sld [smem:$0x3FFC];
	_ =	sdelay $0x3  }
0x94: {  	_ =	strace s3  }
0x95: {  	s3 =	sld [smem:$0x3FFD];
	_ =	sdelay $0x3  }
0x96: {  	_ =	strace s3  }
0x97: {  	_ =	strace $0x8FFFFFFF  }
0x98: {  	s19 =	sld [smem:$0x3FDB];
	_ =	sdelay $0x1  }
0x99: {  	s4 =	simm.s32 $_scs_section_size  }
0x9a: {  	s5 =	simm.s32 $_size__tile_overlayer_lowered;
	s6 =	simm.s32 $_tile_overlayer_lowered  }
0x9b: {  	s22 =	simm.s32 $0x1BFF;
	s21 =	sshll.u32 s6, $0x1;
	s3 =	sadd.s32 s4, s19  }
0x9c: {  	s7 =	simm.s32 $0x0;
	s20 =	sshll.u32 s5, $0x1;
	s5 =	sadd.s32 s21, s3  }
0x9d: {  	[timem:s7], [sflag:s22] =	dma.local [hbm:s5], s20  }
0x9e: {  	_ =	swait.ge [sflag:s22], s20  }
0x9f: {  	s4 =	ssub.s32 $0x0, s20;
	[sflag:s22] =	ssyncset.done $0x0  }
0xa0: {  	[sflag:s22] =	ssyncadd.s32 s4;
	_ =	sdelay $0x1  }
0xa1: {  	s23 =	simm.s32 $0x1B8B  }
0xa2: {  	_ =	swait.ge [sflag:s23], $0x1  }
0xa3: {  	[sflag:s23] =	ssyncset.done $0x0  }
0xa4: {  	s25 =	simm.s32 $0x1B8E;
	s24 =	sld [smem:$0x3FFE];
	[sflag:s23] =	ssyncadd.s32 $0xFFFFFFFF  }
0xa5: {  	s26 =	simm.s32 $execute0_lowered;
	[smem:$0x3FD2] =	sst s25  }
0xa6: {  	s5 =	sshll.u32 s26, $0x1;
	_ =	strace $0x8000004C;
	[dreg:$0x1] =	wrdreg $0xFFFFFFFF  }
0xa7: {  	s28 =	simm.s32 $_size_execute0_lowered;
	s3 =	sadd.s32 s3, s5;
	[dreg:$0x0] =	wrdreg $0x0  }
0xa8: {  	s5 =	sshll.u32 s28, $0x1;
	[dreg:$0x2] =	wrdreg s3  }
0xa9: {  	[dreg:$0x3] =	wrdreg s5  }
0xaa: {  	[dreg:$0x4] =	wrdreg $0xC0  }
0xab: {  	_ =	task [dreg:s7], $0x5FFFF  }
0xac: {  	[dreg:$0x1] =	wrdreg $0xFFFFFFFF  }
0xad: {  	[dreg:$0x0] =	wrdreg $0x60  }
0xae: {  	[dreg:$0x2] =	wrdreg s24  }
0xaf: {  	[dreg:$0x3] =	wrdreg s2  }
0xb0: {  	[dreg:$0x4] =	wrdreg $0xD1000  }
0xb1: {  	[dreg:$0x5] =	wrdreg $0x9  }
0xb2: {  	_ =	task.clear_ibuf [dreg:s7], $0x6FFFF;
	_ =	strace $0x9000004C  }
0xb3: {  	s29 =	simm.s32 $0x9;
	_ =	strace $0x8000004E  }
0xb4: {  	_ =	swait.ge [sflag:s29], $0x1  }
0xb5: {  	[sflag:s29] =	ssyncadd.s32 $0xFFFFFFFF  }
0xb6: {  	_ =	strace $0x9000004E  }
0xb7: {  	_ =	sfence  }
0xb8: {  	s30 =	sld [smem:$0x0];
	_ =	sdelay $0x2  }
0xb9: {  	s31 =	sshll.u32 s1, $0xD;
	s1 =	sshrl.u32 s1, $0x2  }
0xba: {  	s3 =	sand.u32 $0x4000, s31;
	s1 =	sadd.s32 s1, s30  }
0xbb: {  	s0 =	sor.u32 s3, s0;
	s1 =	sshll.u32 s1, $0x11  }
0xbc: {  	s0 =	sor.u32 s1, s0  }
0xbd: {  	s0 =	sadd.s32 $0x8F2B, s0  }
0xbe: {  	[sflag:s0] =	ssyncadd.remote.s32 $0x1  }
0xbf: {  	_ =	sfence.sel $0xFFFF  }
0xc0: {  	[dreg:$0x0] =	wrdreg $0xFFFFFFFF;
	(pc) =	sbr.abs _section_cstart, $3  }
0xc1: {  	[dreg:$0x1] =	wrdreg $0xFFFFFFFF  }
0xc2: {  	_ =	task.clear_ibuf [dreg:s7], $0x2FFFF;
	_ =	strace $0x9FFFFFFF  }
0xc3: {  	(tm) =	ssettm $0x7FFFFFFF  }
tec
execute0_lowered:
.L_overlay_start_1:
0x0: {  	(tag) =	ssettag $0x1  }
0x1: {  	s0 =	rddreg [dreg:$0x0]  }
0x2: {  	s1 =	rddreg [dreg:$0x1]  }
0x3: {  	s3 =	srdreg.scid;
	s11 =	stileid.u32  }
0x4: {  	s2 =	rddreg [dreg:$0x2];
	s6 =	simm.s32 $0x0;
	s29 =	smul.u32 $0xC800, s11  }
0x5: {  	s17 =	simm.s32 $0xA900;
	s18 =	simm.s32 $0x2;
	s8 =	smul.u32 $0x32000, s11  }
0x6: {  	s19 =	simm.s32 $0x1;
	s20 =	simm.s32 $0x80;
	s15 =	smul.u32 $0x13A000, s11  }
0x7: {  	s21 =	simm.s32 $0x100;
	s3 =	sand.u32 $0x1, s3;
	s11 =	smul.u32 $0x9D00, s11  }
0x8: {  	s22 =	simm.s32 $0x2100;
	s23 =	simm.s32 $0x6100;
	s4 =	smul.u32 $0x14000, s3  }
0x9: {  	s24 =	simm.s32 $0x8100;
	[smem:$0x7FF] =	sst s6;
	s5 =	smul.u32 $0x28000, s3  }
0xa: {  	s25 =	simm.s32 $0x0;
	_ =	strace $0x8000004D;
	s7 =	smul.u32 $0xC8000, s3  }
0xb: {  	s9 =	ssub.s32 $0x2, s3;
	s14 =	smul.u32 $0x13A0000, s3;
	s31 =	sshll.u32 s3, $0x1  }
0xc: {  	s3 =	sshllo.u32 s3, $0x1;
	s10 =	sshrl.u32 s9, $0x1;
	s8 =	sshrl.u32 s8, $0x2  }
0xd: {  	s6 =	sadd.s32 s29, s2;
	s4 =	sadd.s32 s4, s0;
	s13 =	sadd.s32 s5, s0  }
0xe: {  	s5 =	sadd.s32 $0x113000, s0;
	s7 =	sadd.s32 s29, s7;
	s16 =	ssub.s32 s9, s10  }
0xf: {  	s30 =	sadd.s32 s8, s2;
	s14 =	sadd.s32 s15, s14;
	s7 =	sshrl.u32 s7, $0x3  }
0x10: {  	s8 =	sadd.s32 $0x5000, s30;
	s9 =	sadd.s32 $0x7800, s30;
	s10 =	sadd.s32 $0xA000, s30  }
0x11: {  	v3 =	vlaneseq.u32;
	v1 =	vmov s31;
	v2 =	vmov s3;
	s12 =	sadd.s32 $0x4B000, s4;
	s13 =	sadd.s32 $0xA5E00, s13;
	s0 =	sadd.s32 s7, s0  }
0x12: {  	v0 =	vimm.f32 $0.0e+00;
	vm0 =	veq.s32 v2, v3;
	vm1 =	veq.s32 v1, v3;
	s16 =	smax.u32 s16, $0x1;
	s7 =	sadd.s32 $0x2800, s30;
	s15 =	sadd.s32 $0x73000, s0  }
.LBB2_1:
0x13: {  	s0 =	simm.s32 $0x0  }
0x14: {  	s0 =	smul.u32 $0xCCCD, s0;
	_ =	sdelay $0x1  }
0x15: {  	s3 =	sshrl.u32 s0, $0x12  }
0x16: {  	s4 =	simm.s32 $0x0;
	s0 =	simm.s32 $0x1;
	s26 =	smul.u32 $0x5, s3  }
.LBB2_2:
0x17: {  	s28 =	smul.u32 $0xCCCD, s0  }
0x18: {  	s29 =	smov.u32 s0;
	s3 =	smul.u32 $0x140, s3;
	p0 =	sne.s32 s0, $0x27F  }
.Ltmp0:
0x19: {  	s4 =	ssub.s32 s4, s26;
	(pc) =	sbr.rel @p0 .LBB2_2-.Ltmp0, $4  }
0x1a: {  	s0 =	sadd.s32 $0x1, s0;
	s4 =	sand.u32 $0xFFFF, s4  }
0x1b: {  	s26 =	sshrl.u32 s3, $0x2;
	s30 =	sshll.u32 s4, $0x4;
	s4 =	smov.u32 s29  }
0x1c: {  	s3 =	sshrl.u32 s28, $0x12;
	s28 =	sadd.s32 s30, s26  }
0x1d: {  	s26 =	smul.u32 $0x5, s3;
	[tilespmem:s28+$0xA900] =	vst v0  }
0x1e: {  	_ = 	snop  }
0x1f: {  	s3 =	smul.u32 $0x140, s3;
	s0 =	ssub.s32 s4, s26  }
0x20: {  	s0 =	sand.u32 $0xFFFF, s0  }
0x21: {  	s3 =	sshrl.u32 s3, $0x2;
	s0 =	sshll.u32 s0, $0x4  }
0x22: {  	s0 =	sadd.s32 s0, s3  }
0x23: {  	[tilespmem:s0+$0xA900] =	vst v0  }
0x24: {  	[spmem:s6] =	stream.linear.scatter [tilespmem:s17], [sflag:$0x2], $0x2800, $0x38;
	[tilespmem:$0x19900] =	vst v63  }
0x25: {  	_ =	swait.ge [sflag:s18], $0x2800  }
0x26: {  	[sflag:s18] =	ssyncset.done $0x0  }
0x27: {  	[sflag:s18] =	ssyncadd.s32 $0xFFFFD800  }
0x28: {  	[spmem:s7] =	stream.linear.scatter [tilespmem:s17], [sflag:$0x2], $0x2800, $0x38;
	[tilespmem:$0x19900] =	vst v63  }
0x29: {  	_ =	swait.ge [sflag:s18], $0x2800  }
0x2a: {  	[sflag:s18] =	ssyncset.done $0x0  }
0x2b: {  	[sflag:s18] =	ssyncadd.s32 $0xFFFFD800  }
0x2c: {  	[spmem:s8] =	stream.linear.scatter [tilespmem:s17], [sflag:$0x2], $0x2800, $0x38;
	[tilespmem:$0x19900] =	vst v63  }
0x2d: {  	_ =	swait.ge [sflag:s18], $0x2800  }
0x2e: {  	[sflag:s18] =	ssyncset.done $0x0  }
0x2f: {  	[sflag:s18] =	ssyncadd.s32 $0xFFFFD800  }
0x30: {  	[spmem:s9] =	stream.linear.scatter [tilespmem:s17], [sflag:$0x2], $0x2800, $0x38;
	[tilespmem:$0x19900] =	vst v63  }
0x31: {  	_ =	swait.ge [sflag:s18], $0x2800  }
0x32: {  	[sflag:s18] =	ssyncset.done $0x0  }
0x33: {  	[sflag:s18] =	ssyncadd.s32 $0xFFFFD800  }
0x34: {  	[spmem:s10] =	stream.linear.scatter [tilespmem:s17], [sflag:$0x2], $0x2800, $0x38;
	[tilespmem:$0x19900] =	vst v63  }
0x35: {  	_ =	swait.ge [sflag:s18], $0x2800  }
0x36: {  	[sflag:s18] =	ssyncset.done $0x0  }
0x37: {  	[sflag:s18] =	ssyncadd.s32 $0xFFFFD800  }
0x38: {  	s28 =	simm.s32 $0x0;
	s26 =	simm.s32 $0x0;
	[bflag:$0x0] =	sbarrier.arrive $0xFFFF  }
.LBB2_4:
0x39: {  	s0 =	sshll.u32 s28, $0x8  }
0x3a: {  	s0 =	sadd.s32 s11, s0  }
0x3b: {  	s0 =	sshrl.u32 s0, $0x3  }
0x3c: {  	s0 =	sadd.s32 s1, s0  }
0x3d: {  	[tilespmem:s26], [sflag:$0x1] =	stream.linear.gather [hbm4b:s0+s26], $0x100, $0x38;
	[tilespmem:$0x19900] =	vst v63  }
0x3e: {  	_ =	swait.ge [sflag:s19], $0x100  }
0x3f: {  	s3 =	sshll.u32 s28, $0xD;
	[sflag:s19] =	ssyncset.done $0x0  }
0x40: {  	s0 =	sadd.s32 s3, s14;
	[sflag:s19] =	ssyncadd.s32 $0xFFFFFF00  }
0x41: {  	[tilespmem:s21], [sflag:$0x1] =	stream.indirect.gather [hbm4b:s12+s20], $0x40, s20, s20, $0xb8;
	[tilespmem:$0x19900] =	vst v63  }
0x42: {  	s0 =	sshrl.u32 s0, $0x3  }
0x43: {  	[tilespmem:s22], [sflag:$0x1] =	stream.indirect.gather [hbm4b:s13+s20], $0x80, s26, s20, $0xb8;
	[tilespmem:$0x19900] =	vst v63  }
0x44: {  	s0 =	sadd.s32 s5, s0  }
0x45: {  	[tilespmem:s23], [sflag:$0x1] =	stream.linear.gather [hbm4b:s0+s26], $0x2000, $0x38;
	[tilespmem:$0x19900] =	vst v63  }
0x46: {  	_ =	swait.ge [sflag:s19], $0x2000  }
0x47: {  	[sflag:s19] =	ssyncset.done $0x0  }
0x48: {  	[sflag:s19] =	ssyncadd.s32 $0xFFFFE000  }
0x49: {  	_ =	swait.ge [sflag:s19], $0x4000  }
0x4a: {  	[sflag:s19] =	ssyncset.done $0x0  }
0x4b: {  	[sflag:s19] =	ssyncadd.s32 $0xFFFFC000  }
0x4c: {  	_ =	swait.ge [sflag:s19], $0x2000  }
0x4d: {  	[sflag:s19] =	ssyncset.done $0x0  }
0x4e: {  	s30 =	simm.s32 $0x2140;
	[sflag:s19] =	ssyncadd.s32 $0xFFFFE000  }
0x4f: {  	v5 =	vld [tilespmem:s30+$0xFFFFFFF0]  }
0x50: {  	s4 =	simm.s32 $0x0;
	v6 =	vld [tilespmem:s30+$0xFFFFFFE0]  }
0x51: {  	v1 =	vld [tilespmem:s4+$0x6110]  }
0x52: {  	v3 =	vld [tilespmem:s4+$0x6120]  }
0x53: {  	v4 =	vld [tilespmem:s4+$0x6130]  }
0x54: {  	v7 =	vld [tilespmem:s4+$0x120]  }
0x55: {  	v8 =	vld [tilespmem:s4+$0x130]  }
0x56: {  	v2 =	vld [tilespmem:s4+$0x6100]  }
0x57: {  	v9 =	vld [tilespmem:s30+$0xFFFFFFD0]  }
0x58: {  	v10 =	vld [tilespmem:s30+$0xFFFFFFC0];
	v6 =	vadd.f32 v3, v6;
	v5 =	vadd.f32 v4, v5  }
0x59: {  	v11 =	vld [tilespmem:s4+$0x110]  }
0x5a: {  	v12 =	vld [tilespmem:s4+$0x100];
	v6 =	vmul.f32 v6, v7;
	v5 =	vmul.f32 v5, v8;
	_ =	sdelay $0x1  }
0x5b: {  	v5 =	vadd.f32 v5, v6  }
0x5c: {  	v9 =	vadd.f32 v1, v9;
	v10 =	vadd.f32 v2, v10  }
0x5d: {  	(xrf2) =	vadd.scan.msk.f32 $0xffff, v5  }
0x5e: {  	v7 =	vmul.f32 v10, v12;
	v63 =	vmul.f32 v9, v11;
	_ =	sdelay $0x1  }
0x5f: {  	v6 =	vadd.f32 v63, v7  }
0x60: {  	s31 =	simm.s32 $0x2140  }
0x61: {  	s29 =	simm.s32 $0x8120;
	s0 =	simm.s32 $0x8120;
	s4 =	simm.s32 $0x100;
	(xrf2) =	vadd.scan.msk.f32 $0xffff, v6  }
.LBB2_5:
0x62: {  	_ =	sdelay $0x3  }
0x63: {  	p0 =	sne.s32 s4, $0x7F00;
	s0 =	sadd.s32 $0x50, s0;
	s30 =	sadd.s32 $0x80, s30;
	v5, _, _ =	vpop (xrf2)  }
0x64: {  	s3 =	smov.u32 s4;
	s4 =	sadd.s32 $0x100, s4;
	v5 =	vmul.f32 $1.767766920e-01, v5;
	_ =	sdelay $0x1  }
0x65: {  	v5 =	vmul.f32 $1.442695020e+00, v5;
	_ =	sdelay $0x1  }
0x66: {  	v5 =	vbroadcast v5, $0xF;
	v6, _, _ =	vpop (xrf2)  }
0x67: {  	v6 =	vmul.f32 $1.767766920e-01, v6  }
0x68: {  	(erf) = vpow2.f32 v5  }
0x69: {  	v5 =	vmul.f32 $1.442695020e+00, v6  }
0x6a: {  	v6 =	vld [tilespmem:s31+$0x30]  }
0x6b: {  	s3 =	sshra.s32 s3, $0x2;
	v7 =	vld [tilespmem:s31+$0x20];
	v5 =	vbroadcast v5, $0xF;
	_ =	sdelay $0x1  }
0x6c: {  	(erf) = vpow2.f32 v5;
	_ =	sdelay $0x1  }
0x6d: {  	v5 =	vld [tilespmem:s31+$0x10]  }
0x6e: {  	v4 =	vadd.f32 v4, v6;
	v8 =	vld [tilespmem:s31+$0x0];
	v3 =	vadd.f32 v3, v7;
	s31 =	smov.u32 s30  }
0x6f: {  	v6 =	vpop (erf)  }
0x70: {  	v3 =	vmul.f32 v6, v3;
	v4 =	vmul.f32 v6, v4;
	_ =	sdelay $0x1  }
0x71: {  	[tilespmem:s29+$0x0] =	vst v3  }
0x72: {  	v1 =	vadd.f32 v1, v5;
	v2 =	vadd.f32 v2, v8;
	[tilespmem:s29+$0x10] =	vst v4  }
0x73: {  	v3 =	vnsel vm0, $0x0, v6;
	v4 =	vpop (erf)  }
0x74: {  	v2 =	vmul.f32 v4, v2;
	v1 =	vmul.f32 v4, v1;
	v4 =	vnsel vm1, $0x0, v4  }
0x75: {  	v3 =	vadd.f32 v3, v4  }
0x76: {  	[tilespmem:s29+$0xFFFFFFE0] =	vst v2  }
0x77: {  	[tilespmem:s29+$0x20] =	vst v3  }
0x78: {  	[tilespmem:s29+$0xFFFFFFF0] =	vst v1;
	s29 =	smov.u32 s0  }
0x79: {  	v5 =	vld [tilespmem:s30+$0xFFFFFFF0]  }
0x7a: {  	v6 =	vld [tilespmem:s30+$0xFFFFFFE0]  }
0x7b: {  	v1 =	vld [tilespmem:s3+$0x6110]  }
0x7c: {  	v3 =	vld [tilespmem:s3+$0x6120]  }
0x7d: {  	v4 =	vld [tilespmem:s3+$0x6130]  }
0x7e: {  	v7 =	vld [tilespmem:s3+$0x120]  }
0x7f: {  	v8 =	vld [tilespmem:s3+$0x130]  }
0x80: {  	v2 =	vld [tilespmem:s3+$0x6100]  }
0x81: {  	v9 =	vld [tilespmem:s30+$0xFFFFFFD0];
	v6 =	vadd.f32 v3, v6  }
0x82: {  	v10 =	vld [tilespmem:s30+$0xFFFFFFC0];
	v5 =	vadd.f32 v4, v5  }
0x83: {  	v11 =	vld [tilespmem:s3+$0x110];
	v6 =	vmul.f32 v6, v7  }
0x84: {  	v7 =	vld [tilespmem:s3+$0x100];
	v5 =	vmul.f32 v5, v8;
	_ =	sdelay $0x1  }
0x85: {  	v8 =	vadd.f32 v1, v9;
	v5 =	vadd.f32 v5, v6  }
0x86: {  	v6 =	vadd.f32 v2, v10  }
0x87: {  	(xrf2) =	vadd.scan.msk.f32 $0xffff, v5  }
.Ltmp1:
0x88: {  	v5 =	vmul.f32 v6, v7;
	v6 =	vmul.f32 v8, v11;
	(pc) =	sbr.rel @p0 .LBB2_5-.Ltmp1, $3  }
0x89: {  	_ = 	snop  }
0x8a: {  	v5 =	vadd.f32 v6, v5;
	_ =	sdelay $0x1  }
0x8b: {  	(xrf2) =	vadd.scan.msk.f32 $0xffff, v5  }
0x8c: {  	_ =	sdelay $0x6  }
0x8d: {  	v5, _, _ =	vpop (xrf2)  }
0x8e: {  	v5 =	vmul.f32 $1.767766920e-01, v5  }
0x8f: {  	v6, _, _ =	vpop (xrf2)  }
0x90: {  	v5 =	vmul.f32 $1.442695020e+00, v5;
	v6 =	vmul.f32 $1.767766920e-01, v6;
	_ =	sdelay $0x1  }
0x91: {  	v5 =	vbroadcast v5, $0xF;
	v6 =	vmul.f32 $1.442695020e+00, v6;
	_ =	sdelay $0x1  }
0x92: {  	(erf) = vpow2.f32 v5;
	v58 =	vbroadcast v6, $0xF;
	_ =	sdelay $0x1  }
0x93: {  	(erf) = vpow2.f32 v58  }
0x94: {  	v59 =	vld [tilespmem:s31+$0x20]  }
0x95: {  	v60 =	vld [tilespmem:s31+$0x30]  }
0x96: {  	v7 =	vld [tilespmem:s31+$0x0]  }
0x97: {  	v8 =	vld [tilespmem:s31+$0x10];
	_ =	sdelay $0x1  }
0x98: {  	v3 =	vadd.f32 v3, v59  }
0x99: {  	v4 =	vadd.f32 v4, v60;
	v61 =	vpop (erf)  }
0x9a: {  	v2 =	vadd.f32 v2, v7;
	v3 =	vmul.f32 v61, v3  }
0x9b: {  	v1 =	vadd.f32 v1, v8;
	v4 =	vmul.f32 v61, v4;
	v62 =	vpop (erf)  }
0x9c: {  	[tilespmem:s29+$0x0] =	vst v3;
	v2 =	vmul.f32 v62, v2  }
0x9d: {  	v3 =	vnsel vm0, $0x0, v61;
	[tilespmem:s29+$0x10] =	vst v4;
	v63 =	vnsel vm1, $0x0, v62;
	v1 =	vmul.f32 v62, v1  }
0x9e: {  	s28 =	sadd.s32 $0x1, s28;
	v3 =	vadd.f32 v3, v63;
	[tilespmem:s29+$0xFFFFFFE0] =	vst v2  }
0x9f: {  	p0 =	sne.s32 s28, $0x9D;
	[tilespmem:s29+$0xFFFFFFF0] =	vst v1  }
.Ltmp2:
0xa0: {  	[tilespmem:s29+$0x20] =	vst v3;
	(pc) =	sbr.rel @p0 .LBB2_4-.Ltmp2, $4  }
0xa1: {  	[spmem:s2] =	stream.indirect.scatter.add.f32 [tilespmem:s24], [sflag:$0x1], $0x50, s20, s20, $0xb8;
	[tilespmem:$0x19900] =	vst v63  }
0xa2: {  	_ =	swait.ge [sflag:s19], $0x2800  }
0xa3: {  	[sflag:s19] =	ssyncset.done $0x0  }
0xa4: {  	[sflag:s19] =	ssyncadd.s32 $0xFFFFD800  }
0xa5: {  	s0 =	stileid.u32;
	s25 =	sadd.s32 $0x1, s25  }
0xa6: {  	[bflag:$0x0] =	sbarrier.arrive $0xFFFF;
	s0 =	sshll.u32 s0, $0x6;
	p0 =	sne.s32 s25, s16  }
.Ltmp3:
0xa7: {  	s3 =	sshrl.u32 s6, $0x3;
	s0 =	sor.u32 $0x1C02, s0;
	(pc) =	sbr.rel @p0 .LBB2_1-.Ltmp3, $4  }
0xa8: {  	[hbm:s15], [sflag:s0] =	dma.local [spmem:s3], $0x1900  }
0xa9: {  	_ =	swait.ge [sflag:s18], $0x1900  }
0xaa: {  	[sflag:s18] =	ssyncset.done $0x0  }
0xab: {  	[sflag:s18] =	ssyncadd.s32 $0xFFFFE700  }
0xac: {  	_ =	sfence.sel $0x180000  }
0xad: {  	[bflag:$0x0] =	sbarrier.arrive $0xFFFF  }
0xae: {  	_ =	strace $0x9000004D  }
0xaf: {  	s0 =	stileid.u32;
	[bflag:$0x2] =	sbarrier.arrive $0xFFFF  }
0xb0: {  	p0 =	sne.s32 s0, $0x0;
	s0 =	rddreg [dreg:$0x3]  }
0xb1: {  	s0 =	sadd.s32 @!p0 $0x100000, s0  }
0xb2: {  	[sflag:s0] =	ssyncadd.tile.s32 @!p0 $0x1;
	_ =	shalt  }
.Lfunc_end2:
_tile_overlayer_lowered:
.L_overlay_start_2:
0xb3: {  	(tag) =	ssettag $0x2  }
0xb4: {  	s0 =	rddreg [dreg:$0x0];
	s2 =	stileid.u32  }
0xb5: {  	s1 =	rddreg [dreg:$0x1];
	p0 =	sne.s32 s2, $0x0  }
0xb6: {  	s3 =	rddreg [dreg:$0x2];
	[bflag:$0x3] =	sbarrier.arrive $0xFFFF;
	s2 =	simm.s32 @!p0 $0x1C02  }
0xb7: {  	[timem:s3], [sflag:s2] =	dma.local @!p0 [hbm:s0], s1  }
0xb8: {  	s0 =	simm.s32 @!p0 $0x2  }
0xb9: {  	_ =	swait.ge @!p0 [sflag:s0], s1  }
0xba: {  	s1 =	ssub.s32 @!p0 $0x0, s1;
	[sflag:s0] =	ssyncset.done @!p0 $0x0  }
0xbb: {  	[sflag:s0] =	ssyncadd.s32 @!p0 s1  }
0xbc: {  	[bflag:$0x3] =	sbarrier.arrive $0xFFFF  }
0xbd: {  	_ =	shalt  }

</sc_bundles>
